<compile_context>
chip_gen: v7x
topology: tpu7x:2x2x1
jax: 0.10.2.dev20260603
libtpu: 0.0.44.dev20260713+nightly
codegen_flags: <defaults>
</compile_context>

<pallas_src>
import functools

import jax
import jax.numpy as jnp
from jax import lax
from jax.experimental import pallas as pl
from jax.experimental.pallas import tpu as pltpu
from jax.experimental.pallas import tpu_sc as plsc


def _make_sc_gather(S0, S1, V, D):
    info = plsc.get_sparse_core_info()
    NC, NS = info.num_cores, info.num_subcores
    NW = NC * NS
    assert S0 % (NW * 128) == 0
    BW = S0 // NW
    TR = D // 8
    TC_ = S0 // 128
    NBUF = 4

    mesh = plsc.VectorSubcoreMesh(core_axis_name="c", subcore_axis_name="s")

    @functools.partial(
        pl.kernel,
        mesh=mesh,
        out_type=jax.ShapeDtypeStruct((S1, TR, TC_, 8, 128), jnp.float32),
        compiler_params=pltpu.CompilerParams(
            use_tc_tiling_on_sc=False, needs_layout_passes=False
        ),
        scratch_types=[
            pltpu.VMEM((S1, BW), jnp.int32),
            pltpu.VMEM((NBUF, BW, D), jnp.float32),
            pltpu.VMEM((NBUF, TR, 8, 137), jnp.float32),
        ]
        + [pltpu.SemaphoreType.DMA] * (2 * NBUF),
    )
    def k(xt_hbm, table_hbm, out_hbm, idx_v, rows_v, outt_v, *sems):
        gsem = sems[:NBUF]
        wsem = sems[NBUF:]
        wid = lax.axis_index("s") * NC + lax.axis_index("c")
        b0 = wid * BW
        pltpu.sync_copy(xt_hbm.at[:, pl.ds(b0, BW)], idx_v)

        def gather_start(j, b):
            pltpu.async_copy(
                table_hbm.at[idx_v.at[j, pl.ds(0, BW)]], rows_v.at[b], gsem[b]
            )

        def gather_wait(b):
            pltpu.make_async_copy(
                table_hbm.at[idx_v.at[0, pl.ds(0, BW)]], rows_v.at[b], gsem[b]
            ).wait()

        def write_start(j, b):
            pltpu.async_copy(
                outt_v.at[b, :, :, pl.ds(0, 128)], out_hbm.at[j, :, wid, :, :],
                wsem[b],
            )

        def write_wait(b):
            pltpu.make_async_copy(
                outt_v.at[b, :, :, pl.ds(0, 128)], out_hbm.at[0, :, wid, :, :],
                wsem[b],
            ).wait()

        iota = lax.iota(jnp.int32, 16)
        bvecs = [jnp.zeros((16,), jnp.int32) + b for b in range(NBUF)]
        d1c = [(g * 16 + iota) >> 3 for g in range(D // 16)]
        d2c = [(g * 16 + iota) & 7 for g in range(D // 16)]

        def transpose(b):
            @plsc.parallel_loop(0, BW, unroll=8)
            def tbody(t):
                tvec = jnp.zeros((16,), jnp.int32) + t
                for g in range(D // 16):
                    vals = rows_v[b, t, pl.ds(g * 16, 16)]
                    plsc.store_scatter(
                        outt_v, [bvecs[b], d1c[g], d2c[g], tvec], vals
                    )

        for b in range(NBUF):
            gather_start(b, b)

        def body(grp, carry):
            for b in range(NBUF):
                j = grp * NBUF + b
                gather_wait(b)

                @pl.when(grp > 0)
                def _():
                    write_wait(b)

                transpose(b)
                write_start(j, b)

                @pl.when(j + NBUF < S1)
                def _():
                    gather_start(j + NBUF, b)

            return carry

        lax.fori_loop(0, S1 // NBUF, body, 0)
        for b in range(NBUF):
            write_wait(b)

    return k


def kernel(x, table):
    S0, S1 = x.shape
    V, D = table.shape
    xt = jnp.transpose(x).astype(jnp.int32)
    o = _make_sc_gather(S0, S1, V, D)(xt, table)
    o = o.transpose(0, 1, 3, 2, 4)
    o = o.reshape(S1, D, S0)
    return o.transpose(2, 0, 1)

# --- scband reference (transcript-rebuilt; emitter-appended) ---
"""Pipeline reference for scband-word-embedding-3891240370299 (READ-ONLY COPY).

The authoritative reference and input builder live on the scoring server;
editing this copy changes nothing except your own understanding.
"""

import jax, jax.numpy as jnp
import numpy as np

NTOKEN = 1000000
EMB_DIM = 64

def setup_inputs(seed: int = 0) -> dict:
    key = jax.random.key(seed)
    k1, k2 = jax.random.split(key)
    x = jax.random.randint(k1, (4096, 200), 0, NTOKEN, dtype=jnp.int64 if jax.config.jax_enable_x64 else jnp.int32)
    # Embedding table has ntoken+1 rows; last row is padding_idx (zeros), matching nn.Embedding(padding_idx=ntoken)
    table = jax.random.normal(k2, (NTOKEN + 1, EMB_DIM), dtype=jnp.float32)
    table = table.at[NTOKEN].set(0.0)
    return {"x": x, "table": table}

def reference(x, table):
    # nn.Embedding lookup (gather); dropout is identity in eval mode
    emb = jnp.take(table, x, axis=0)
    return emb

if __name__ == "__main__":
    import jax
    _d = setup_inputs()
    print(jax.jit(kernel)(*tuple(_d.values())))

</pallas_src>

<mosaic_0001>
#map = affine_map<(d0, d1) -> (0, 0)>
#map1 = affine_map<(d0, d1) -> (0, 0, 0, 0, 0)>
module attributes {stable_mosaic.version = 14 : i64} {
  func.func @k(%arg0: i32, %arg1: i32, %arg2: memref<200x4096xi32, #tpu.memory_space<hbm>>, %arg3: memref<1000001x64xf32, #tpu.memory_space<hbm>>, %arg4: memref<200x8x32x8x128xf32, #tpu.memory_space<hbm>>, %arg5: memref<200x128xi32, #tpu.memory_space<vmem>>, %arg6: memref<4x128x64xf32, #tpu.memory_space<vmem>>, %arg7: memref<4x8x8x137xf32, #tpu.memory_space<vmem>>, %arg8: memref<!tpu.dma_semaphore, #tpu.memory_space<semaphore_mem>>, %arg9: memref<!tpu.dma_semaphore, #tpu.memory_space<semaphore_mem>>, %arg10: memref<!tpu.dma_semaphore, #tpu.memory_space<semaphore_mem>>, %arg11: memref<!tpu.dma_semaphore, #tpu.memory_space<semaphore_mem>>, %arg12: memref<!tpu.dma_semaphore, #tpu.memory_space<semaphore_mem>>, %arg13: memref<!tpu.dma_semaphore, #tpu.memory_space<semaphore_mem>>, %arg14: memref<!tpu.dma_semaphore, #tpu.memory_space<semaphore_mem>>, %arg15: memref<!tpu.dma_semaphore, #tpu.memory_space<semaphore_mem>>) attributes {dimension_semantics = [#tpu.dimension_semantics<core_parallel>, #tpu.dimension_semantics<subcore_parallel>], iteration_bounds = array<i64: 2, 16>, scalar_prefetch = 0 : i64, scratch_operands = 11 : i64, tpu.core_type = #tpu.core_type<sc_vector_subcore>, window_params = [{transform_indices = #map}, {transform_indices = #map}, {transform_indices = #map1}]} {
    %mul3A = arith.constant 2 : i32
    %mul3A_0 = arith.muli %arg1, %mul3A : i32
    %add3A = arith.addi %mul3A_0, %arg0 : i32
    %mul3A_1 = arith.constant 128 : i32
    %mul3A_2 = arith.muli %add3A, %mul3A_1 : i32
    "tpu.region"() ({
      %run_scoped3A = tpu.sem_alloc : memref<!tpu.dma_semaphore, #tpu.memory_space<semaphore_mem>>
      %dma_start3A_207 = arith.constant 0 : i32
      %dma_start3A_208 = tpu.memref_slice %arg2[%dma_start3A_207, %mul3A_2] : memref<200x4096xi32, #tpu.memory_space<hbm>> -> memref<200x128xi32, #tpu.memory_space<hbm>>
      %dma_start3A_209 = arith.constant 0 : i32
      %dma_start3A_210 = tpu.memref_slice %arg2[%dma_start3A_209, %mul3A_2] : memref<200x4096xi32, #tpu.memory_space<hbm>> -> memref<200x128xi32, #tpu.memory_space<hbm>>
      tpu.enqueue_dma source(%dma_start3A_210 : memref<200x128xi32, #tpu.memory_space<hbm>>) target(%arg5 : memref<200x128xi32, #tpu.memory_space<vmem>>) target_semaphore(%run_scoped3A : memref<!tpu.dma_semaphore, #tpu.memory_space<semaphore_mem>>)
      %dma_wait3A_211 = arith.constant 0 : i32
      %dma_wait3A_212 = tpu.memref_slice %arg2[%dma_wait3A_211, %mul3A_2] : memref<200x4096xi32, #tpu.memory_space<hbm>> -> memref<200x128xi32, #tpu.memory_space<hbm>>
      %dma_wait3A_213 = arith.constant 0 : i32
      %dma_wait3A_214 = tpu.memref_slice %arg2[%dma_wait3A_213, %mul3A_2] : memref<200x4096xi32, #tpu.memory_space<hbm>> -> memref<200x128xi32, #tpu.memory_space<hbm>>
      tpu.wait_dma2 semaphore(%run_scoped3A : memref<!tpu.dma_semaphore, #tpu.memory_space<semaphore_mem>>) src(%dma_wait3A_214 : memref<200x128xi32, #tpu.memory_space<hbm>>) dst(%arg5 : memref<200x128xi32, #tpu.memory_space<vmem>>)
      tpu.yield
    }) : () -> ()
    %iota3A = tpu.iota {dimensions = array<i32: 0>} : vector<16xi32>
    %broadcast_in_dim3A = arith.constant 0 : i32
    %broadcast_in_dim3A_3 = vector.broadcast %broadcast_in_dim3A : i32 to vector<16xi32>
    %add3A_4 = arith.constant 0 : i32
    %add3A_5 = vector.broadcast %add3A_4 : i32 to vector<16xi32>
    %add3A_6 = arith.addi %broadcast_in_dim3A_3, %add3A_5 : vector<16xi32>
    %broadcast_in_dim3A_7 = arith.constant 0 : i32
    %broadcast_in_dim3A_8 = vector.broadcast %broadcast_in_dim3A_7 : i32 to vector<16xi32>
    %add3A_9 = arith.constant 1 : i32
    %add3A_10 = vector.broadcast %add3A_9 : i32 to vector<16xi32>
    %add3A_11 = arith.addi %broadcast_in_dim3A_8, %add3A_10 : vector<16xi32>
    %broadcast_in_dim3A_12 = arith.constant 0 : i32
    %broadcast_in_dim3A_13 = vector.broadcast %broadcast_in_dim3A_12 : i32 to vector<16xi32>
    %add3A_14 = arith.constant 2 : i32
    %add3A_15 = vector.broadcast %add3A_14 : i32 to vector<16xi32>
    %add3A_16 = arith.addi %broadcast_in_dim3A_13, %add3A_15 : vector<16xi32>
    %broadcast_in_dim3A_17 = arith.constant 0 : i32
    %broadcast_in_dim3A_18 = vector.broadcast %broadcast_in_dim3A_17 : i32 to vector<16xi32>
    %add3A_19 = arith.constant 3 : i32
    %add3A_20 = vector.broadcast %add3A_19 : i32 to vector<16xi32>
    %add3A_21 = arith.addi %broadcast_in_dim3A_18, %add3A_20 : vector<16xi32>
    %add3A_22 = arith.constant 0 : i32
    %add3A_23 = vector.broadcast %add3A_22 : i32 to vector<16xi32>
    %add3A_24 = arith.addi %add3A_23, %iota3A : vector<16xi32>
    %shift_right_arithmetic3A = arith.constant 3 : i32
    %shift_right_arithmetic3A_25 = vector.broadcast %shift_right_arithmetic3A : i32 to vector<16xi32>
    %shift_right_arithmetic3A_26 = arith.shrsi %add3A_24, %shift_right_arithmetic3A_25 : vector<16xi32>
    %add3A_27 = arith.constant 16 : i32
    %add3A_28 = vector.broadcast %add3A_27 : i32 to vector<16xi32>
    %add3A_29 = arith.addi %add3A_28, %iota3A : vector<16xi32>
    %shift_right_arithmetic3A_30 = arith.constant 3 : i32
    %shift_right_arithmetic3A_31 = vector.broadcast %shift_right_arithmetic3A_30 : i32 to vector<16xi32>
    %shift_right_arithmetic3A_32 = arith.shrsi %add3A_29, %shift_right_arithmetic3A_31 : vector<16xi32>
    %add3A_33 = arith.constant 32 : i32
    %add3A_34 = vector.broadcast %add3A_33 : i32 to vector<16xi32>
    %add3A_35 = arith.addi %add3A_34, %iota3A : vector<16xi32>
    %shift_right_arithmetic3A_36 = arith.constant 3 : i32
    %shift_right_arithmetic3A_37 = vector.broadcast %shift_right_arithmetic3A_36 : i32 to vector<16xi32>
    %shift_right_arithmetic3A_38 = arith.shrsi %add3A_35, %shift_right_arithmetic3A_37 : vector<16xi32>
    %add3A_39 = arith.constant 48 : i32
    %add3A_40 = vector.broadcast %add3A_39 : i32 to vector<16xi32>
    %add3A_41 = arith.addi %add3A_40, %iota3A : vector<16xi32>
    %shift_right_arithmetic3A_42 = arith.constant 3 : i32
    %shift_right_arithmetic3A_43 = vector.broadcast %shift_right_arithmetic3A_42 : i32 to vector<16xi32>
    %shift_right_arithmetic3A_44 = arith.shrsi %add3A_41, %shift_right_arithmetic3A_43 : vector<16xi32>
    %add3A_45 = arith.constant 0 : i32
    %add3A_46 = vector.broadcast %add3A_45 : i32 to vector<16xi32>
    %add3A_47 = arith.addi %add3A_46, %iota3A : vector<16xi32>
    %and3A = arith.constant 7 : i32
    %and3A_48 = vector.broadcast %and3A : i32 to vector<16xi32>
    %and3A_49 = arith.andi %add3A_47, %and3A_48 : vector<16xi32>
    %add3A_50 = arith.constant 16 : i32
    %add3A_51 = vector.broadcast %add3A_50 : i32 to vector<16xi32>
    %add3A_52 = arith.addi %add3A_51, %iota3A : vector<16xi32>
    %and3A_53 = arith.constant 7 : i32
    %and3A_54 = vector.broadcast %and3A_53 : i32 to vector<16xi32>
    %and3A_55 = arith.andi %add3A_52, %and3A_54 : vector<16xi32>
    %add3A_56 = arith.constant 32 : i32
    %add3A_57 = vector.broadcast %add3A_56 : i32 to vector<16xi32>
    %add3A_58 = arith.addi %add3A_57, %iota3A : vector<16xi32>
    %and3A_59 = arith.constant 7 : i32
    %and3A_60 = vector.broadcast %and3A_59 : i32 to vector<16xi32>
    %and3A_61 = arith.andi %add3A_58, %and3A_60 : vector<16xi32>
    %add3A_62 = arith.constant 48 : i32
    %add3A_63 = vector.broadcast %add3A_62 : i32 to vector<16xi32>
    %add3A_64 = arith.addi %add3A_63, %iota3A : vector<16xi32>
    %and3A_65 = arith.constant 7 : i32
    %and3A_66 = vector.broadcast %and3A_65 : i32 to vector<16xi32>
    %and3A_67 = arith.andi %add3A_64, %and3A_66 : vector<16xi32>
    %dma_start3A = arith.constant 0 : i32
    %dma_start3A_68 = arith.constant 0 : i32
    %dma_start3A_69 = arith.constant 0 : i32
    %dma_start3A_70 = arith.constant 0 : i32
    %dma_start3A_71 = tpu.memref_slice %arg6[%dma_start3A_68, %dma_start3A_69, %dma_start3A_70] : memref<4x128x64xf32, #tpu.memory_space<vmem>> -> memref<1x128x64xf32, #tpu.memory_space<vmem>>
    %dma_start3A_72 = tpu.memref_squeeze %dma_start3A_71 : memref<1x128x64xf32, #tpu.memory_space<vmem>> -> memref<128x64xf32, #tpu.memory_space<vmem>>
    %dma_start3A_73 = arith.constant 0 : i32
    %dma_start3A_74 = tpu.memref_slice %arg5[%dma_start3A, %dma_start3A_73] : memref<200x128xi32, #tpu.memory_space<vmem>> -> memref<1x128xi32, #tpu.memory_space<vmem>>
    %dma_start3A_75 = tpu.memref_squeeze %dma_start3A_74 : memref<1x128xi32, #tpu.memory_space<vmem>> -> memref<128xi32, #tpu.memory_space<vmem>>
    %dma_start3A_76 = arith.constant 0 : i32
    %dma_start3A_77 = arith.constant 0 : i32
    %dma_start3A_78 = tpu.memref_slice %arg3[%dma_start3A_76, %dma_start3A_77] : memref<1000001x64xf32, #tpu.memory_space<hbm>> -> memref<1000001x64xf32, #tpu.memory_space<hbm>>
    tpu.enqueue_indirect_dma source(%dma_start3A_78 : memref<1000001x64xf32, #tpu.memory_space<hbm>>) target(%dma_start3A_72 : memref<128x64xf32, #tpu.memory_space<vmem>>) offsets(%dma_start3A_75 : memref<128xi32, #tpu.memory_space<vmem>>) semaphore(%arg8 : memref<!tpu.dma_semaphore, #tpu.memory_space<semaphore_mem>>)
    %dma_start3A_79 = arith.constant 1 : i32
    %dma_start3A_80 = arith.constant 1 : i32
    %dma_start3A_81 = arith.constant 0 : i32
    %dma_start3A_82 = arith.constant 0 : i32
    %dma_start3A_83 = tpu.memref_slice %arg6[%dma_start3A_80, %dma_start3A_81, %dma_start3A_82] : memref<4x128x64xf32, #tpu.memory_space<vmem>> -> memref<1x128x64xf32, #tpu.memory_space<vmem>>
    %dma_start3A_84 = tpu.memref_squeeze %dma_start3A_83 : memref<1x128x64xf32, #tpu.memory_space<vmem>> -> memref<128x64xf32, #tpu.memory_space<vmem>>
    %dma_start3A_85 = arith.constant 0 : i32
    %dma_start3A_86 = tpu.memref_slice %arg5[%dma_start3A_79, %dma_start3A_85] : memref<200x128xi32, #tpu.memory_space<vmem>> -> memref<1x128xi32, #tpu.memory_space<vmem>>
    %dma_start3A_87 = tpu.memref_squeeze %dma_start3A_86 : memref<1x128xi32, #tpu.memory_space<vmem>> -> memref<128xi32, #tpu.memory_space<vmem>>
    %dma_start3A_88 = arith.constant 0 : i32
    %dma_start3A_89 = arith.constant 0 : i32
    %dma_start3A_90 = tpu.memref_slice %arg3[%dma_start3A_88, %dma_start3A_89] : memref<1000001x64xf32, #tpu.memory_space<hbm>> -> memref<1000001x64xf32, #tpu.memory_space<hbm>>
    tpu.enqueue_indirect_dma source(%dma_start3A_90 : memref<1000001x64xf32, #tpu.memory_space<hbm>>) target(%dma_start3A_84 : memref<128x64xf32, #tpu.memory_space<vmem>>) offsets(%dma_start3A_87 : memref<128xi32, #tpu.memory_space<vmem>>) semaphore(%arg9 : memref<!tpu.dma_semaphore, #tpu.memory_space<semaphore_mem>>)
    %dma_start3A_91 = arith.constant 2 : i32
    %dma_start3A_92 = arith.constant 2 : i32
    %dma_start3A_93 = arith.constant 0 : i32
    %dma_start3A_94 = arith.constant 0 : i32
    %dma_start3A_95 = tpu.memref_slice %arg6[%dma_start3A_92, %dma_start3A_93, %dma_start3A_94] : memref<4x128x64xf32, #tpu.memory_space<vmem>> -> memref<1x128x64xf32, #tpu.memory_space<vmem>>
    %dma_start3A_96 = tpu.memref_squeeze %dma_start3A_95 : memref<1x128x64xf32, #tpu.memory_space<vmem>> -> memref<128x64xf32, #tpu.memory_space<vmem>>
    %dma_start3A_97 = arith.constant 0 : i32
    %dma_start3A_98 = tpu.memref_slice %arg5[%dma_start3A_91, %dma_start3A_97] : memref<200x128xi32, #tpu.memory_space<vmem>> -> memref<1x128xi32, #tpu.memory_space<vmem>>
    %dma_start3A_99 = tpu.memref_squeeze %dma_start3A_98 : memref<1x128xi32, #tpu.memory_space<vmem>> -> memref<128xi32, #tpu.memory_space<vmem>>
    %dma_start3A_100 = arith.constant 0 : i32
    %dma_start3A_101 = arith.constant 0 : i32
    %dma_start3A_102 = tpu.memref_slice %arg3[%dma_start3A_100, %dma_start3A_101] : memref<1000001x64xf32, #tpu.memory_space<hbm>> -> memref<1000001x64xf32, #tpu.memory_space<hbm>>
    tpu.enqueue_indirect_dma source(%dma_start3A_102 : memref<1000001x64xf32, #tpu.memory_space<hbm>>) target(%dma_start3A_96 : memref<128x64xf32, #tpu.memory_space<vmem>>) offsets(%dma_start3A_99 : memref<128xi32, #tpu.memory_space<vmem>>) semaphore(%arg10 : memref<!tpu.dma_semaphore, #tpu.memory_space<semaphore_mem>>)
    %dma_start3A_103 = arith.constant 3 : i32
    %dma_start3A_104 = arith.constant 3 : i32
    %dma_start3A_105 = arith.constant 0 : i32
    %dma_start3A_106 = arith.constant 0 : i32
    %dma_start3A_107 = tpu.memref_slice %arg6[%dma_start3A_104, %dma_start3A_105, %dma_start3A_106] : memref<4x128x64xf32, #tpu.memory_space<vmem>> -> memref<1x128x64xf32, #tpu.memory_space<vmem>>
    %dma_start3A_108 = tpu.memref_squeeze %dma_start3A_107 : memref<1x128x64xf32, #tpu.memory_space<vmem>> -> memref<128x64xf32, #tpu.memory_space<vmem>>
    %dma_start3A_109 = arith.constant 0 : i32
    %dma_start3A_110 = tpu.memref_slice %arg5[%dma_start3A_103, %dma_start3A_109] : memref<200x128xi32, #tpu.memory_space<vmem>> -> memref<1x128xi32, #tpu.memory_space<vmem>>
    %dma_start3A_111 = tpu.memref_squeeze %dma_start3A_110 : memref<1x128xi32, #tpu.memory_space<vmem>> -> memref<128xi32, #tpu.memory_space<vmem>>
    %dma_start3A_112 = arith.constant 0 : i32
    %dma_start3A_113 = arith.constant 0 : i32
    %dma_start3A_114 = tpu.memref_slice %arg3[%dma_start3A_112, %dma_start3A_113] : memref<1000001x64xf32, #tpu.memory_space<hbm>> -> memref<1000001x64xf32, #tpu.memory_space<hbm>>
    tpu.enqueue_indirect_dma source(%dma_start3A_114 : memref<1000001x64xf32, #tpu.memory_space<hbm>>) target(%dma_start3A_108 : memref<128x64xf32, #tpu.memory_space<vmem>>) offsets(%dma_start3A_111 : memref<128xi32, #tpu.memory_space<vmem>>) semaphore(%arg11 : memref<!tpu.dma_semaphore, #tpu.memory_space<semaphore_mem>>)
    %scan3A = arith.constant 0 : i32
    %scan3A_115 = arith.constant 0 : i32
    %scan3A_116 = arith.constant 50 : i32
    %scan3A_117 = arith.addi %scan3A_115, %scan3A_116 : i32
    %scan3A_118 = arith.constant 1 : i32
    scf.for %scan3A_207 = %scan3A_115 to %scan3A_117 step %scan3A_118  : i32 {
      %mul3A_208 = arith.constant 4 : i32
      %mul3A_209 = arith.muli %scan3A_207, %mul3A_208 : i32
      %add3A_210 = arith.constant 0 : i32
      %add3A_211 = arith.addi %mul3A_209, %add3A_210 : i32
      %dma_wait3A_212 = arith.constant 0 : i32
      %dma_wait3A_213 = arith.constant 0 : i32
      %dma_wait3A_214 = arith.constant 0 : i32
      %dma_wait3A_215 = arith.constant 0 : i32
      %dma_wait3A_216 = tpu.memref_slice %arg6[%dma_wait3A_213, %dma_wait3A_214, %dma_wait3A_215] : memref<4x128x64xf32, #tpu.memory_space<vmem>> -> memref<1x128x64xf32, #tpu.memory_space<vmem>>
      %dma_wait3A_217 = tpu.memref_squeeze %dma_wait3A_216 : memref<1x128x64xf32, #tpu.memory_space<vmem>> -> memref<128x64xf32, #tpu.memory_space<vmem>>
      %dma_wait3A_218 = arith.constant 0 : i32
      %dma_wait3A_219 = tpu.memref_slice %arg5[%dma_wait3A_212, %dma_wait3A_218] : memref<200x128xi32, #tpu.memory_space<vmem>> -> memref<1x128xi32, #tpu.memory_space<vmem>>
      %dma_wait3A_220 = tpu.memref_squeeze %dma_wait3A_219 : memref<1x128xi32, #tpu.memory_space<vmem>> -> memref<128xi32, #tpu.memory_space<vmem>>
      %dma_wait3A_221 = arith.constant 0 : i32
      %dma_wait3A_222 = arith.constant 0 : i32
      %dma_wait3A_223 = tpu.memref_slice %arg3[%dma_wait3A_221, %dma_wait3A_222] : memref<1000001x64xf32, #tpu.memory_space<hbm>> -> memref<1000001x64xf32, #tpu.memory_space<hbm>>
      tpu.wait_indirect_dma semaphore(%arg8 : memref<!tpu.dma_semaphore, #tpu.memory_space<semaphore_mem>>) src(%dma_wait3A_223 : memref<1000001x64xf32, #tpu.memory_space<hbm>>) dst(%dma_wait3A_217 : memref<128x64xf32, #tpu.memory_space<vmem>>)
      %gt3A = arith.constant 0 : i32
      %gt3A_224 = arith.cmpi sgt, %scan3A_207, %gt3A : i32
      %convert_element_type3A = arith.extui %gt3A_224 : i1 to i32
      %cond3A = arith.constant 0 : i32
      %cond3A_225 = arith.cmpi ne, %convert_element_type3A, %cond3A : i32
      scf.if %cond3A_225 {
        %dma_wait3A_411 = arith.constant 0 : i32
        %dma_wait3A_412 = arith.constant 0 : i32
        %dma_wait3A_413 = arith.constant 0 : i32
        %dma_wait3A_414 = arith.constant 0 : i32
        %dma_wait3A_415 = arith.constant 0 : i32
        %dma_wait3A_416 = tpu.memref_slice %arg7[%dma_wait3A_411, %dma_wait3A_413, %dma_wait3A_414, %dma_wait3A_415] : memref<4x8x8x137xf32, #tpu.memory_space<vmem>> -> memref<1x8x8x128xf32, #tpu.memory_space<vmem>>
        %dma_wait3A_417 = tpu.memref_squeeze %dma_wait3A_416 : memref<1x8x8x128xf32, #tpu.memory_space<vmem>> -> memref<8x8x128xf32, #tpu.memory_space<vmem>>
        %dma_wait3A_418 = arith.constant 0 : i32
        %dma_wait3A_419 = arith.constant 0 : i32
        %dma_wait3A_420 = arith.constant 0 : i32
        %dma_wait3A_421 = tpu.memref_slice %arg4[%dma_wait3A_412, %dma_wait3A_418, %add3A, %dma_wait3A_419, %dma_wait3A_420] : memref<200x8x32x8x128xf32, #tpu.memory_space<hbm>> -> memref<1x8x1x8x128xf32, #tpu.memory_space<hbm>>
        %dma_wait3A_422 = tpu.memref_squeeze %dma_wait3A_421 : memref<1x8x1x8x128xf32, #tpu.memory_space<hbm>> -> memref<8x8x128xf32, #tpu.memory_space<hbm>>
        %dma_wait3A_423 = arith.constant 0 : i32
        %dma_wait3A_424 = arith.constant 0 : i32
        %dma_wait3A_425 = arith.constant 0 : i32
        %dma_wait3A_426 = tpu.memref_slice %arg4[%dma_wait3A_412, %dma_wait3A_423, %add3A, %dma_wait3A_424, %dma_wait3A_425] : memref<200x8x32x8x128xf32, #tpu.memory_space<hbm>> -> memref<1x8x1x8x128xf32, #tpu.memory_space<hbm>>
        %dma_wait3A_427 = tpu.memref_squeeze %dma_wait3A_426 : memref<1x8x1x8x128xf32, #tpu.memory_space<hbm>> -> memref<8x8x128xf32, #tpu.memory_space<hbm>>
        %dma_wait3A_428 = arith.constant 0 : i32
        %dma_wait3A_429 = arith.constant 0 : i32
        %dma_wait3A_430 = arith.constant 0 : i32
        %dma_wait3A_431 = tpu.memref_slice %arg7[%dma_wait3A_411, %dma_wait3A_428, %dma_wait3A_429, %dma_wait3A_430] : memref<4x8x8x137xf32, #tpu.memory_space<vmem>> -> memref<1x8x8x128xf32, #tpu.memory_space<vmem>>
        %dma_wait3A_432 = tpu.memref_squeeze %dma_wait3A_431 : memref<1x8x8x128xf32, #tpu.memory_space<vmem>> -> memref<8x8x128xf32, #tpu.memory_space<vmem>>
        tpu.wait_dma2 semaphore(%arg12 : memref<!tpu.dma_semaphore, #tpu.memory_space<semaphore_mem>>) src(%dma_wait3A_432 : memref<8x8x128xf32, #tpu.memory_space<vmem>>) dst(%dma_wait3A_427 : memref<8x8x128xf32, #tpu.memory_space<hbm>>)
      } else {
      }
      %parallel_loop3A = arith.constant 0 : i32
      %parallel_loop3A_226 = arith.constant 128 : i32
      %parallel_loop3A_227 = arith.constant 1 : i32
      scf.for %parallel_loop3A_411 = %parallel_loop3A to %parallel_loop3A_226 step %parallel_loop3A_227  : i32 {
        %parallel_loop3A_412 = arith.constant 0 : i32
        %parallel_loop3A_413 = vector.broadcast %parallel_loop3A_412 : i32 to vector<16xi32>
        %parallel_loop3A_414 = vector.broadcast %parallel_loop3A_411 : i32 to vector<16xi32>
        %parallel_loop3A_415 = arith.addi %parallel_loop3A_413, %parallel_loop3A_414 : vector<16xi32>
        %parallel_loop3A_416 = arith.constant 0 : i32
        %parallel_loop3A_417 = arith.index_cast %parallel_loop3A_416 : i32 to index
        %parallel_loop3A_418 = arith.index_cast %parallel_loop3A_411 : i32 to index
        %parallel_loop3A_419 = arith.constant 0 : index
        %parallel_loop3A_420 = tpu.vector_load %arg6[%parallel_loop3A_417, %parallel_loop3A_418, %parallel_loop3A_419] {strides = array<i32>} : memref<4x128x64xf32, #tpu.memory_space<vmem>>, vector<16xf32>,
        tpu.vector_store_idx %arg7[%add3A_6, %shift_right_arithmetic3A_26, %and3A_49, %parallel_loop3A_415], %parallel_loop3A_420 : memref<4x8x8x137xf32, #tpu.memory_space<vmem>>[vector<16xi32>, vector<16xi32>, vector<16xi32>, vector<16xi32>], vector<16xf32>,
        %parallel_loop3A_421 = arith.constant 0 : i32
        %parallel_loop3A_422 = arith.index_cast %parallel_loop3A_421 : i32 to index
        %parallel_loop3A_423 = arith.index_cast %parallel_loop3A_411 : i32 to index
        %parallel_loop3A_424 = arith.constant 16 : index
        %parallel_loop3A_425 = tpu.vector_load %arg6[%parallel_loop3A_422, %parallel_loop3A_423, %parallel_loop3A_424] {strides = array<i32>} : memref<4x128x64xf32, #tpu.memory_space<vmem>>, vector<16xf32>,
        tpu.vector_store_idx %arg7[%add3A_6, %shift_right_arithmetic3A_32, %and3A_55, %parallel_loop3A_415], %parallel_loop3A_425 : memref<4x8x8x137xf32, #tpu.memory_space<vmem>>[vector<16xi32>, vector<16xi32>, vector<16xi32>, vector<16xi32>], vector<16xf32>,
        %parallel_loop3A_426 = arith.constant 0 : i32
        %parallel_loop3A_427 = arith.index_cast %parallel_loop3A_426 : i32 to index
        %parallel_loop3A_428 = arith.index_cast %parallel_loop3A_411 : i32 to index
        %parallel_loop3A_429 = arith.constant 32 : index
        %parallel_loop3A_430 = tpu.vector_load %arg6[%parallel_loop3A_427, %parallel_loop3A_428, %parallel_loop3A_429] {strides = array<i32>} : memref<4x128x64xf32, #tpu.memory_space<vmem>>, vector<16xf32>,
        tpu.vector_store_idx %arg7[%add3A_6, %shift_right_arithmetic3A_38, %and3A_61, %parallel_loop3A_415], %parallel_loop3A_430 : memref<4x8x8x137xf32, #tpu.memory_space<vmem>>[vector<16xi32>, vector<16xi32>, vector<16xi32>, vector<16xi32>], vector<16xf32>,
        %parallel_loop3A_431 = arith.constant 0 : i32
        %parallel_loop3A_432 = arith.index_cast %parallel_loop3A_431 : i32 to index
        %parallel_loop3A_433 = arith.index_cast %parallel_loop3A_411 : i32 to index
        %parallel_loop3A_434 = arith.constant 48 : index
        %parallel_loop3A_435 = tpu.vector_load %arg6[%parallel_loop3A_432, %parallel_loop3A_433, %parallel_loop3A_434] {strides = array<i32>} : memref<4x128x64xf32, #tpu.memory_space<vmem>>, vector<16xf32>,
        tpu.vector_store_idx %arg7[%add3A_6, %shift_right_arithmetic3A_44, %and3A_67, %parallel_loop3A_415], %parallel_loop3A_435 : memref<4x8x8x137xf32, #tpu.memory_space<vmem>>[vector<16xi32>, vector<16xi32>, vector<16xi32>, vector<16xi32>], vector<16xf32>,
      } {sc.loop_unroll_factor = 8 : i64, sc.parallel_access}
      %dma_start3A_228 = arith.constant 0 : i32
      %dma_start3A_229 = arith.constant 0 : i32
      %dma_start3A_230 = arith.constant 0 : i32
      %dma_start3A_231 = arith.constant 0 : i32
      %dma_start3A_232 = tpu.memref_slice %arg7[%dma_start3A_228, %dma_start3A_229, %dma_start3A_230, %dma_start3A_231] : memref<4x8x8x137xf32, #tpu.memory_space<vmem>> -> memref<1x8x8x128xf32, #tpu.memory_space<vmem>>
      %dma_start3A_233 = tpu.memref_squeeze %dma_start3A_232 : memref<1x8x8x128xf32, #tpu.memory_space<vmem>> -> memref<8x8x128xf32, #tpu.memory_space<vmem>>
      %dma_start3A_234 = arith.constant 0 : i32
      %dma_start3A_235 = arith.constant 0 : i32
      %dma_start3A_236 = arith.constant 0 : i32
      %dma_start3A_237 = tpu.memref_slice %arg4[%add3A_211, %dma_start3A_234, %add3A, %dma_start3A_235, %dma_start3A_236] : memref<200x8x32x8x128xf32, #tpu.memory_space<hbm>> -> memref<1x8x1x8x128xf32, #tpu.memory_space<hbm>>
      %dma_start3A_238 = tpu.memref_squeeze %dma_start3A_237 : memref<1x8x1x8x128xf32, #tpu.memory_space<hbm>> -> memref<8x8x128xf32, #tpu.memory_space<hbm>>
      %dma_start3A_239 = arith.constant 0 : i32
      %dma_start3A_240 = arith.constant 0 : i32
      %dma_start3A_241 = arith.constant 0 : i32
      %dma_start3A_242 = tpu.memref_slice %arg4[%add3A_211, %dma_start3A_239, %add3A, %dma_start3A_240, %dma_start3A_241] : memref<200x8x32x8x128xf32, #tpu.memory_space<hbm>> -> memref<1x8x1x8x128xf32, #tpu.memory_space<hbm>>
      %dma_start3A_243 = tpu.memref_squeeze %dma_start3A_242 : memref<1x8x1x8x128xf32, #tpu.memory_space<hbm>> -> memref<8x8x128xf32, #tpu.memory_space<hbm>>
      %dma_start3A_244 = arith.constant 0 : i32
      %dma_start3A_245 = arith.constant 0 : i32
      %dma_start3A_246 = arith.constant 0 : i32
      %dma_start3A_247 = tpu.memref_slice %arg7[%dma_start3A_228, %dma_start3A_244, %dma_start3A_245, %dma_start3A_246] : memref<4x8x8x137xf32, #tpu.memory_space<vmem>> -> memref<1x8x8x128xf32, #tpu.memory_space<vmem>>
      %dma_start3A_248 = tpu.memref_squeeze %dma_start3A_247 : memref<1x8x8x128xf32, #tpu.memory_space<vmem>> -> memref<8x8x128xf32, #tpu.memory_space<vmem>>
      tpu.enqueue_dma source(%dma_start3A_248 : memref<8x8x128xf32, #tpu.memory_space<vmem>>) target(%dma_start3A_243 : memref<8x8x128xf32, #tpu.memory_space<hbm>>) target_semaphore(%arg12 : memref<!tpu.dma_semaphore, #tpu.memory_space<semaphore_mem>>)
      %add3A_249 = arith.constant 4 : i32
      %add3A_250 = arith.addi %add3A_211, %add3A_249 : i32
      %lt3A = arith.constant 200 : i32
      %lt3A_251 = arith.cmpi slt, %add3A_250, %lt3A : i32
      %convert_element_type3A_252 = arith.extui %lt3A_251 : i1 to i32
      %cond3A_253 = arith.constant 0 : i32
      %cond3A_254 = arith.cmpi ne, %convert_element_type3A_252, %cond3A_253 : i32
      scf.if %cond3A_254 {
        %add3A_411 = arith.constant 4 : i32
        %add3A_412 = arith.addi %add3A_211, %add3A_411 : i32
        %dma_start3A_413 = arith.constant 0 : i32
        %dma_start3A_414 = arith.constant 0 : i32
        %dma_start3A_415 = arith.constant 0 : i32
        %dma_start3A_416 = tpu.memref_slice %arg6[%dma_start3A_413, %dma_start3A_414, %dma_start3A_415] : memref<4x128x64xf32, #tpu.memory_space<vmem>> -> memref<1x128x64xf32, #tpu.memory_space<vmem>>
        %dma_start3A_417 = tpu.memref_squeeze %dma_start3A_416 : memref<1x128x64xf32, #tpu.memory_space<vmem>> -> memref<128x64xf32, #tpu.memory_space<vmem>>
        %dma_start3A_418 = arith.constant 0 : i32
        %dma_start3A_419 = tpu.memref_slice %arg5[%add3A_412, %dma_start3A_418] : memref<200x128xi32, #tpu.memory_space<vmem>> -> memref<1x128xi32, #tpu.memory_space<vmem>>
        %dma_start3A_420 = tpu.memref_squeeze %dma_start3A_419 : memref<1x128xi32, #tpu.memory_space<vmem>> -> memref<128xi32, #tpu.memory_space<vmem>>
        %dma_start3A_421 = arith.constant 0 : i32
        %dma_start3A_422 = arith.constant 0 : i32
        %dma_start3A_423 = tpu.memref_slice %arg3[%dma_start3A_421, %dma_start3A_422] : memref<1000001x64xf32, #tpu.memory_space<hbm>> -> memref<1000001x64xf32, #tpu.memory_space<hbm>>
        tpu.enqueue_indirect_dma source(%dma_start3A_423 : memref<1000001x64xf32, #tpu.memory_space<hbm>>) target(%dma_start3A_417 : memref<128x64xf32, #tpu.memory_space<vmem>>) offsets(%dma_start3A_420 : memref<128xi32, #tpu.memory_space<vmem>>) semaphore(%arg8 : memref<!tpu.dma_semaphore, #tpu.memory_space<semaphore_mem>>)
      } else {
      }
      %mul3A_255 = arith.constant 4 : i32
      %mul3A_256 = arith.muli %scan3A_207, %mul3A_255 : i32
      %add3A_257 = arith.constant 1 : i32
      %add3A_258 = arith.addi %mul3A_256, %add3A_257 : i32
      %dma_wait3A_259 = arith.constant 0 : i32
      %dma_wait3A_260 = arith.constant 1 : i32
      %dma_wait3A_261 = arith.constant 0 : i32
      %dma_wait3A_262 = arith.constant 0 : i32
      %dma_wait3A_263 = tpu.memref_slice %arg6[%dma_wait3A_260, %dma_wait3A_261, %dma_wait3A_262] : memref<4x128x64xf32, #tpu.memory_space<vmem>> -> memref<1x128x64xf32, #tpu.memory_space<vmem>>
      %dma_wait3A_264 = tpu.memref_squeeze %dma_wait3A_263 : memref<1x128x64xf32, #tpu.memory_space<vmem>> -> memref<128x64xf32, #tpu.memory_space<vmem>>
      %dma_wait3A_265 = arith.constant 0 : i32
      %dma_wait3A_266 = tpu.memref_slice %arg5[%dma_wait3A_259, %dma_wait3A_265] : memref<200x128xi32, #tpu.memory_space<vmem>> -> memref<1x128xi32, #tpu.memory_space<vmem>>
      %dma_wait3A_267 = tpu.memref_squeeze %dma_wait3A_266 : memref<1x128xi32, #tpu.memory_space<vmem>> -> memref<128xi32, #tpu.memory_space<vmem>>
      %dma_wait3A_268 = arith.constant 0 : i32
      %dma_wait3A_269 = arith.constant 0 : i32
      %dma_wait3A_270 = tpu.memref_slice %arg3[%dma_wait3A_268, %dma_wait3A_269] : memref<1000001x64xf32, #tpu.memory_space<hbm>> -> memref<1000001x64xf32, #tpu.memory_space<hbm>>
      tpu.wait_indirect_dma semaphore(%arg9 : memref<!tpu.dma_semaphore, #tpu.memory_space<semaphore_mem>>) src(%dma_wait3A_270 : memref<1000001x64xf32, #tpu.memory_space<hbm>>) dst(%dma_wait3A_264 : memref<128x64xf32, #tpu.memory_space<vmem>>)
      %gt3A_271 = arith.constant 0 : i32
      %gt3A_272 = arith.cmpi sgt, %scan3A_207, %gt3A_271 : i32
      %convert_element_type3A_273 = arith.extui %gt3A_272 : i1 to i32
      %cond3A_274 = arith.constant 0 : i32
      %cond3A_275 = arith.cmpi ne, %convert_element_type3A_273, %cond3A_274 : i32
      scf.if %cond3A_275 {
        %dma_wait3A_411 = arith.constant 1 : i32
        %dma_wait3A_412 = arith.constant 0 : i32
        %dma_wait3A_413 = arith.constant 0 : i32
        %dma_wait3A_414 = arith.constant 0 : i32
        %dma_wait3A_415 = arith.constant 0 : i32
        %dma_wait3A_416 = tpu.memref_slice %arg7[%dma_wait3A_411, %dma_wait3A_413, %dma_wait3A_414, %dma_wait3A_415] : memref<4x8x8x137xf32, #tpu.memory_space<vmem>> -> memref<1x8x8x128xf32, #tpu.memory_space<vmem>>
        %dma_wait3A_417 = tpu.memref_squeeze %dma_wait3A_416 : memref<1x8x8x128xf32, #tpu.memory_space<vmem>> -> memref<8x8x128xf32, #tpu.memory_space<vmem>>
        %dma_wait3A_418 = arith.constant 0 : i32
        %dma_wait3A_419 = arith.constant 0 : i32
        %dma_wait3A_420 = arith.constant 0 : i32
        %dma_wait3A_421 = tpu.memref_slice %arg4[%dma_wait3A_412, %dma_wait3A_418, %add3A, %dma_wait3A_419, %dma_wait3A_420] : memref<200x8x32x8x128xf32, #tpu.memory_space<hbm>> -> memref<1x8x1x8x128xf32, #tpu.memory_space<hbm>>
        %dma_wait3A_422 = tpu.memref_squeeze %dma_wait3A_421 : memref<1x8x1x8x128xf32, #tpu.memory_space<hbm>> -> memref<8x8x128xf32, #tpu.memory_space<hbm>>
        %dma_wait3A_423 = arith.constant 0 : i32
        %dma_wait3A_424 = arith.constant 0 : i32
        %dma_wait3A_425 = arith.constant 0 : i32
        %dma_wait3A_426 = tpu.memref_slice %arg4[%dma_wait3A_412, %dma_wait3A_423, %add3A, %dma_wait3A_424, %dma_wait3A_425] : memref<200x8x32x8x128xf32, #tpu.memory_space<hbm>> -> memref<1x8x1x8x128xf32, #tpu.memory_space<hbm>>
        %dma_wait3A_427 = tpu.memref_squeeze %dma_wait3A_426 : memref<1x8x1x8x128xf32, #tpu.memory_space<hbm>> -> memref<8x8x128xf32, #tpu.memory_space<hbm>>
        %dma_wait3A_428 = arith.constant 0 : i32
        %dma_wait3A_429 = arith.constant 0 : i32
        %dma_wait3A_430 = arith.constant 0 : i32
        %dma_wait3A_431 = tpu.memref_slice %arg7[%dma_wait3A_411, %dma_wait3A_428, %dma_wait3A_429, %dma_wait3A_430] : memref<4x8x8x137xf32, #tpu.memory_space<vmem>> -> memref<1x8x8x128xf32, #tpu.memory_space<vmem>>
        %dma_wait3A_432 = tpu.memref_squeeze %dma_wait3A_431 : memref<1x8x8x128xf32, #tpu.memory_space<vmem>> -> memref<8x8x128xf32, #tpu.memory_space<vmem>>
        tpu.wait_dma2 semaphore(%arg13 : memref<!tpu.dma_semaphore, #tpu.memory_space<semaphore_mem>>) src(%dma_wait3A_432 : memref<8x8x128xf32, #tpu.memory_space<vmem>>) dst(%dma_wait3A_427 : memref<8x8x128xf32, #tpu.memory_space<hbm>>)
      } else {
      }
      %parallel_loop3A_276 = arith.constant 0 : i32
      %parallel_loop3A_277 = arith.constant 128 : i32
      %parallel_loop3A_278 = arith.constant 1 : i32
      scf.for %parallel_loop3A_411 = %parallel_loop3A_276 to %parallel_loop3A_277 step %parallel_loop3A_278  : i32 {
        %parallel_loop3A_412 = arith.constant 0 : i32
        %parallel_loop3A_413 = vector.broadcast %parallel_loop3A_412 : i32 to vector<16xi32>
        %parallel_loop3A_414 = vector.broadcast %parallel_loop3A_411 : i32 to vector<16xi32>
        %parallel_loop3A_415 = arith.addi %parallel_loop3A_413, %parallel_loop3A_414 : vector<16xi32>
        %parallel_loop3A_416 = arith.constant 1 : i32
        %parallel_loop3A_417 = arith.index_cast %parallel_loop3A_416 : i32 to index
        %parallel_loop3A_418 = arith.index_cast %parallel_loop3A_411 : i32 to index
        %parallel_loop3A_419 = arith.constant 0 : index
        %parallel_loop3A_420 = tpu.vector_load %arg6[%parallel_loop3A_417, %parallel_loop3A_418, %parallel_loop3A_419] {strides = array<i32>} : memref<4x128x64xf32, #tpu.memory_space<vmem>>, vector<16xf32>,
        tpu.vector_store_idx %arg7[%add3A_11, %shift_right_arithmetic3A_26, %and3A_49, %parallel_loop3A_415], %parallel_loop3A_420 : memref<4x8x8x137xf32, #tpu.memory_space<vmem>>[vector<16xi32>, vector<16xi32>, vector<16xi32>, vector<16xi32>], vector<16xf32>,
        %parallel_loop3A_421 = arith.constant 1 : i32
        %parallel_loop3A_422 = arith.index_cast %parallel_loop3A_421 : i32 to index
        %parallel_loop3A_423 = arith.index_cast %parallel_loop3A_411 : i32 to index
        %parallel_loop3A_424 = arith.constant 16 : index
        %parallel_loop3A_425 = tpu.vector_load %arg6[%parallel_loop3A_422, %parallel_loop3A_423, %parallel_loop3A_424] {strides = array<i32>} : memref<4x128x64xf32, #tpu.memory_space<vmem>>, vector<16xf32>,
        tpu.vector_store_idx %arg7[%add3A_11, %shift_right_arithmetic3A_32, %and3A_55, %parallel_loop3A_415], %parallel_loop3A_425 : memref<4x8x8x137xf32, #tpu.memory_space<vmem>>[vector<16xi32>, vector<16xi32>, vector<16xi32>, vector<16xi32>], vector<16xf32>,
        %parallel_loop3A_426 = arith.constant 1 : i32
        %parallel_loop3A_427 = arith.index_cast %parallel_loop3A_426 : i32 to index
        %parallel_loop3A_428 = arith.index_cast %parallel_loop3A_411 : i32 to index
        %parallel_loop3A_429 = arith.constant 32 : index
        %parallel_loop3A_430 = tpu.vector_load %arg6[%parallel_loop3A_427, %parallel_loop3A_428, %parallel_loop3A_429] {strides = array<i32>} : memref<4x128x64xf32, #tpu.memory_space<vmem>>, vector<16xf32>,
        tpu.vector_store_idx %arg7[%add3A_11, %shift_right_arithmetic3A_38, %and3A_61, %parallel_loop3A_415], %parallel_loop3A_430 : memref<4x8x8x137xf32, #tpu.memory_space<vmem>>[vector<16xi32>, vector<16xi32>, vector<16xi32>, vector<16xi32>], vector<16xf32>,
        %parallel_loop3A_431 = arith.constant 1 : i32
        %parallel_loop3A_432 = arith.index_cast %parallel_loop3A_431 : i32 to index
        %parallel_loop3A_433 = arith.index_cast %parallel_loop3A_411 : i32 to index
        %parallel_loop3A_434 = arith.constant 48 : index
        %parallel_loop3A_435 = tpu.vector_load %arg6[%parallel_loop3A_432, %parallel_loop3A_433, %parallel_loop3A_434] {strides = array<i32>} : memref<4x128x64xf32, #tpu.memory_space<vmem>>, vector<16xf32>,
        tpu.vector_store_idx %arg7[%add3A_11, %shift_right_arithmetic3A_44, %and3A_67, %parallel_loop3A_415], %parallel_loop3A_435 : memref<4x8x8x137xf32, #tpu.memory_space<vmem>>[vector<16xi32>, vector<16xi32>, vector<16xi32>, vector<16xi32>], vector<16xf32>,
      } {sc.loop_unroll_factor = 8 : i64, sc.parallel_access}
      %dma_start3A_279 = arith.constant 1 : i32
      %dma_start3A_280 = arith.constant 0 : i32
      %dma_start3A_281 = arith.constant 0 : i32
      %dma_start3A_282 = arith.constant 0 : i32
      %dma_start3A_283 = tpu.memref_slice %arg7[%dma_start3A_279, %dma_start3A_280, %dma_start3A_281, %dma_start3A_282] : memref<4x8x8x137xf32, #tpu.memory_space<vmem>> -> memref<1x8x8x128xf32, #tpu.memory_space<vmem>>
      %dma_start3A_284 = tpu.memref_squeeze %dma_start3A_283 : memref<1x8x8x128xf32, #tpu.memory_space<vmem>> -> memref<8x8x128xf32, #tpu.memory_space<vmem>>
      %dma_start3A_285 = arith.constant 0 : i32
      %dma_start3A_286 = arith.constant 0 : i32
      %dma_start3A_287 = arith.constant 0 : i32
      %dma_start3A_288 = tpu.memref_slice %arg4[%add3A_258, %dma_start3A_285, %add3A, %dma_start3A_286, %dma_start3A_287] : memref<200x8x32x8x128xf32, #tpu.memory_space<hbm>> -> memref<1x8x1x8x128xf32, #tpu.memory_space<hbm>>
      %dma_start3A_289 = tpu.memref_squeeze %dma_start3A_288 : memref<1x8x1x8x128xf32, #tpu.memory_space<hbm>> -> memref<8x8x128xf32, #tpu.memory_space<hbm>>
      %dma_start3A_290 = arith.constant 0 : i32
      %dma_start3A_291 = arith.constant 0 : i32
      %dma_start3A_292 = arith.constant 0 : i32
      %dma_start3A_293 = tpu.memref_slice %arg4[%add3A_258, %dma_start3A_290, %add3A, %dma_start3A_291, %dma_start3A_292] : memref<200x8x32x8x128xf32, #tpu.memory_space<hbm>> -> memref<1x8x1x8x128xf32, #tpu.memory_space<hbm>>
      %dma_start3A_294 = tpu.memref_squeeze %dma_start3A_293 : memref<1x8x1x8x128xf32, #tpu.memory_space<hbm>> -> memref<8x8x128xf32, #tpu.memory_space<hbm>>
      %dma_start3A_295 = arith.constant 0 : i32
      %dma_start3A_296 = arith.constant 0 : i32
      %dma_start3A_297 = arith.constant 0 : i32
      %dma_start3A_298 = tpu.memref_slice %arg7[%dma_start3A_279, %dma_start3A_295, %dma_start3A_296, %dma_start3A_297] : memref<4x8x8x137xf32, #tpu.memory_space<vmem>> -> memref<1x8x8x128xf32, #tpu.memory_space<vmem>>
      %dma_start3A_299 = tpu.memref_squeeze %dma_start3A_298 : memref<1x8x8x128xf32, #tpu.memory_space<vmem>> -> memref<8x8x128xf32, #tpu.memory_space<vmem>>
      tpu.enqueue_dma source(%dma_start3A_299 : memref<8x8x128xf32, #tpu.memory_space<vmem>>) target(%dma_start3A_294 : memref<8x8x128xf32, #tpu.memory_space<hbm>>) target_semaphore(%arg13 : memref<!tpu.dma_semaphore, #tpu.memory_space<semaphore_mem>>)
      %add3A_300 = arith.constant 4 : i32
      %add3A_301 = arith.addi %add3A_258, %add3A_300 : i32
      %lt3A_302 = arith.constant 200 : i32
      %lt3A_303 = arith.cmpi slt, %add3A_301, %lt3A_302 : i32
      %convert_element_type3A_304 = arith.extui %lt3A_303 : i1 to i32
      %cond3A_305 = arith.constant 0 : i32
      %cond3A_306 = arith.cmpi ne, %convert_element_type3A_304, %cond3A_305 : i32
      scf.if %cond3A_306 {
        %add3A_411 = arith.constant 4 : i32
        %add3A_412 = arith.addi %add3A_258, %add3A_411 : i32
        %dma_start3A_413 = arith.constant 1 : i32
        %dma_start3A_414 = arith.constant 0 : i32
        %dma_start3A_415 = arith.constant 0 : i32
        %dma_start3A_416 = tpu.memref_slice %arg6[%dma_start3A_413, %dma_start3A_414, %dma_start3A_415] : memref<4x128x64xf32, #tpu.memory_space<vmem>> -> memref<1x128x64xf32, #tpu.memory_space<vmem>>
        %dma_start3A_417 = tpu.memref_squeeze %dma_start3A_416 : memref<1x128x64xf32, #tpu.memory_space<vmem>> -> memref<128x64xf32, #tpu.memory_space<vmem>>
        %dma_start3A_418 = arith.constant 0 : i32
        %dma_start3A_419 = tpu.memref_slice %arg5[%add3A_412, %dma_start3A_418] : memref<200x128xi32, #tpu.memory_space<vmem>> -> memref<1x128xi32, #tpu.memory_space<vmem>>
        %dma_start3A_420 = tpu.memref_squeeze %dma_start3A_419 : memref<1x128xi32, #tpu.memory_space<vmem>> -> memref<128xi32, #tpu.memory_space<vmem>>
        %dma_start3A_421 = arith.constant 0 : i32
        %dma_start3A_422 = arith.constant 0 : i32
        %dma_start3A_423 = tpu.memref_slice %arg3[%dma_start3A_421, %dma_start3A_422] : memref<1000001x64xf32, #tpu.memory_space<hbm>> -> memref<1000001x64xf32, #tpu.memory_space<hbm>>
        tpu.enqueue_indirect_dma source(%dma_start3A_423 : memref<1000001x64xf32, #tpu.memory_space<hbm>>) target(%dma_start3A_417 : memref<128x64xf32, #tpu.memory_space<vmem>>) offsets(%dma_start3A_420 : memref<128xi32, #tpu.memory_space<vmem>>) semaphore(%arg9 : memref<!tpu.dma_semaphore, #tpu.memory_space<semaphore_mem>>)
      } else {
      }
      %mul3A_307 = arith.constant 4 : i32
      %mul3A_308 = arith.muli %scan3A_207, %mul3A_307 : i32
      %add3A_309 = arith.constant 2 : i32
      %add3A_310 = arith.addi %mul3A_308, %add3A_309 : i32
      %dma_wait3A_311 = arith.constant 0 : i32
      %dma_wait3A_312 = arith.constant 2 : i32
      %dma_wait3A_313 = arith.constant 0 : i32
      %dma_wait3A_314 = arith.constant 0 : i32
      %dma_wait3A_315 = tpu.memref_slice %arg6[%dma_wait3A_312, %dma_wait3A_313, %dma_wait3A_314] : memref<4x128x64xf32, #tpu.memory_space<vmem>> -> memref<1x128x64xf32, #tpu.memory_space<vmem>>
      %dma_wait3A_316 = tpu.memref_squeeze %dma_wait3A_315 : memref<1x128x64xf32, #tpu.memory_space<vmem>> -> memref<128x64xf32, #tpu.memory_space<vmem>>
      %dma_wait3A_317 = arith.constant 0 : i32
      %dma_wait3A_318 = tpu.memref_slice %arg5[%dma_wait3A_311, %dma_wait3A_317] : memref<200x128xi32, #tpu.memory_space<vmem>> -> memref<1x128xi32, #tpu.memory_space<vmem>>
      %dma_wait3A_319 = tpu.memref_squeeze %dma_wait3A_318 : memref<1x128xi32, #tpu.memory_space<vmem>> -> memref<128xi32, #tpu.memory_space<vmem>>
      %dma_wait3A_320 = arith.constant 0 : i32
      %dma_wait3A_321 = arith.constant 0 : i32
      %dma_wait3A_322 = tpu.memref_slice %arg3[%dma_wait3A_320, %dma_wait3A_321] : memref<1000001x64xf32, #tpu.memory_space<hbm>> -> memref<1000001x64xf32, #tpu.memory_space<hbm>>
      tpu.wait_indirect_dma semaphore(%arg10 : memref<!tpu.dma_semaphore, #tpu.memory_space<semaphore_mem>>) src(%dma_wait3A_322 : memref<1000001x64xf32, #tpu.memory_space<hbm>>) dst(%dma_wait3A_316 : memref<128x64xf32, #tpu.memory_space<vmem>>)
      %gt3A_323 = arith.constant 0 : i32
      %gt3A_324 = arith.cmpi sgt, %scan3A_207, %gt3A_323 : i32
      %convert_element_type3A_325 = arith.extui %gt3A_324 : i1 to i32
      %cond3A_326 = arith.constant 0 : i32
      %cond3A_327 = arith.cmpi ne, %convert_element_type3A_325, %cond3A_326 : i32
      scf.if %cond3A_327 {
        %dma_wait3A_411 = arith.constant 2 : i32
        %dma_wait3A_412 = arith.constant 0 : i32
        %dma_wait3A_413 = arith.constant 0 : i32
        %dma_wait3A_414 = arith.constant 0 : i32
        %dma_wait3A_415 = arith.constant 0 : i32
        %dma_wait3A_416 = tpu.memref_slice %arg7[%dma_wait3A_411, %dma_wait3A_413, %dma_wait3A_414, %dma_wait3A_415] : memref<4x8x8x137xf32, #tpu.memory_space<vmem>> -> memref<1x8x8x128xf32, #tpu.memory_space<vmem>>
        %dma_wait3A_417 = tpu.memref_squeeze %dma_wait3A_416 : memref<1x8x8x128xf32, #tpu.memory_space<vmem>> -> memref<8x8x128xf32, #tpu.memory_space<vmem>>
        %dma_wait3A_418 = arith.constant 0 : i32
        %dma_wait3A_419 = arith.constant 0 : i32
        %dma_wait3A_420 = arith.constant 0 : i32
        %dma_wait3A_421 = tpu.memref_slice %arg4[%dma_wait3A_412, %dma_wait3A_418, %add3A, %dma_wait3A_419, %dma_wait3A_420] : memref<200x8x32x8x128xf32, #tpu.memory_space<hbm>> -> memref<1x8x1x8x128xf32, #tpu.memory_space<hbm>>
        %dma_wait3A_422 = tpu.memref_squeeze %dma_wait3A_421 : memref<1x8x1x8x128xf32, #tpu.memory_space<hbm>> -> memref<8x8x128xf32, #tpu.memory_space<hbm>>
        %dma_wait3A_423 = arith.constant 0 : i32
        %dma_wait3A_424 = arith.constant 0 : i32
        %dma_wait3A_425 = arith.constant 0 : i32
        %dma_wait3A_426 = tpu.memref_slice %arg4[%dma_wait3A_412, %dma_wait3A_423, %add3A, %dma_wait3A_424, %dma_wait3A_425] : memref<200x8x32x8x128xf32, #tpu.memory_space<hbm>> -> memref<1x8x1x8x128xf32, #tpu.memory_space<hbm>>
        %dma_wait3A_427 = tpu.memref_squeeze %dma_wait3A_426 : memref<1x8x1x8x128xf32, #tpu.memory_space<hbm>> -> memref<8x8x128xf32, #tpu.memory_space<hbm>>
        %dma_wait3A_428 = arith.constant 0 : i32
        %dma_wait3A_429 = arith.constant 0 : i32
        %dma_wait3A_430 = arith.constant 0 : i32
        %dma_wait3A_431 = tpu.memref_slice %arg7[%dma_wait3A_411, %dma_wait3A_428, %dma_wait3A_429, %dma_wait3A_430] : memref<4x8x8x137xf32, #tpu.memory_space<vmem>> -> memref<1x8x8x128xf32, #tpu.memory_space<vmem>>
        %dma_wait3A_432 = tpu.memref_squeeze %dma_wait3A_431 : memref<1x8x8x128xf32, #tpu.memory_space<vmem>> -> memref<8x8x128xf32, #tpu.memory_space<vmem>>
        tpu.wait_dma2 semaphore(%arg14 : memref<!tpu.dma_semaphore, #tpu.memory_space<semaphore_mem>>) src(%dma_wait3A_432 : memref<8x8x128xf32, #tpu.memory_space<vmem>>) dst(%dma_wait3A_427 : memref<8x8x128xf32, #tpu.memory_space<hbm>>)
      } else {
      }
      %parallel_loop3A_328 = arith.constant 0 : i32
      %parallel_loop3A_329 = arith.constant 128 : i32
      %parallel_loop3A_330 = arith.constant 1 : i32
      scf.for %parallel_loop3A_411 = %parallel_loop3A_328 to %parallel_loop3A_329 step %parallel_loop3A_330  : i32 {
        %parallel_loop3A_412 = arith.constant 0 : i32
        %parallel_loop3A_413 = vector.broadcast %parallel_loop3A_412 : i32 to vector<16xi32>
        %parallel_loop3A_414 = vector.broadcast %parallel_loop3A_411 : i32 to vector<16xi32>
        %parallel_loop3A_415 = arith.addi %parallel_loop3A_413, %parallel_loop3A_414 : vector<16xi32>
        %parallel_loop3A_416 = arith.constant 2 : i32
        %parallel_loop3A_417 = arith.index_cast %parallel_loop3A_416 : i32 to index
        %parallel_loop3A_418 = arith.index_cast %parallel_loop3A_411 : i32 to index
        %parallel_loop3A_419 = arith.constant 0 : index
        %parallel_loop3A_420 = tpu.vector_load %arg6[%parallel_loop3A_417, %parallel_loop3A_418, %parallel_loop3A_419] {strides = array<i32>} : memref<4x128x64xf32, #tpu.memory_space<vmem>>, vector<16xf32>,
        tpu.vector_store_idx %arg7[%add3A_16, %shift_right_arithmetic3A_26, %and3A_49, %parallel_loop3A_415], %parallel_loop3A_420 : memref<4x8x8x137xf32, #tpu.memory_space<vmem>>[vector<16xi32>, vector<16xi32>, vector<16xi32>, vector<16xi32>], vector<16xf32>,
        %parallel_loop3A_421 = arith.constant 2 : i32
        %parallel_loop3A_422 = arith.index_cast %parallel_loop3A_421 : i32 to index
        %parallel_loop3A_423 = arith.index_cast %parallel_loop3A_411 : i32 to index
        %parallel_loop3A_424 = arith.constant 16 : index
        %parallel_loop3A_425 = tpu.vector_load %arg6[%parallel_loop3A_422, %parallel_loop3A_423, %parallel_loop3A_424] {strides = array<i32>} : memref<4x128x64xf32, #tpu.memory_space<vmem>>, vector<16xf32>,
        tpu.vector_store_idx %arg7[%add3A_16, %shift_right_arithmetic3A_32, %and3A_55, %parallel_loop3A_415], %parallel_loop3A_425 : memref<4x8x8x137xf32, #tpu.memory_space<vmem>>[vector<16xi32>, vector<16xi32>, vector<16xi32>, vector<16xi32>], vector<16xf32>,
        %parallel_loop3A_426 = arith.constant 2 : i32
        %parallel_loop3A_427 = arith.index_cast %parallel_loop3A_426 : i32 to index
        %parallel_loop3A_428 = arith.index_cast %parallel_loop3A_411 : i32 to index
        %parallel_loop3A_429 = arith.constant 32 : index
        %parallel_loop3A_430 = tpu.vector_load %arg6[%parallel_loop3A_427, %parallel_loop3A_428, %parallel_loop3A_429] {strides = array<i32>} : memref<4x128x64xf32, #tpu.memory_space<vmem>>, vector<16xf32>,
        tpu.vector_store_idx %arg7[%add3A_16, %shift_right_arithmetic3A_38, %and3A_61, %parallel_loop3A_415], %parallel_loop3A_430 : memref<4x8x8x137xf32, #tpu.memory_space<vmem>>[vector<16xi32>, vector<16xi32>, vector<16xi32>, vector<16xi32>], vector<16xf32>,
        %parallel_loop3A_431 = arith.constant 2 : i32
        %parallel_loop3A_432 = arith.index_cast %parallel_loop3A_431 : i32 to index
        %parallel_loop3A_433 = arith.index_cast %parallel_loop3A_411 : i32 to index
        %parallel_loop3A_434 = arith.constant 48 : index
        %parallel_loop3A_435 = tpu.vector_load %arg6[%parallel_loop3A_432, %parallel_loop3A_433, %parallel_loop3A_434] {strides = array<i32>} : memref<4x128x64xf32, #tpu.memory_space<vmem>>, vector<16xf32>,
        tpu.vector_store_idx %arg7[%add3A_16, %shift_right_arithmetic3A_44, %and3A_67, %parallel_loop3A_415], %parallel_loop3A_435 : memref<4x8x8x137xf32, #tpu.memory_space<vmem>>[vector<16xi32>, vector<16xi32>, vector<16xi32>, vector<16xi32>], vector<16xf32>,
      } {sc.loop_unroll_factor = 8 : i64, sc.parallel_access}
      %dma_start3A_331 = arith.constant 2 : i32
      %dma_start3A_332 = arith.constant 0 : i32
      %dma_start3A_333 = arith.constant 0 : i32
      %dma_start3A_334 = arith.constant 0 : i32
      %dma_start3A_335 = tpu.memref_slice %arg7[%dma_start3A_331, %dma_start3A_332, %dma_start3A_333, %dma_start3A_334] : memref<4x8x8x137xf32, #tpu.memory_space<vmem>> -> memref<1x8x8x128xf32, #tpu.memory_space<vmem>>
      %dma_start3A_336 = tpu.memref_squeeze %dma_start3A_335 : memref<1x8x8x128xf32, #tpu.memory_space<vmem>> -> memref<8x8x128xf32, #tpu.memory_space<vmem>>
      %dma_start3A_337 = arith.constant 0 : i32
      %dma_start3A_338 = arith.constant 0 : i32
      %dma_start3A_339 = arith.constant 0 : i32
      %dma_start3A_340 = tpu.memref_slice %arg4[%add3A_310, %dma_start3A_337, %add3A, %dma_start3A_338, %dma_start3A_339] : memref<200x8x32x8x128xf32, #tpu.memory_space<hbm>> -> memref<1x8x1x8x128xf32, #tpu.memory_space<hbm>>
      %dma_start3A_341 = tpu.memref_squeeze %dma_start3A_340 : memref<1x8x1x8x128xf32, #tpu.memory_space<hbm>> -> memref<8x8x128xf32, #tpu.memory_space<hbm>>
      %dma_start3A_342 = arith.constant 0 : i32
      %dma_start3A_343 = arith.constant 0 : i32
      %dma_start3A_344 = arith.constant 0 : i32
      %dma_start3A_345 = tpu.memref_slice %arg4[%add3A_310, %dma_start3A_342, %add3A, %dma_start3A_343, %dma_start3A_344] : memref<200x8x32x8x128xf32, #tpu.memory_space<hbm>> -> memref<1x8x1x8x128xf32, #tpu.memory_space<hbm>>
      %dma_start3A_346 = tpu.memref_squeeze %dma_start3A_345 : memref<1x8x1x8x128xf32, #tpu.memory_space<hbm>> -> memref<8x8x128xf32, #tpu.memory_space<hbm>>
      %dma_start3A_347 = arith.constant 0 : i32
      %dma_start3A_348 = arith.constant 0 : i32
      %dma_start3A_349 = arith.constant 0 : i32
      %dma_start3A_350 = tpu.memref_slice %arg7[%dma_start3A_331, %dma_start3A_347, %dma_start3A_348, %dma_start3A_349] : memref<4x8x8x137xf32, #tpu.memory_space<vmem>> -> memref<1x8x8x128xf32, #tpu.memory_space<vmem>>
      %dma_start3A_351 = tpu.memref_squeeze %dma_start3A_350 : memref<1x8x8x128xf32, #tpu.memory_space<vmem>> -> memref<8x8x128xf32, #tpu.memory_space<vmem>>
      tpu.enqueue_dma source(%dma_start3A_351 : memref<8x8x128xf32, #tpu.memory_space<vmem>>) target(%dma_start3A_346 : memref<8x8x128xf32, #tpu.memory_space<hbm>>) target_semaphore(%arg14 : memref<!tpu.dma_semaphore, #tpu.memory_space<semaphore_mem>>)
      %add3A_352 = arith.constant 4 : i32
      %add3A_353 = arith.addi %add3A_310, %add3A_352 : i32
      %lt3A_354 = arith.constant 200 : i32
      %lt3A_355 = arith.cmpi slt, %add3A_353, %lt3A_354 : i32
      %convert_element_type3A_356 = arith.extui %lt3A_355 : i1 to i32
      %cond3A_357 = arith.constant 0 : i32
      %cond3A_358 = arith.cmpi ne, %convert_element_type3A_356, %cond3A_357 : i32
      scf.if %cond3A_358 {
        %add3A_411 = arith.constant 4 : i32
        %add3A_412 = arith.addi %add3A_310, %add3A_411 : i32
        %dma_start3A_413 = arith.constant 2 : i32
        %dma_start3A_414 = arith.constant 0 : i32
        %dma_start3A_415 = arith.constant 0 : i32
        %dma_start3A_416 = tpu.memref_slice %arg6[%dma_start3A_413, %dma_start3A_414, %dma_start3A_415] : memref<4x128x64xf32, #tpu.memory_space<vmem>> -> memref<1x128x64xf32, #tpu.memory_space<vmem>>
        %dma_start3A_417 = tpu.memref_squeeze %dma_start3A_416 : memref<1x128x64xf32, #tpu.memory_space<vmem>> -> memref<128x64xf32, #tpu.memory_space<vmem>>
        %dma_start3A_418 = arith.constant 0 : i32
        %dma_start3A_419 = tpu.memref_slice %arg5[%add3A_412, %dma_start3A_418] : memref<200x128xi32, #tpu.memory_space<vmem>> -> memref<1x128xi32, #tpu.memory_space<vmem>>
        %dma_start3A_420 = tpu.memref_squeeze %dma_start3A_419 : memref<1x128xi32, #tpu.memory_space<vmem>> -> memref<128xi32, #tpu.memory_space<vmem>>
        %dma_start3A_421 = arith.constant 0 : i32
        %dma_start3A_422 = arith.constant 0 : i32
        %dma_start3A_423 = tpu.memref_slice %arg3[%dma_start3A_421, %dma_start3A_422] : memref<1000001x64xf32, #tpu.memory_space<hbm>> -> memref<1000001x64xf32, #tpu.memory_space<hbm>>
        tpu.enqueue_indirect_dma source(%dma_start3A_423 : memref<1000001x64xf32, #tpu.memory_space<hbm>>) target(%dma_start3A_417 : memref<128x64xf32, #tpu.memory_space<vmem>>) offsets(%dma_start3A_420 : memref<128xi32, #tpu.memory_space<vmem>>) semaphore(%arg10 : memref<!tpu.dma_semaphore, #tpu.memory_space<semaphore_mem>>)
      } else {
      }
      %mul3A_359 = arith.constant 4 : i32
      %mul3A_360 = arith.muli %scan3A_207, %mul3A_359 : i32
      %add3A_361 = arith.constant 3 : i32
      %add3A_362 = arith.addi %mul3A_360, %add3A_361 : i32
      %dma_wait3A_363 = arith.constant 0 : i32
      %dma_wait3A_364 = arith.constant 3 : i32
      %dma_wait3A_365 = arith.constant 0 : i32
      %dma_wait3A_366 = arith.constant 0 : i32
      %dma_wait3A_367 = tpu.memref_slice %arg6[%dma_wait3A_364, %dma_wait3A_365, %dma_wait3A_366] : memref<4x128x64xf32, #tpu.memory_space<vmem>> -> memref<1x128x64xf32, #tpu.memory_space<vmem>>
      %dma_wait3A_368 = tpu.memref_squeeze %dma_wait3A_367 : memref<1x128x64xf32, #tpu.memory_space<vmem>> -> memref<128x64xf32, #tpu.memory_space<vmem>>
      %dma_wait3A_369 = arith.constant 0 : i32
      %dma_wait3A_370 = tpu.memref_slice %arg5[%dma_wait3A_363, %dma_wait3A_369] : memref<200x128xi32, #tpu.memory_space<vmem>> -> memref<1x128xi32, #tpu.memory_space<vmem>>
      %dma_wait3A_371 = tpu.memref_squeeze %dma_wait3A_370 : memref<1x128xi32, #tpu.memory_space<vmem>> -> memref<128xi32, #tpu.memory_space<vmem>>
      %dma_wait3A_372 = arith.constant 0 : i32
      %dma_wait3A_373 = arith.constant 0 : i32
      %dma_wait3A_374 = tpu.memref_slice %arg3[%dma_wait3A_372, %dma_wait3A_373] : memref<1000001x64xf32, #tpu.memory_space<hbm>> -> memref<1000001x64xf32, #tpu.memory_space<hbm>>
      tpu.wait_indirect_dma semaphore(%arg11 : memref<!tpu.dma_semaphore, #tpu.memory_space<semaphore_mem>>) src(%dma_wait3A_374 : memref<1000001x64xf32, #tpu.memory_space<hbm>>) dst(%dma_wait3A_368 : memref<128x64xf32, #tpu.memory_space<vmem>>)
      %gt3A_375 = arith.constant 0 : i32
      %gt3A_376 = arith.cmpi sgt, %scan3A_207, %gt3A_375 : i32
      %convert_element_type3A_377 = arith.extui %gt3A_376 : i1 to i32
      %cond3A_378 = arith.constant 0 : i32
      %cond3A_379 = arith.cmpi ne, %convert_element_type3A_377, %cond3A_378 : i32
      scf.if %cond3A_379 {
        %dma_wait3A_411 = arith.constant 3 : i32
        %dma_wait3A_412 = arith.constant 0 : i32
        %dma_wait3A_413 = arith.constant 0 : i32
        %dma_wait3A_414 = arith.constant 0 : i32
        %dma_wait3A_415 = arith.constant 0 : i32
        %dma_wait3A_416 = tpu.memref_slice %arg7[%dma_wait3A_411, %dma_wait3A_413, %dma_wait3A_414, %dma_wait3A_415] : memref<4x8x8x137xf32, #tpu.memory_space<vmem>> -> memref<1x8x8x128xf32, #tpu.memory_space<vmem>>
        %dma_wait3A_417 = tpu.memref_squeeze %dma_wait3A_416 : memref<1x8x8x128xf32, #tpu.memory_space<vmem>> -> memref<8x8x128xf32, #tpu.memory_space<vmem>>
        %dma_wait3A_418 = arith.constant 0 : i32
        %dma_wait3A_419 = arith.constant 0 : i32
        %dma_wait3A_420 = arith.constant 0 : i32
        %dma_wait3A_421 = tpu.memref_slice %arg4[%dma_wait3A_412, %dma_wait3A_418, %add3A, %dma_wait3A_419, %dma_wait3A_420] : memref<200x8x32x8x128xf32, #tpu.memory_space<hbm>> -> memref<1x8x1x8x128xf32, #tpu.memory_space<hbm>>
        %dma_wait3A_422 = tpu.memref_squeeze %dma_wait3A_421 : memref<1x8x1x8x128xf32, #tpu.memory_space<hbm>> -> memref<8x8x128xf32, #tpu.memory_space<hbm>>
        %dma_wait3A_423 = arith.constant 0 : i32
        %dma_wait3A_424 = arith.constant 0 : i32
        %dma_wait3A_425 = arith.constant 0 : i32
        %dma_wait3A_426 = tpu.memref_slice %arg4[%dma_wait3A_412, %dma_wait3A_423, %add3A, %dma_wait3A_424, %dma_wait3A_425] : memref<200x8x32x8x128xf32, #tpu.memory_space<hbm>> -> memref<1x8x1x8x128xf32, #tpu.memory_space<hbm>>
        %dma_wait3A_427 = tpu.memref_squeeze %dma_wait3A_426 : memref<1x8x1x8x128xf32, #tpu.memory_space<hbm>> -> memref<8x8x128xf32, #tpu.memory_space<hbm>>
        %dma_wait3A_428 = arith.constant 0 : i32
        %dma_wait3A_429 = arith.constant 0 : i32
        %dma_wait3A_430 = arith.constant 0 : i32
        %dma_wait3A_431 = tpu.memref_slice %arg7[%dma_wait3A_411, %dma_wait3A_428, %dma_wait3A_429, %dma_wait3A_430] : memref<4x8x8x137xf32, #tpu.memory_space<vmem>> -> memref<1x8x8x128xf32, #tpu.memory_space<vmem>>
        %dma_wait3A_432 = tpu.memref_squeeze %dma_wait3A_431 : memref<1x8x8x128xf32, #tpu.memory_space<vmem>> -> memref<8x8x128xf32, #tpu.memory_space<vmem>>
        tpu.wait_dma2 semaphore(%arg15 : memref<!tpu.dma_semaphore, #tpu.memory_space<semaphore_mem>>) src(%dma_wait3A_432 : memref<8x8x128xf32, #tpu.memory_space<vmem>>) dst(%dma_wait3A_427 : memref<8x8x128xf32, #tpu.memory_space<hbm>>)
      } else {
      }
      %parallel_loop3A_380 = arith.constant 0 : i32
      %parallel_loop3A_381 = arith.constant 128 : i32
      %parallel_loop3A_382 = arith.constant 1 : i32
      scf.for %parallel_loop3A_411 = %parallel_loop3A_380 to %parallel_loop3A_381 step %parallel_loop3A_382  : i32 {
        %parallel_loop3A_412 = arith.constant 0 : i32
        %parallel_loop3A_413 = vector.broadcast %parallel_loop3A_412 : i32 to vector<16xi32>
        %parallel_loop3A_414 = vector.broadcast %parallel_loop3A_411 : i32 to vector<16xi32>
        %parallel_loop3A_415 = arith.addi %parallel_loop3A_413, %parallel_loop3A_414 : vector<16xi32>
        %parallel_loop3A_416 = arith.constant 3 : i32
        %parallel_loop3A_417 = arith.index_cast %parallel_loop3A_416 : i32 to index
        %parallel_loop3A_418 = arith.index_cast %parallel_loop3A_411 : i32 to index
        %parallel_loop3A_419 = arith.constant 0 : index
        %parallel_loop3A_420 = tpu.vector_load %arg6[%parallel_loop3A_417, %parallel_loop3A_418, %parallel_loop3A_419] {strides = array<i32>} : memref<4x128x64xf32, #tpu.memory_space<vmem>>, vector<16xf32>,
        tpu.vector_store_idx %arg7[%add3A_21, %shift_right_arithmetic3A_26, %and3A_49, %parallel_loop3A_415], %parallel_loop3A_420 : memref<4x8x8x137xf32, #tpu.memory_space<vmem>>[vector<16xi32>, vector<16xi32>, vector<16xi32>, vector<16xi32>], vector<16xf32>,
        %parallel_loop3A_421 = arith.constant 3 : i32
        %parallel_loop3A_422 = arith.index_cast %parallel_loop3A_421 : i32 to index
        %parallel_loop3A_423 = arith.index_cast %parallel_loop3A_411 : i32 to index
        %parallel_loop3A_424 = arith.constant 16 : index
        %parallel_loop3A_425 = tpu.vector_load %arg6[%parallel_loop3A_422, %parallel_loop3A_423, %parallel_loop3A_424] {strides = array<i32>} : memref<4x128x64xf32, #tpu.memory_space<vmem>>, vector<16xf32>,
        tpu.vector_store_idx %arg7[%add3A_21, %shift_right_arithmetic3A_32, %and3A_55, %parallel_loop3A_415], %parallel_loop3A_425 : memref<4x8x8x137xf32, #tpu.memory_space<vmem>>[vector<16xi32>, vector<16xi32>, vector<16xi32>, vector<16xi32>], vector<16xf32>,
        %parallel_loop3A_426 = arith.constant 3 : i32
        %parallel_loop3A_427 = arith.index_cast %parallel_loop3A_426 : i32 to index
        %parallel_loop3A_428 = arith.index_cast %parallel_loop3A_411 : i32 to index
        %parallel_loop3A_429 = arith.constant 32 : index
        %parallel_loop3A_430 = tpu.vector_load %arg6[%parallel_loop3A_427, %parallel_loop3A_428, %parallel_loop3A_429] {strides = array<i32>} : memref<4x128x64xf32, #tpu.memory_space<vmem>>, vector<16xf32>,
        tpu.vector_store_idx %arg7[%add3A_21, %shift_right_arithmetic3A_38, %and3A_61, %parallel_loop3A_415], %parallel_loop3A_430 : memref<4x8x8x137xf32, #tpu.memory_space<vmem>>[vector<16xi32>, vector<16xi32>, vector<16xi32>, vector<16xi32>], vector<16xf32>,
        %parallel_loop3A_431 = arith.constant 3 : i32
        %parallel_loop3A_432 = arith.index_cast %parallel_loop3A_431 : i32 to index
        %parallel_loop3A_433 = arith.index_cast %parallel_loop3A_411 : i32 to index
        %parallel_loop3A_434 = arith.constant 48 : index
        %parallel_loop3A_435 = tpu.vector_load %arg6[%parallel_loop3A_432, %parallel_loop3A_433, %parallel_loop3A_434] {strides = array<i32>} : memref<4x128x64xf32, #tpu.memory_space<vmem>>, vector<16xf32>,
        tpu.vector_store_idx %arg7[%add3A_21, %shift_right_arithmetic3A_44, %and3A_67, %parallel_loop3A_415], %parallel_loop3A_435 : memref<4x8x8x137xf32, #tpu.memory_space<vmem>>[vector<16xi32>, vector<16xi32>, vector<16xi32>, vector<16xi32>], vector<16xf32>,
      } {sc.loop_unroll_factor = 8 : i64, sc.parallel_access}
      %dma_start3A_383 = arith.constant 3 : i32
      %dma_start3A_384 = arith.constant 0 : i32
      %dma_start3A_385 = arith.constant 0 : i32
      %dma_start3A_386 = arith.constant 0 : i32
      %dma_start3A_387 = tpu.memref_slice %arg7[%dma_start3A_383, %dma_start3A_384, %dma_start3A_385, %dma_start3A_386] : memref<4x8x8x137xf32, #tpu.memory_space<vmem>> -> memref<1x8x8x128xf32, #tpu.memory_space<vmem>>
      %dma_start3A_388 = tpu.memref_squeeze %dma_start3A_387 : memref<1x8x8x128xf32, #tpu.memory_space<vmem>> -> memref<8x8x128xf32, #tpu.memory_space<vmem>>
      %dma_start3A_389 = arith.constant 0 : i32
      %dma_start3A_390 = arith.constant 0 : i32
      %dma_start3A_391 = arith.constant 0 : i32
      %dma_start3A_392 = tpu.memref_slice %arg4[%add3A_362, %dma_start3A_389, %add3A, %dma_start3A_390, %dma_start3A_391] : memref<200x8x32x8x128xf32, #tpu.memory_space<hbm>> -> memref<1x8x1x8x128xf32, #tpu.memory_space<hbm>>
      %dma_start3A_393 = tpu.memref_squeeze %dma_start3A_392 : memref<1x8x1x8x128xf32, #tpu.memory_space<hbm>> -> memref<8x8x128xf32, #tpu.memory_space<hbm>>
      %dma_start3A_394 = arith.constant 0 : i32
      %dma_start3A_395 = arith.constant 0 : i32
      %dma_start3A_396 = arith.constant 0 : i32
      %dma_start3A_397 = tpu.memref_slice %arg4[%add3A_362, %dma_start3A_394, %add3A, %dma_start3A_395, %dma_start3A_396] : memref<200x8x32x8x128xf32, #tpu.memory_space<hbm>> -> memref<1x8x1x8x128xf32, #tpu.memory_space<hbm>>
      %dma_start3A_398 = tpu.memref_squeeze %dma_start3A_397 : memref<1x8x1x8x128xf32, #tpu.memory_space<hbm>> -> memref<8x8x128xf32, #tpu.memory_space<hbm>>
      %dma_start3A_399 = arith.constant 0 : i32
      %dma_start3A_400 = arith.constant 0 : i32
      %dma_start3A_401 = arith.constant 0 : i32
      %dma_start3A_402 = tpu.memref_slice %arg7[%dma_start3A_383, %dma_start3A_399, %dma_start3A_400, %dma_start3A_401] : memref<4x8x8x137xf32, #tpu.memory_space<vmem>> -> memref<1x8x8x128xf32, #tpu.memory_space<vmem>>
      %dma_start3A_403 = tpu.memref_squeeze %dma_start3A_402 : memref<1x8x8x128xf32, #tpu.memory_space<vmem>> -> memref<8x8x128xf32, #tpu.memory_space<vmem>>
      tpu.enqueue_dma source(%dma_start3A_403 : memref<8x8x128xf32, #tpu.memory_space<vmem>>) target(%dma_start3A_398 : memref<8x8x128xf32, #tpu.memory_space<hbm>>) target_semaphore(%arg15 : memref<!tpu.dma_semaphore, #tpu.memory_space<semaphore_mem>>)
      %add3A_404 = arith.constant 4 : i32
      %add3A_405 = arith.addi %add3A_362, %add3A_404 : i32
      %lt3A_406 = arith.constant 200 : i32
      %lt3A_407 = arith.cmpi slt, %add3A_405, %lt3A_406 : i32
      %convert_element_type3A_408 = arith.extui %lt3A_407 : i1 to i32
      %cond3A_409 = arith.constant 0 : i32
      %cond3A_410 = arith.cmpi ne, %convert_element_type3A_408, %cond3A_409 : i32
      scf.if %cond3A_410 {
        %add3A_411 = arith.constant 4 : i32
        %add3A_412 = arith.addi %add3A_362, %add3A_411 : i32
        %dma_start3A_413 = arith.constant 3 : i32
        %dma_start3A_414 = arith.constant 0 : i32
        %dma_start3A_415 = arith.constant 0 : i32
        %dma_start3A_416 = tpu.memref_slice %arg6[%dma_start3A_413, %dma_start3A_414, %dma_start3A_415] : memref<4x128x64xf32, #tpu.memory_space<vmem>> -> memref<1x128x64xf32, #tpu.memory_space<vmem>>
        %dma_start3A_417 = tpu.memref_squeeze %dma_start3A_416 : memref<1x128x64xf32, #tpu.memory_space<vmem>> -> memref<128x64xf32, #tpu.memory_space<vmem>>
        %dma_start3A_418 = arith.constant 0 : i32
        %dma_start3A_419 = tpu.memref_slice %arg5[%add3A_412, %dma_start3A_418] : memref<200x128xi32, #tpu.memory_space<vmem>> -> memref<1x128xi32, #tpu.memory_space<vmem>>
        %dma_start3A_420 = tpu.memref_squeeze %dma_start3A_419 : memref<1x128xi32, #tpu.memory_space<vmem>> -> memref<128xi32, #tpu.memory_space<vmem>>
        %dma_start3A_421 = arith.constant 0 : i32
        %dma_start3A_422 = arith.constant 0 : i32
        %dma_start3A_423 = tpu.memref_slice %arg3[%dma_start3A_421, %dma_start3A_422] : memref<1000001x64xf32, #tpu.memory_space<hbm>> -> memref<1000001x64xf32, #tpu.memory_space<hbm>>
        tpu.enqueue_indirect_dma source(%dma_start3A_423 : memref<1000001x64xf32, #tpu.memory_space<hbm>>) target(%dma_start3A_417 : memref<128x64xf32, #tpu.memory_space<vmem>>) offsets(%dma_start3A_420 : memref<128xi32, #tpu.memory_space<vmem>>) semaphore(%arg11 : memref<!tpu.dma_semaphore, #tpu.memory_space<semaphore_mem>>)
      } else {
      }
    }
    %scan3A_119 = arith.constant 50 : i32
    %dma_wait3A = arith.constant 0 : i32
    %dma_wait3A_120 = arith.constant 0 : i32
    %dma_wait3A_121 = arith.constant 0 : i32
    %dma_wait3A_122 = arith.constant 0 : i32
    %dma_wait3A_123 = arith.constant 0 : i32
    %dma_wait3A_124 = tpu.memref_slice %arg7[%dma_wait3A, %dma_wait3A_121, %dma_wait3A_122, %dma_wait3A_123] : memref<4x8x8x137xf32, #tpu.memory_space<vmem>> -> memref<1x8x8x128xf32, #tpu.memory_space<vmem>>
    %dma_wait3A_125 = tpu.memref_squeeze %dma_wait3A_124 : memref<1x8x8x128xf32, #tpu.memory_space<vmem>> -> memref<8x8x128xf32, #tpu.memory_space<vmem>>
    %dma_wait3A_126 = arith.constant 0 : i32
    %dma_wait3A_127 = arith.constant 0 : i32
    %dma_wait3A_128 = arith.constant 0 : i32
    %dma_wait3A_129 = tpu.memref_slice %arg4[%dma_wait3A_120, %dma_wait3A_126, %add3A, %dma_wait3A_127, %dma_wait3A_128] : memref<200x8x32x8x128xf32, #tpu.memory_space<hbm>> -> memref<1x8x1x8x128xf32, #tpu.memory_space<hbm>>
    %dma_wait3A_130 = tpu.memref_squeeze %dma_wait3A_129 : memref<1x8x1x8x128xf32, #tpu.memory_space<hbm>> -> memref<8x8x128xf32, #tpu.memory_space<hbm>>
    %dma_wait3A_131 = arith.constant 0 : i32
    %dma_wait3A_132 = arith.constant 0 : i32
    %dma_wait3A_133 = arith.constant 0 : i32
    %dma_wait3A_134 = tpu.memref_slice %arg4[%dma_wait3A_120, %dma_wait3A_131, %add3A, %dma_wait3A_132, %dma_wait3A_133] : memref<200x8x32x8x128xf32, #tpu.memory_space<hbm>> -> memref<1x8x1x8x128xf32, #tpu.memory_space<hbm>>
    %dma_wait3A_135 = tpu.memref_squeeze %dma_wait3A_134 : memref<1x8x1x8x128xf32, #tpu.memory_space<hbm>> -> memref<8x8x128xf32, #tpu.memory_space<hbm>>
    %dma_wait3A_136 = arith.constant 0 : i32
    %dma_wait3A_137 = arith.constant 0 : i32
    %dma_wait3A_138 = arith.constant 0 : i32
    %dma_wait3A_139 = tpu.memref_slice %arg7[%dma_wait3A, %dma_wait3A_136, %dma_wait3A_137, %dma_wait3A_138] : memref<4x8x8x137xf32, #tpu.memory_space<vmem>> -> memref<1x8x8x128xf32, #tpu.memory_space<vmem>>
    %dma_wait3A_140 = tpu.memref_squeeze %dma_wait3A_139 : memref<1x8x8x128xf32, #tpu.memory_space<vmem>> -> memref<8x8x128xf32, #tpu.memory_space<vmem>>
    tpu.wait_dma2 semaphore(%arg12 : memref<!tpu.dma_semaphore, #tpu.memory_space<semaphore_mem>>) src(%dma_wait3A_140 : memref<8x8x128xf32, #tpu.memory_space<vmem>>) dst(%dma_wait3A_135 : memref<8x8x128xf32, #tpu.memory_space<hbm>>)
    %dma_wait3A_141 = arith.constant 1 : i32
    %dma_wait3A_142 = arith.constant 0 : i32
    %dma_wait3A_143 = arith.constant 0 : i32
    %dma_wait3A_144 = arith.constant 0 : i32
    %dma_wait3A_145 = arith.constant 0 : i32
    %dma_wait3A_146 = tpu.memref_slice %arg7[%dma_wait3A_141, %dma_wait3A_143, %dma_wait3A_144, %dma_wait3A_145] : memref<4x8x8x137xf32, #tpu.memory_space<vmem>> -> memref<1x8x8x128xf32, #tpu.memory_space<vmem>>
    %dma_wait3A_147 = tpu.memref_squeeze %dma_wait3A_146 : memref<1x8x8x128xf32, #tpu.memory_space<vmem>> -> memref<8x8x128xf32, #tpu.memory_space<vmem>>
    %dma_wait3A_148 = arith.constant 0 : i32
    %dma_wait3A_149 = arith.constant 0 : i32
    %dma_wait3A_150 = arith.constant 0 : i32
    %dma_wait3A_151 = tpu.memref_slice %arg4[%dma_wait3A_142, %dma_wait3A_148, %add3A, %dma_wait3A_149, %dma_wait3A_150] : memref<200x8x32x8x128xf32, #tpu.memory_space<hbm>> -> memref<1x8x1x8x128xf32, #tpu.memory_space<hbm>>
    %dma_wait3A_152 = tpu.memref_squeeze %dma_wait3A_151 : memref<1x8x1x8x128xf32, #tpu.memory_space<hbm>> -> memref<8x8x128xf32, #tpu.memory_space<hbm>>
    %dma_wait3A_153 = arith.constant 0 : i32
    %dma_wait3A_154 = arith.constant 0 : i32
    %dma_wait3A_155 = arith.constant 0 : i32
    %dma_wait3A_156 = tpu.memref_slice %arg4[%dma_wait3A_142, %dma_wait3A_153, %add3A, %dma_wait3A_154, %dma_wait3A_155] : memref<200x8x32x8x128xf32, #tpu.memory_space<hbm>> -> memref<1x8x1x8x128xf32, #tpu.memory_space<hbm>>
    %dma_wait3A_157 = tpu.memref_squeeze %dma_wait3A_156 : memref<1x8x1x8x128xf32, #tpu.memory_space<hbm>> -> memref<8x8x128xf32, #tpu.memory_space<hbm>>
    %dma_wait3A_158 = arith.constant 0 : i32
    %dma_wait3A_159 = arith.constant 0 : i32
    %dma_wait3A_160 = arith.constant 0 : i32
    %dma_wait3A_161 = tpu.memref_slice %arg7[%dma_wait3A_141, %dma_wait3A_158, %dma_wait3A_159, %dma_wait3A_160] : memref<4x8x8x137xf32, #tpu.memory_space<vmem>> -> memref<1x8x8x128xf32, #tpu.memory_space<vmem>>
    %dma_wait3A_162 = tpu.memref_squeeze %dma_wait3A_161 : memref<1x8x8x128xf32, #tpu.memory_space<vmem>> -> memref<8x8x128xf32, #tpu.memory_space<vmem>>
    tpu.wait_dma2 semaphore(%arg13 : memref<!tpu.dma_semaphore, #tpu.memory_space<semaphore_mem>>) src(%dma_wait3A_162 : memref<8x8x128xf32, #tpu.memory_space<vmem>>) dst(%dma_wait3A_157 : memref<8x8x128xf32, #tpu.memory_space<hbm>>)
    %dma_wait3A_163 = arith.constant 2 : i32
    %dma_wait3A_164 = arith.constant 0 : i32
    %dma_wait3A_165 = arith.constant 0 : i32
    %dma_wait3A_166 = arith.constant 0 : i32
    %dma_wait3A_167 = arith.constant 0 : i32
    %dma_wait3A_168 = tpu.memref_slice %arg7[%dma_wait3A_163, %dma_wait3A_165, %dma_wait3A_166, %dma_wait3A_167] : memref<4x8x8x137xf32, #tpu.memory_space<vmem>> -> memref<1x8x8x128xf32, #tpu.memory_space<vmem>>
    %dma_wait3A_169 = tpu.memref_squeeze %dma_wait3A_168 : memref<1x8x8x128xf32, #tpu.memory_space<vmem>> -> memref<8x8x128xf32, #tpu.memory_space<vmem>>
    %dma_wait3A_170 = arith.constant 0 : i32
    %dma_wait3A_171 = arith.constant 0 : i32
    %dma_wait3A_172 = arith.constant 0 : i32
    %dma_wait3A_173 = tpu.memref_slice %arg4[%dma_wait3A_164, %dma_wait3A_170, %add3A, %dma_wait3A_171, %dma_wait3A_172] : memref<200x8x32x8x128xf32, #tpu.memory_space<hbm>> -> memref<1x8x1x8x128xf32, #tpu.memory_space<hbm>>
    %dma_wait3A_174 = tpu.memref_squeeze %dma_wait3A_173 : memref<1x8x1x8x128xf32, #tpu.memory_space<hbm>> -> memref<8x8x128xf32, #tpu.memory_space<hbm>>
    %dma_wait3A_175 = arith.constant 0 : i32
    %dma_wait3A_176 = arith.constant 0 : i32
    %dma_wait3A_177 = arith.constant 0 : i32
    %dma_wait3A_178 = tpu.memref_slice %arg4[%dma_wait3A_164, %dma_wait3A_175, %add3A, %dma_wait3A_176, %dma_wait3A_177] : memref<200x8x32x8x128xf32, #tpu.memory_space<hbm>> -> memref<1x8x1x8x128xf32, #tpu.memory_space<hbm>>
    %dma_wait3A_179 = tpu.memref_squeeze %dma_wait3A_178 : memref<1x8x1x8x128xf32, #tpu.memory_space<hbm>> -> memref<8x8x128xf32, #tpu.memory_space<hbm>>
    %dma_wait3A_180 = arith.constant 0 : i32
    %dma_wait3A_181 = arith.constant 0 : i32
    %dma_wait3A_182 = arith.constant 0 : i32
    %dma_wait3A_183 = tpu.memref_slice %arg7[%dma_wait3A_163, %dma_wait3A_180, %dma_wait3A_181, %dma_wait3A_182] : memref<4x8x8x137xf32, #tpu.memory_space<vmem>> -> memref<1x8x8x128xf32, #tpu.memory_space<vmem>>
    %dma_wait3A_184 = tpu.memref_squeeze %dma_wait3A_183 : memref<1x8x8x128xf32, #tpu.memory_space<vmem>> -> memref<8x8x128xf32, #tpu.memory_space<vmem>>
    tpu.wait_dma2 semaphore(%arg14 : memref<!tpu.dma_semaphore, #tpu.memory_space<semaphore_mem>>) src(%dma_wait3A_184 : memref<8x8x128xf32, #tpu.memory_space<vmem>>) dst(%dma_wait3A_179 : memref<8x8x128xf32, #tpu.memory_space<hbm>>)
    %dma_wait3A_185 = arith.constant 3 : i32
    %dma_wait3A_186 = arith.constant 0 : i32
    %dma_wait3A_187 = arith.constant 0 : i32
    %dma_wait3A_188 = arith.constant 0 : i32
    %dma_wait3A_189 = arith.constant 0 : i32
    %dma_wait3A_190 = tpu.memref_slice %arg7[%dma_wait3A_185, %dma_wait3A_187, %dma_wait3A_188, %dma_wait3A_189] : memref<4x8x8x137xf32, #tpu.memory_space<vmem>> -> memref<1x8x8x128xf32, #tpu.memory_space<vmem>>
    %dma_wait3A_191 = tpu.memref_squeeze %dma_wait3A_190 : memref<1x8x8x128xf32, #tpu.memory_space<vmem>> -> memref<8x8x128xf32, #tpu.memory_space<vmem>>
    %dma_wait3A_192 = arith.constant 0 : i32
    %dma_wait3A_193 = arith.constant 0 : i32
    %dma_wait3A_194 = arith.constant 0 : i32
    %dma_wait3A_195 = tpu.memref_slice %arg4[%dma_wait3A_186, %dma_wait3A_192, %add3A, %dma_wait3A_193, %dma_wait3A_194] : memref<200x8x32x8x128xf32, #tpu.memory_space<hbm>> -> memref<1x8x1x8x128xf32, #tpu.memory_space<hbm>>
    %dma_wait3A_196 = tpu.memref_squeeze %dma_wait3A_195 : memref<1x8x1x8x128xf32, #tpu.memory_space<hbm>> -> memref<8x8x128xf32, #tpu.memory_space<hbm>>
    %dma_wait3A_197 = arith.constant 0 : i32
    %dma_wait3A_198 = arith.constant 0 : i32
    %dma_wait3A_199 = arith.constant 0 : i32
    %dma_wait3A_200 = tpu.memref_slice %arg4[%dma_wait3A_186, %dma_wait3A_197, %add3A, %dma_wait3A_198, %dma_wait3A_199] : memref<200x8x32x8x128xf32, #tpu.memory_space<hbm>> -> memref<1x8x1x8x128xf32, #tpu.memory_space<hbm>>
    %dma_wait3A_201 = tpu.memref_squeeze %dma_wait3A_200 : memref<1x8x1x8x128xf32, #tpu.memory_space<hbm>> -> memref<8x8x128xf32, #tpu.memory_space<hbm>>
    %dma_wait3A_202 = arith.constant 0 : i32
    %dma_wait3A_203 = arith.constant 0 : i32
    %dma_wait3A_204 = arith.constant 0 : i32
    %dma_wait3A_205 = tpu.memref_slice %arg7[%dma_wait3A_185, %dma_wait3A_202, %dma_wait3A_203, %dma_wait3A_204] : memref<4x8x8x137xf32, #tpu.memory_space<vmem>> -> memref<1x8x8x128xf32, #tpu.memory_space<vmem>>
    %dma_wait3A_206 = tpu.memref_squeeze %dma_wait3A_205 : memref<1x8x8x128xf32, #tpu.memory_space<vmem>> -> memref<8x8x128xf32, #tpu.memory_space<vmem>>
    tpu.wait_dma2 semaphore(%arg15 : memref<!tpu.dma_semaphore, #tpu.memory_space<semaphore_mem>>) src(%dma_wait3A_206 : memref<8x8x128xf32, #tpu.memory_space<vmem>>) dst(%dma_wait3A_201 : memref<8x8x128xf32, #tpu.memory_space<hbm>>)
    return
  }
}

</mosaic_0001>

<sc_bundles>
// kernel: kernel.3.cloned.1.call-start
scs
__scs_entry_jumppad:
0x0: {  	(pc) =	sbr.rel $0x88, $3  }
0x1: {  	(tag) =	ssettag $0x0;
	lr =	simm.s32 $0x1  }
0x2: {  	[smem:$0x3F9F] =	sst lr;
	_ =	strace $0xD0000000  }
0x3: {  	_ = 	snop  }
0x4: {  	_ = 	snop  }
0x5: {  	_ = 	snop  }
0x6: {  	_ = 	snop  }
0x7: {  	_ = 	snop  }
__scs_overlays_trampoline_lowered:
0x8: {  	[smem:$0x3FAE] =	sst s0  }
0x9: {  	[smem:$0x3FAF] =	sst s1  }
0xa: {  	[smem:$0x3FB0] =	sst s2  }
0xb: {  	[smem:$0x3FB1] =	sst s3  }
0xc: {  	[smem:$0x3FB2] =	sst s4  }
0xd: {  	[smem:$0x3FB3] =	sst s5  }
0xe: {  	[smem:$0x3FB4] =	sst s6  }
0xf: {  	[smem:$0x3FB5] =	sst s7  }
0x10: {  	[smem:$0x3FB6] =	sst s8  }
0x11: {  	[smem:$0x3FB7] =	sst s9;
	s0 =	simm.s32 @!p0 $0x0  }
0x12: {  	s1 =	sld [smem:$0x3F9D];
	s0 =	simm.s32 @p0 $0x1  }
0x13: {  	[smem:$0x3FB8] =	sst s0;
	s0 =	simm.s32 @!p1 $0x0  }
0x14: {  	s2 =	sld [smem:$0x3F9C];
	s0 =	simm.s32 @p1 $0x1  }
0x15: {  	[smem:$0x3FB9] =	sst s0;
	s0 =	simm.s32 @!p2 $0x0  }
0x16: {  	s3 =	sld [smem:$0x3FDB];
	s0 =	simm.s32 @p2 $0x1  }
0x17: {  	s4 =	simm.s32 $0x1BF5;
	[smem:$0x3FBB] =	sst s0  }
0x18: {  	s0 =	sld [smem:$0x3F9E];
	_ =	swait.ge [sflag:s4], $0x0  }
0x19: {  	s7 =	sld [smem:$0x3F9F]  }
0x1a: {  	s8 =	sadd.s32 $0xFFFFE003, lr  }
0x1b: {  	s9 =	sadd.s32 $0xFFFFFEF7, lr;
	s5 =	simm.s32 $0xFFFFFFFF;
	p2 =	slt.u32 s8, $0xFFFFF086  }
0x1c: {  	p1 =	slt.u32 s9, $0xF7A;
	s5 =	simm.s32 @!p2 $0x0  }
0x1d: {  	s5 =	simm.s32 @p1 $0x1;
	p0 =	seq.s32 s7, s2  }
0x1e: {  	s7 =	smul.u32 @!p0 $0xF7A, s2;
	p2 =	seq.s32 @!p0 s5, $0x0  }
0x1f: {  	s9 =	smul.u32 $0xF7A, s1;
	s8 =	simm.s32 @!p0 $0x1BF5;
	p2 =	por !p2, p0  }
0x20: {  	[sflag:s8] =	ssyncset.s32 @!p0 $0xFFFFF086;
	s6 =	sadd.s32 @!p0 s3, s7;
	s7 =	simm.s32 @!p0 $0x108  }
0x21: {  	s3 =	sadd.s32 s3, s9;
	s6 =	sadd.s32 @!p0 $0x88, s6;
	s7 =	simm.s32 @p2 $0x1082  }
0x22: {  	[simem:s7], [sflag:s8] =	dma.local @!p0 [hbm:s6], $0xF7A  }
0x23: {  	s9 =	sor.u32 $0xD0000000, s2;
	s6 =	simm.s32 $0x108;
	_ =	swait.ge @!p0 [sflag:s8], $0x0  }
0x24: {  	s3 =	sadd.s32 $0x88, s3;
	s6 =	simm.s32 @!p1 $0x1082;
	[sflag:s4] =	ssyncset.s32 $0xFFFFF086  }
0x25: {  	[simem:s6], [sflag:s4] =	dma.local [hbm:s3], $0xF7A  }
0x26: {  	[smem:$0x3F9F] =	sst s1;
	(tag) =	ssettag s2;
	_ =	strace s9  }
0x27: {  	s1 =	sld [smem:$0x3FAF]  }
0x28: {  	s2 =	sld [smem:$0x3FB0]  }
0x29: {  	s4 =	sld [smem:$0x3FB2]  }
0x2a: {  	p0 =	seq.s32 s5, $0x0;
	s5 =	sld [smem:$0x3FB3]  }
0x2b: {  	s6 =	sld [smem:$0x3FB4]  }
0x2c: {  	s7 =	sld [smem:$0x3FB5]  }
0x2d: {  	s3 =	simm.s32 $0x108;
	s8 =	sld [smem:$0x3FB6]  }
0x2e: {  	s3 =	simm.s32 @!p0 $0x1082;
	s9 =	sld [smem:$0x3FB7]  }
0x2f: {  	lr =	sadd.s32 s0, s3;
	s0 =	sld [smem:$0x3FAE]  }
0x30: {  	s3 =	sld [smem:$0x3FB1]  }
0x31: {  	[smem:$0x3FBA] =	sst s10  }
0x32: {  	s10 =	sld [smem:$0x3FB8];
	_ =	sdelay $0x3  }
0x33: {  	p0 =	seq.s32 s10, $0x1;
	s10 =	sld [smem:$0x3FBA];
	_ =	sdelay $0x3  }
0x34: {  	[smem:$0x3FBA] =	sst s10  }
0x35: {  	s10 =	sld [smem:$0x3FB9];
	_ =	sdelay $0x3  }
0x36: {  	p1 =	seq.s32 s10, $0x1;
	s10 =	sld [smem:$0x3FBA];
	_ =	sdelay $0x3  }
0x37: {  	[smem:$0x3FBA] =	sst s10  }
0x38: {  	s10 =	sld [smem:$0x3FBB]  }
0x39: {  	_ = 	snop;
	(pc) =	sbr.ind lr, $3  }
0x3a: {  	_ = 	snop  }
0x3b: {  	_ = 	snop  }
0x3c: {  	p2 =	seq.s32 s10, $0x1;
	s10 =	sld [smem:$0x3FBA]  }
0x3d: {  	_ =	shalt  }
0x3e: {  	_ =	shalt  }
0x3f: {  	_ =	shalt  }
0x40: {  	_ =	shalt  }
0x41: {  	_ =	shalt  }
0x42: {  	_ =	shalt  }
0x43: {  	_ =	shalt  }
0x44: {  	_ =	shalt  }
0x45: {  	_ =	shalt  }
0x46: {  	_ =	shalt  }
0x47: {  	_ =	shalt  }
0x48: {  	_ =	shalt  }
0x49: {  	_ =	shalt  }
0x4a: {  	_ =	shalt  }
0x4b: {  	_ =	shalt  }
0x4c: {  	_ =	shalt  }
0x4d: {  	_ =	shalt  }
0x4e: {  	_ =	shalt  }
0x4f: {  	_ =	shalt  }
0x50: {  	_ =	shalt  }
0x51: {  	_ =	shalt  }
0x52: {  	_ =	shalt  }
0x53: {  	_ =	shalt  }
0x54: {  	_ =	shalt  }
0x55: {  	_ =	shalt  }
0x56: {  	_ =	shalt  }
0x57: {  	_ =	shalt  }
0x58: {  	_ =	shalt  }
0x59: {  	_ =	shalt  }
0x5a: {  	_ =	shalt  }
0x5b: {  	_ =	shalt  }
0x5c: {  	_ =	shalt  }
0x5d: {  	_ =	shalt  }
0x5e: {  	_ =	shalt  }
0x5f: {  	_ =	shalt  }
0x60: {  	_ =	shalt  }
0x61: {  	_ =	shalt  }
0x62: {  	_ =	shalt  }
0x63: {  	_ =	shalt  }
0x64: {  	_ =	shalt  }
0x65: {  	_ =	shalt  }
0x66: {  	_ =	shalt  }
0x67: {  	_ =	shalt  }
0x68: {  	_ =	shalt  }
0x69: {  	_ =	shalt  }
0x6a: {  	_ =	shalt  }
0x6b: {  	_ =	shalt  }
0x6c: {  	_ =	shalt  }
0x6d: {  	_ =	shalt  }
0x6e: {  	_ =	shalt  }
0x6f: {  	_ =	shalt  }
0x70: {  	_ =	shalt  }
0x71: {  	_ =	shalt  }
0x72: {  	_ =	shalt  }
0x73: {  	_ =	shalt  }
0x74: {  	_ =	shalt  }
0x75: {  	_ =	shalt  }
0x76: {  	_ =	shalt  }
0x77: {  	_ =	shalt  }
0x78: {  	_ =	shalt  }
0x79: {  	_ =	shalt  }
0x7a: {  	_ =	shalt  }
0x7b: {  	_ =	shalt  }
0x7c: {  	_ =	shalt  }
0x7d: {  	_ =	shalt  }
0x7e: {  	_ =	shalt  }
0x7f: {  	_ =	shalt  }
0x80: {  	_ =	shalt  }
0x81: {  	_ =	shalt  }
0x82: {  	_ =	shalt  }
0x83: {  	_ =	shalt  }
0x84: {  	_ =	shalt  }
0x85: {  	_ =	shalt  }
0x86: {  	_ =	shalt  }
0x87: {  	_ =	shalt  }
.Lfunc_end0:
.L_simem_size_0:
called_computation_lowered:
.L_overlay_start_0:
0x88: {  	s2 =	sld [smem:$0x3FD9]  }
0x89: {  	s3 =	sld [smem:$0x3FFE];
	_ =	sdelay $0x1  }
0x8a: {  	s1 =	srdreg.scid  }
0x8b: {  	s0 =	sand.u32 $0x1, s1  }
0x8c: {  	s17 =	sshll.u32 s0, $0xA;
	s2 =	sadd.s32 s3, s2  }
0x8d: {  	s2 =	sadd.s32 s2, s17  }
0x8e: {  	[smem:$0x3FC6] =	sst s2  }
0x8f: {  	_ = 	snop  }
0x90: {  	s2 =	sld [smem:$0x3FD0];
	(tm) =	ssettm $0x1  }
0x91: {  	s18 =	sld [smem:$0x3FFB];
	_ =	sdelay $0x3  }
0x92: {  	_ =	strace s18  }
0x93: {  	s3 =	sld [smem:$0x3FFC];
	_ =	sdelay $0x3  }
0x94: {  	_ =	strace s3  }
0x95: {  	s3 =	sld [smem:$0x3FFD];
	_ =	sdelay $0x3  }
0x96: {  	_ =	strace s3  }
0x97: {  	_ =	strace $0x8FFFFFFF  }
0x98: {  	s19 =	sld [smem:$0x3FDB];
	_ =	sdelay $0x1  }
0x99: {  	s4 =	simm.s32 $_scs_section_size  }
0x9a: {  	s5 =	simm.s32 $_size__tile_overlayer_lowered;
	s6 =	simm.s32 $_tile_overlayer_lowered  }
0x9b: {  	s22 =	simm.s32 $0x1BFF;
	s21 =	sshll.u32 s6, $0x1;
	s3 =	sadd.s32 s4, s19  }
0x9c: {  	s7 =	simm.s32 $0x0;
	s20 =	sshll.u32 s5, $0x1;
	s5 =	sadd.s32 s21, s3  }
0x9d: {  	[timem:s7], [sflag:s22] =	dma.local [hbm:s5], s20  }
0x9e: {  	_ =	swait.ge [sflag:s22], s20  }
0x9f: {  	s4 =	ssub.s32 $0x0, s20;
	[sflag:s22] =	ssyncset.done $0x0  }
0xa0: {  	[sflag:s22] =	ssyncadd.s32 s4;
	_ =	sdelay $0x1  }
0xa1: {  	s23 =	simm.s32 $0x1B8B  }
0xa2: {  	_ =	swait.ge [sflag:s23], $0x1  }
0xa3: {  	[sflag:s23] =	ssyncset.done $0x0  }
0xa4: {  	s25 =	simm.s32 $0x1B8E;
	s24 =	sld [smem:$0x3FFE];
	[sflag:s23] =	ssyncadd.s32 $0xFFFFFFFF  }
0xa5: {  	s26 =	simm.s32 $execute0_lowered;
	[smem:$0x3FD2] =	sst s25  }
0xa6: {  	s5 =	sshll.u32 s26, $0x1;
	_ =	strace $0x80000046;
	[dreg:$0x1] =	wrdreg $0xFFFFFFFF  }
0xa7: {  	s28 =	simm.s32 $_size_execute0_lowered;
	s3 =	sadd.s32 s3, s5;
	[dreg:$0x0] =	wrdreg $0x0  }
0xa8: {  	s5 =	sshll.u32 s28, $0x1;
	[dreg:$0x2] =	wrdreg s3  }
0xa9: {  	[dreg:$0x3] =	wrdreg s5  }
0xaa: {  	[dreg:$0x4] =	wrdreg $0xC0  }
0xab: {  	_ =	task [dreg:s7], $0x5FFFF  }
0xac: {  	[dreg:$0x1] =	wrdreg $0xFFFFFFFF  }
0xad: {  	[dreg:$0x0] =	wrdreg $0x60  }
0xae: {  	[dreg:$0x2] =	wrdreg s24  }
0xaf: {  	[dreg:$0x3] =	wrdreg s2  }
0xb0: {  	[dreg:$0x4] =	wrdreg $0x9  }
0xb1: {  	_ =	task.clear_ibuf [dreg:s7], $0x5FFFF;
	_ =	strace $0x90000046  }
0xb2: {  	s29 =	simm.s32 $0x9;
	_ =	strace $0x80000048  }
0xb3: {  	_ =	swait.ge [sflag:s29], $0x1  }
0xb4: {  	[sflag:s29] =	ssyncadd.s32 $0xFFFFFFFF  }
0xb5: {  	_ =	strace $0x90000048  }
0xb6: {  	_ =	sfence  }
0xb7: {  	s30 =	sld [smem:$0x0];
	_ =	sdelay $0x2  }
0xb8: {  	s31 =	sshll.u32 s1, $0xD;
	s1 =	sshrl.u32 s1, $0x2  }
0xb9: {  	s3 =	sand.u32 $0x4000, s31;
	s1 =	sadd.s32 s1, s30  }
0xba: {  	s0 =	sor.u32 s3, s0;
	s1 =	sshll.u32 s1, $0x11  }
0xbb: {  	s0 =	sor.u32 s1, s0  }
0xbc: {  	s0 =	sadd.s32 $0x8F2B, s0  }
0xbd: {  	[sflag:s0] =	ssyncadd.remote.s32 $0x1  }
0xbe: {  	_ =	sfence.sel $0xFFFF  }
0xbf: {  	[dreg:$0x0] =	wrdreg $0xFFFFFFFF;
	(pc) =	sbr.abs _section_cstart, $3  }
0xc0: {  	[dreg:$0x1] =	wrdreg $0xFFFFFFFF  }
0xc1: {  	_ =	task.clear_ibuf [dreg:s7], $0x2FFFF;
	_ =	strace $0x9FFFFFFF  }
0xc2: {  	(tm) =	ssettm $0x7FFFFFFF  }
0xc3: {  	_ =	shalt  }
tec
execute0_lowered:
.L_overlay_start_1:
0x0: {  	(tag) =	ssettag $0x1  }
0x1: {  	v0 =	vlaneseq.u32  }
0x2: {  	s3 =	stileid.u32;
	v0 =	vmul.u32 $0x90, v0  }
0x3: {  	s0 =	rddreg [dreg:$0x0];
	s4 =	sshll.u32 s3, $0x1;
	s3 =	simm.s32 $0x0  }
0x4: {  	[smem:$0x7FF] =	sst s3;
	v2 =	vadd.s32 $0x2D00, v0  }
0x5: {  	s2 =	rddreg [dreg:$0x1];
	v30 =	vadd.s32 $0x900, v0;
	_ =	strace $0x80000047;
	[tilespmem:$0x1FC40] =	vst v2  }
0x6: {  	v31 =	vadd.s32 $0x1200, v0;
	[tilespmem:$0x1FE00] =	vst v30  }
0x7: {  	v32 =	vadd.s32 $0x1B00, v0;
	[tilespmem:$0x1FE10] =	vst v31  }
0x8: {  	v33 =	vor.u32 $0x1, v0;
	[tilespmem:$0x1FE20] =	vst v32  }
0x9: {  	v34 =	vadd.s32 $0x901, v0;
	[tilespmem:$0x1FE30] =	vst v33  }
0xa: {  	v35 =	vadd.s32 $0x1201, v0;
	[tilespmem:$0x1FE40] =	vst v34  }
0xb: {  	v36 =	vadd.s32 $0x1B01, v0;
	[tilespmem:$0x1FE50] =	vst v35  }
0xc: {  	v37 =	vor.u32 $0x2, v0;
	[tilespmem:$0x1FE60] =	vst v36  }
0xd: {  	v38 =	vadd.s32 $0x902, v0;
	[tilespmem:$0x1FE70] =	vst v37  }
0xe: {  	v39 =	vadd.s32 $0x1202, v0;
	[tilespmem:$0x1FE80] =	vst v38  }
0xf: {  	v40 =	vadd.s32 $0x1B02, v0;
	[tilespmem:$0x1FE90] =	vst v39  }
0x10: {  	v41 =	vor.u32 $0x3, v0;
	[tilespmem:$0x1FEA0] =	vst v40  }
0x11: {  	v42 =	vadd.s32 $0x903, v0;
	[tilespmem:$0x1FEB0] =	vst v41  }
0x12: {  	v43 =	vadd.s32 $0x1203, v0;
	[tilespmem:$0x1FEC0] =	vst v42  }
0x13: {  	v44 =	vadd.s32 $0x1B03, v0;
	[tilespmem:$0x1FED0] =	vst v43  }
0x14: {  	v45 =	vor.u32 $0x4, v0;
	[tilespmem:$0x1FEE0] =	vst v44  }
0x15: {  	v46 =	vadd.s32 $0x904, v0;
	[tilespmem:$0x1FEF0] =	vst v45  }
0x16: {  	v47 =	vadd.s32 $0x1204, v0;
	[tilespmem:$0x1FF00] =	vst v46  }
0x17: {  	v48 =	vadd.s32 $0x1B04, v0;
	[tilespmem:$0x1FF10] =	vst v47  }
0x18: {  	v49 =	vor.u32 $0x5, v0;
	[tilespmem:$0x1FF20] =	vst v48  }
0x19: {  	v50 =	vadd.s32 $0x905, v0;
	[tilespmem:$0x1FF30] =	vst v49  }
0x1a: {  	v51 =	vadd.s32 $0x1205, v0;
	[tilespmem:$0x1FF40] =	vst v50  }
0x1b: {  	v52 =	vadd.s32 $0x1B05, v0;
	[tilespmem:$0x1FF50] =	vst v51  }
0x1c: {  	v53 =	vor.u32 $0x6, v0;
	[tilespmem:$0x1FF60] =	vst v52  }
0x1d: {  	v54 =	vadd.s32 $0x906, v0;
	[tilespmem:$0x1FF70] =	vst v53  }
0x1e: {  	v55 =	vadd.s32 $0x1206, v0;
	[tilespmem:$0x1FF80] =	vst v54  }
0x1f: {  	v56 =	vadd.s32 $0x1B06, v0;
	[tilespmem:$0x1FF90] =	vst v55  }
0x20: {  	v57 =	vor.u32 $0x7, v0;
	[tilespmem:$0x1FFA0] =	vst v56  }
0x21: {  	v58 =	vadd.s32 $0x907, v0;
	[tilespmem:$0x1FFB0] =	vst v57  }
0x22: {  	v59 =	vadd.s32 $0x1207, v0;
	[tilespmem:$0x1FFC0] =	vst v58  }
0x23: {  	v60 =	vadd.s32 $0x1B07, v0;
	[tilespmem:$0x1FFD0] =	vst v59  }
0x24: {  	v61 =	vadd.s32 $0x2400, v0;
	[tilespmem:$0x1FFE0] =	vst v60  }
0x25: {  	v2 =	vadd.s32 $0x3600, v0;
	[tilespmem:$0x1FFF0] =	vst v61  }
0x26: {  	[tilespmem:$0x1FC50] =	vst v2;
	v2 =	vadd.s32 $0x3F00, v0  }
0x27: {  	[tilespmem:$0x1FC60] =	vst v2;
	v2 =	vadd.s32 $0x2401, v0  }
0x28: {  	[tilespmem:$0x1FC70] =	vst v2;
	v2 =	vadd.s32 $0x2D01, v0  }
0x29: {  	[tilespmem:$0x1FC80] =	vst v2;
	v2 =	vadd.s32 $0x3601, v0  }
0x2a: {  	[tilespmem:$0x1FC90] =	vst v2;
	v2 =	vadd.s32 $0x3F01, v0  }
0x2b: {  	[tilespmem:$0x1FCA0] =	vst v2;
	v2 =	vadd.s32 $0x2402, v0  }
0x2c: {  	[tilespmem:$0x1FCB0] =	vst v2;
	v2 =	vadd.s32 $0x2D02, v0  }
0x2d: {  	[tilespmem:$0x1FCC0] =	vst v2;
	v2 =	vadd.s32 $0x3602, v0  }
0x2e: {  	[tilespmem:$0x1FCD0] =	vst v2;
	v2 =	vadd.s32 $0x3F02, v0  }
0x2f: {  	[tilespmem:$0x1FCE0] =	vst v2;
	v2 =	vadd.s32 $0x2403, v0  }
0x30: {  	[tilespmem:$0x1FCF0] =	vst v2;
	v2 =	vadd.s32 $0x2D03, v0  }
0x31: {  	[tilespmem:$0x1FD00] =	vst v2;
	v2 =	vadd.s32 $0x3603, v0  }
0x32: {  	[tilespmem:$0x1FD10] =	vst v2;
	v2 =	vadd.s32 $0x3F03, v0  }
0x33: {  	[tilespmem:$0x1FD20] =	vst v2;
	v2 =	vadd.s32 $0x2404, v0  }
0x34: {  	[tilespmem:$0x1FD30] =	vst v2;
	v2 =	vadd.s32 $0x2D04, v0  }
0x35: {  	[tilespmem:$0x1FD40] =	vst v2;
	v2 =	vadd.s32 $0x3604, v0  }
0x36: {  	s1 =	srdreg.scid;
	s11 =	simm.s32 $0x80;
	s14 =	simm.s32 $0x6400;
	[tilespmem:$0x1FD50] =	vst v2;
	v2 =	vadd.s32 $0x3F04, v0  }
0x37: {  	s15 =	simm.s32 $0x8400;
	s17 =	simm.s32 $0xA400;
	s19 =	simm.s32 $0xC400;
	[tilespmem:$0x1FD60] =	vst v2;
	v2 =	vadd.s32 $0x2405, v0  }
0x38: {  	s20 =	simm.s32 $0x1;
	s21 =	simm.s32 $0xE400;
	s22 =	simm.s32 $0x2;
	[tilespmem:$0x1FD70] =	vst v2;
	v2 =	vadd.s32 $0x2D05, v0  }
0x39: {  	s23 =	simm.s32 $0x6;
	s24 =	simm.s32 $0x3;
	s25 =	simm.s32 $0x7;
	[tilespmem:$0x1FD80] =	vst v2;
	v2 =	vadd.s32 $0x3605, v0  }
0x3a: {  	s28 =	simm.s32 $0x8;
	s29 =	simm.s32 $0x5;
	s1 =	sand.u32 $0x1, s1;
	[tilespmem:$0x1FD90] =	vst v2;
	v2 =	vadd.s32 $0x3F05, v0  }
0x3b: {  	s30 =	simm.s32 $0x0;
	s8 =	sadd.s32 $0x10000, s2;
	s5 =	sor.u32 s1, s4;
	[tilespmem:$0x1FDA0] =	vst v2;
	v2 =	vadd.s32 $0x2406, v0  }
.Ltmp0:
0x3c: {  	s1 =	ssub.s32 $0x2, s1;
	s4 =	sshll.u32 s5, $0x4;
	[tilespmem:$0x1FDB0] =	vst v2;
	v2 =	vadd.s32 $0x2D06, v0;
	(pc) =	sbr.rel .LBB2_1-.Ltmp0, $4  }
0x3d: {  	s9 =	sadd.s32 $0x18000, s2;
	s7 =	sshrl.u32 s1, $0x1;
	s6 =	sadd.s32 s4, s0;
	[tilespmem:$0x1FDC0] =	vst v2;
	v2 =	vadd.s32 $0x3606, v0  }
0x3e: {  	s4 =	sadd.s32 $0xF42C00, s0;
	s26 =	ssub.s32 s1, s7;
	s31 =	sadd.s32 $0x600, s6;
	[tilespmem:$0x1FDD0] =	vst v2;
	v2 =	vadd.s32 $0x3F06, v0  }
0x3f: {  	v1 =	vimm.s32 $0x0;
	vm0 =	vcmask $0x300;
	s7 =	sadd.s32 $0x8000, s2;
	s0 =	smax.u32 s26, $0x1;
	[dreg:$0x3] =	wrdreg s31;
	[tilespmem:$0x1FDE0] =	vst v2;
	v2 =	vadd.s32 $0x2407, v0  }
0x40: {  	v1 =	vsel vm0, $0x3, v1;
	v62 =	vadd.s32 $0x2D07, v0;
	v63 =	vadd.s32 $0x3607, v0;
	s6 =	sshll.u32 s5, $0x7;
	s26 =	simm.s32 $0x4;
	[dreg:$0x4] =	wrdreg s0;
	[tilespmem:$0x1FDF0] =	vst v2  }
.LBB2_32:
0x41: {  	_ =	swait.ge [sflag:s29], $0x2000  }
0x42: {  	[sflag:s29] =	ssyncset.done $0x0  }
0x43: {  	[sflag:s29] =	ssyncadd.s32 $0xFFFFE000  }
0x44: {  	_ =	swait.ge [sflag:s23], $0x2000  }
0x45: {  	[sflag:s23] =	ssyncset.done $0x0  }
0x46: {  	[sflag:s23] =	ssyncadd.s32 $0xFFFFE000  }
0x47: {  	_ =	swait.ge [sflag:s25], $0x2000  }
0x48: {  	[sflag:s25] =	ssyncset.done $0x0  }
0x49: {  	[sflag:s25] =	ssyncadd.s32 $0xFFFFE000  }
0x4a: {  	_ =	swait.ge [sflag:s28], $0x2000  }
0x4b: {  	s30 =	sadd.s32 $0x1, s30;
	s0 =	rddreg [dreg:$0x4]  }
0x4c: {  	p0 =	sne.s32 s30, s0  }
.Ltmp1:
0x4d: {  	_ = 	snop;
	(pc) =	sbr.rel @!p0 .LBB2_33-.Ltmp1, $3  }
0x4e: {  	_ =	sdelay $0x1  }
0x4f: {  	[sflag:s28] =	ssyncset.done $0x0  }
0x50: {  	[sflag:s28] =	ssyncadd.s32 $0xFFFFE000  }
.LBB2_1:
0x51: {  	s0 =	rddreg [dreg:$0x3];
	s1 =	simm.s32 $0x1000;
	s13 =	simm.s32 $0x9  }
0x52: {  	[tilespmem:s3], [sflag:$0x9] =	stream.strided.gather [hbm4b:s0+s11], $0x6400, s1, s11, $0x38;
	[tilespmem:$0x17400] =	vst v63  }
0x53: {  	_ =	swait.ge [sflag:s13], $0x6400  }
0x54: {  	[sflag:s13] =	ssyncset.done $0x0  }
0x55: {  	[sflag:s13] =	ssyncadd.s32 $0xFFFF9C00  }
0x56: {  	[tilespmem:s14], [sflag:$0x1] =	stream.indirect.gather [hbm4b:s4+s11], $0x40, s3, s11, $0xb8;
	[tilespmem:$0x17400] =	vst v63  }
0x57: {  	_ = 	snop  }
0x58: {  	[tilespmem:s15], [sflag:$0x2] =	stream.indirect.gather [hbm4b:s4+s11], $0x40, s11, s11, $0xb8;
	[tilespmem:$0x17400] =	vst v63  }
0x59: {  	s16 =	simm.s32 $0x100  }
0x5a: {  	[tilespmem:s17], [sflag:$0x3] =	stream.indirect.gather [hbm4b:s4+s11], $0x40, s16, s11, $0xb8;
	[tilespmem:$0x17400] =	vst v63  }
0x5b: {  	s18 =	simm.s32 $0x180;
	s31 =	simm.s32 $0x0  }
0x5c: {  	[tilespmem:s19], [sflag:$0x4] =	stream.indirect.gather [hbm4b:s4+s11], $0x40, s18, s11, $0xb8;
	[tilespmem:$0x17400] =	vst v63  }
.LBB2_2:
0x5d: {  	s0 =	simm.s32 $0x0;
	s5 =	simm.s32 $0x1  }
0x5e: {  	s1 =	simm.s32 $0x2;
	s10 =	simm.s32 $0x3;
	s12 =	simm.s32 $0x4;
	v2 =	vmov s0;
	v3 =	vmov s5  }
0x5f: {  	s13 =	simm.s32 $0x5;
	s16 =	simm.s32 $0x6;
	v4 =	vmov s1;
	v5 =	vmov s10;
	v6 =	vmov s12  }
0x60: {  	_ =	swait.ge [sflag:s20], $0x2000;
	s5 =	simm.s32 $0x7;
	v8 =	vmov s13;
	v9 =	vmov s16;
	v2 =	vshrl.u32 v2, $0x3  }
0x61: {  	p0 =	seq.s32 s31, $0x0;
	[sflag:s20] =	ssyncset.done $0x0;
	v7 =	vmov s5;
	v3 =	vshrl.u32 v3, $0x3;
	v4 =	vshrl.u32 v4, $0x3  }
0x62: {  	s1 =	simm.s32 @!p0 $0x5;
	[sflag:s20] =	ssyncadd.s32 $0xFFFFE000;
	v5 =	vshrl.u32 v5, $0x3;
	v6 =	vshrl.u32 v6, $0x3;
	v7 =	vshrl.u32 v7, $0x3  }
0x63: {  	v2 =	vshll.u32 v2, v1;
	_ =	swait.ge @!p0 [sflag:s1], $0x2000;
	v3 =	vshll.u32 v3, v1;
	v7 =	vshll.u32 v7, v1  }
0x64: {  	[sflag:s1] =	ssyncset.done @!p0 $0x0;
	v2 =	vbroadcast v2, $0x0;
	v16 =	vbroadcast v3, $0x0;
	v3 =	vshll.u32 v4, v1  }
0x65: {  	s0 =	simm.s32 $0x6500;
	v9 =	vshrl.u32 v9, $0x3;
	v7 =	vbroadcast v7, $0x0;
	[sflag:s1] =	ssyncadd.s32 @!p0 $0xFFFFE000;
	v22 =	vbroadcast v3, $0x0  }
0x66: {  	v3 =	vshll.u32 v5, v1;
	v5 =	vshrl.u32 v8, $0x3;
	v12 =	vld [tilespmem:s0+$0xFFFFFF00];
	v13 =	vadd.s32 v0, v2  }
0x67: {  	v14 =	vld [tilespmem:s0+$0xFFFFFF40];
	v15 =	vadd.s32 v33, v16;
	v4 =	vbroadcast v3, $0x0;
	v3 =	vshll.u32 v6, v1  }
0x68: {  	v10 =	vld [tilespmem:s0+$0xC0];
	v5 =	vshll.u32 v5, v1;
	v11 =	vadd.s32 v57, v7;
	v18 =	vadd.s32 v37, v22  }
0x69: {  	v17 =	vld [tilespmem:s0+$0xFFFFFF80];
	v3 =	vbroadcast v3, $0x0;
	v6 =	vbroadcast v5, $0x0;
	v5 =	vshll.u32 v9, v1  }
0x6a: {  	v8 =	vld [tilespmem:s0+$0xFFFFFFC0];
	v19 =	vadd.s32 v41, v4;
	v5 =	vbroadcast v5, $0x0  }
0x6b: {  	v20 =	vld [tilespmem:s0+$0x0];
	v21 =	vadd.s32 v45, v3;
	[tilespmem:v13+s21+$0x0] =	vst.idx.msk $0xffff, v12  }
0x6c: {  	[tilespmem:v15+s21+$0x0] =	vst.idx.msk $0xffff, v14;
	v13 =	vld [tilespmem:s0+$0x80];
	v14 =	vadd.s32 v53, v5  }
0x6d: {  	v12 =	vadd.s32 v49, v6;
	[tilespmem:v11+s21+$0x0] =	vst.idx.msk $0xffff, v10;
	v11 =	vld [tilespmem:s0+$0x40]  }
0x6e: {  	[tilespmem:v18+s21+$0x0] =	vst.idx.msk $0xffff, v17;
	v15 =	vld [tilespmem:s0+$0xFFFFFF50];
	v17 =	vadd.s32 v34, v16  }
0x6f: {  	v10 =	vadd.s32 v58, v7;
	v9 =	vld [tilespmem:s0+$0xD0];
	[tilespmem:v19+s21+$0x0] =	vst.idx.msk $0xffff, v8  }
0x70: {  	v18 =	vadd.s32 v38, v22;
	v8 =	vld [tilespmem:s0+$0xFFFFFF90];
	[tilespmem:v21+s21+$0x0] =	vst.idx.msk $0xffff, v20  }
0x71: {  	[tilespmem:v14+s21+$0x0] =	vst.idx.msk $0xffff, v13  }
0x72: {  	v19 =	vld [tilespmem:s0+$0xFFFFFFD0];
	v20 =	vadd.s32 v42, v4;
	[tilespmem:v12+s21+$0x0] =	vst.idx.msk $0xffff, v11  }
0x73: {  	v11 =	vld [tilespmem:s0+$0x10];
	v12 =	vadd.s32 v46, v3;
	[tilespmem:v17+s21+$0x0] =	vst.idx.msk $0xffff, v15  }
0x74: {  	v14 =	vadd.s32 v50, v6;
	[tilespmem:v10+s21+$0x0] =	vst.idx.msk $0xffff, v9;
	v13 =	vld [tilespmem:s0+$0x50]  }
0x75: {  	v15 =	vadd.s32 v54, v5;
	[tilespmem:v18+s21+$0x0] =	vst.idx.msk $0xffff, v8;
	v8 =	vld [tilespmem:s0+$0x90]  }
0x76: {  	v10 =	vadd.s32 v59, v7;
	v9 =	vld [tilespmem:s0+$0xE0]  }
0x77: {  	v17 =	vld [tilespmem:s0+$0xFFFFFF10];
	v18 =	vadd.s32 v30, v2;
	[tilespmem:v20+s21+$0x0] =	vst.idx.msk $0xffff, v19  }
0x78: {  	v19 =	vld [tilespmem:s0+$0xFFFFFF60];
	v20 =	vadd.s32 v35, v16;
	[tilespmem:v12+s21+$0x0] =	vst.idx.msk $0xffff, v11  }
0x79: {  	v25 =	vadd.s32 v39, v22;
	v24 =	vld [tilespmem:s0+$0xFFFFFFA0];
	[tilespmem:v14+s21+$0x0] =	vst.idx.msk $0xffff, v13  }
0x7a: {  	v27 =	vadd.s32 v43, v4;
	v26 =	vld [tilespmem:s0+$0xFFFFFFE0];
	[tilespmem:v15+s21+$0x0] =	vst.idx.msk $0xffff, v8  }
0x7b: {  	v29 =	vadd.s32 v47, v3;
	v28 =	vld [tilespmem:s0+$0x20];
	[tilespmem:v10+s21+$0x0] =	vst.idx.msk $0xffff, v9  }
0x7c: {  	s5 =	simm.s32 $0x9;
	v7 =	vadd.s32 v60, v7;
	[tilespmem:v18+s21+$0x0] =	vst.idx.msk $0xffff, v17;
	v23 =	vld [tilespmem:s0+$0xF0]  }
0x7d: {  	s18 =	simm.s32 $0x8;
	s12 =	simm.s32 $0xB;
	v21 =	vmov s5;
	[tilespmem:v20+s21+$0x0] =	vst.idx.msk $0xffff, v19;
	v9 =	vld [tilespmem:s0+$0x60];
	v10 =	vadd.s32 v51, v6  }
0x7e: {  	s13 =	simm.s32 $0xC;
	v12 =	vadd.s32 v55, v5;
	v8 =	vmov s18;
	v13 =	vmov s12;
	v11 =	vld [tilespmem:s0+$0xA0];
	[tilespmem:v25+s21+$0x0] =	vst.idx.msk $0xffff, v24  }
0x7f: {  	v17 =	vadd.s32 v31, v2;
	v15 =	vmov s13;
	s18 =	simm.s32 $0xE;
	v8 =	vshrl.u32 v8, $0x3;
	v14 =	vld [tilespmem:s0+$0xFFFFFF20];
	[tilespmem:v27+s21+$0x0] =	vst.idx.msk $0xffff, v26  }
0x80: {  	s10 =	simm.s32 $0xA;
	s16 =	simm.s32 $0xD;
	v20 =	vadd.s32 v36, v16;
	v18 =	vld [tilespmem:s0+$0xFFFFFF70];
	v16 =	vshll.u32 v8, v1;
	v8 =	vmov s18;
	[tilespmem:v29+s21+$0x0] =	vst.idx.msk $0xffff, v28  }
0x81: {  	s1 =	sshll.u32 s31, $0xB;
	v22 =	vadd.s32 v40, v22;
	s12 =	simm.s32 $0x10;
	v19 =	vld [tilespmem:s0+$0xFFFFFFB0];
	[tilespmem:v7+s21+$0x0] =	vst.idx.msk $0xffff, v23;
	v23 =	vmov s10;
	v7 =	vmov s16;
	s16 =	simm.s32 $0xF  }
.LBB2_3:
0x82: {  	p1 =	slt.u32 s12, $0x78;
	v21 =	vshrl.u32 v21, $0x3;
	v24 =	vmov s16;
	v25 =	vld [tilespmem:s0+$0xFFFFFFF0];
	v4 =	vadd.s32 v44, v4;
	[tilespmem:v10+s21+$0x0] =	vst.idx.msk $0xffff, v9  }
0x83: {  	v9 =	vshrl.u32 v23, $0x3;
	v3 =	vadd.s32 v48, v3;
	v10 =	vshrl.u32 v24, $0x3;
	v23 =	vld [tilespmem:s0+$0x30];
	[tilespmem:v12+s21+$0x0] =	vst.idx.msk $0xffff, v11  }
0x84: {  	v6 =	vadd.s32 v52, v6;
	v11 =	vshrl.u32 v13, $0x3;
	v10 =	vshll.u32 v10, v1;
	[tilespmem:v17+s21+$0x0] =	vst.idx.msk $0xffff, v14;
	v12 =	vld [tilespmem:s0+$0x70]  }
0x85: {  	v5 =	vadd.s32 v56, v5;
	v13 =	vshrl.u32 v15, $0x3;
	v10 =	vbroadcast v10, $0x0;
	[tilespmem:v20+s21+$0x0] =	vst.idx.msk $0xffff, v18;
	v14 =	vld [tilespmem:s0+$0xB0]  }
0x86: {  	v15 =	vshll.u32 v21, v1;
	v18 =	vadd.s32 v32, v2;
	v2 =	vbroadcast v16, $0x0;
	v17 =	vld [tilespmem:s0+$0xFFFFFF30];
	[tilespmem:v22+s21+$0x0] =	vst.idx.msk $0xffff, v19;
	s0 =	sadd.s32 $0x200, s0  }
0x87: {  	v9 =	vshll.u32 v9, v1;
	v16 =	vbroadcast v15, $0x0;
	v15 =	vld [tilespmem:s0+$0xC0];
	v19 =	vadd.s32 v57, v10;
	[tilespmem:v4+s21+$0x0] =	vst.idx.msk $0xffff, v25  }
0x88: {  	v22 =	vbroadcast v9, $0x0;
	v21 =	vadd.s32 v0, v2;
	v4 =	vshll.u32 v11, v1;
	v20 =	vld [tilespmem:s0+$0xFFFFFF00];
	[tilespmem:v3+s21+$0x0] =	vst.idx.msk $0xffff, v23  }
0x89: {  	v11 =	vadd.s32 v33, v16;
	v4 =	vbroadcast v4, $0x0;
	v3 =	vshll.u32 v13, v1;
	v9 =	vld [tilespmem:s0+$0xFFFFFF40];
	[tilespmem:v6+s21+$0x0] =	vst.idx.msk $0xffff, v12  }
0x8a: {  	v13 =	vadd.s32 v37, v22;
	v3 =	vbroadcast v3, $0x0;
	v6 =	vshrl.u32 v7, $0x3;
	v12 =	vld [tilespmem:s0+$0xFFFFFF80];
	[tilespmem:v5+s21+$0x0] =	vst.idx.msk $0xffff, v14  }
0x8b: {  	v8 =	vshrl.u32 v8, $0x3;
	v14 =	vadd.s32 v41, v4;
	v5 =	vshll.u32 v6, v1;
	v7 =	vld [tilespmem:s0+$0xFFFFFFC0];
	[tilespmem:v18+s21+$0x0] =	vst.idx.msk $0xffff, v17  }
0x8c: {  	v18 =	vadd.s32 v45, v3;
	v6 =	vbroadcast v5, $0x0;
	v5 =	vshll.u32 v8, v1;
	v17 =	vld [tilespmem:s0+$0x0];
	[tilespmem:v19+s21+$0x0] =	vst.idx.msk $0xffff, v15  }
0x8d: {  	v5 =	vbroadcast v5, $0x0;
	v15 =	vadd.s32 v58, v10;
	[tilespmem:v21+s21+$0x0] =	vst.idx.msk $0xffff, v20;
	v8 =	vld [tilespmem:s0+$0xD0]  }
0x8e: {  	[tilespmem:v11+s21+$0x0] =	vst.idx.msk $0xffff, v9;
	v9 =	vld [tilespmem:s0+$0x40];
	v11 =	vadd.s32 v49, v6  }
0x8f: {  	[tilespmem:v13+s21+$0x0] =	vst.idx.msk $0xffff, v12;
	v12 =	vld [tilespmem:s0+$0x80];
	v13 =	vadd.s32 v53, v5  }
0x90: {  	v20 =	vadd.s32 v34, v16;
	v19 =	vld [tilespmem:s0+$0xFFFFFF50];
	[tilespmem:v14+s21+$0x0] =	vst.idx.msk $0xffff, v7  }
0x91: {  	v14 =	vadd.s32 v38, v22;
	v7 =	vld [tilespmem:s0+$0xFFFFFF90];
	[tilespmem:v18+s21+$0x0] =	vst.idx.msk $0xffff, v17  }
0x92: {  	v18 =	vadd.s32 v42, v4;
	v17 =	vld [tilespmem:s0+$0xFFFFFFD0];
	[tilespmem:v15+s21+$0x0] =	vst.idx.msk $0xffff, v8  }
0x93: {  	[tilespmem:v11+s21+$0x0] =	vst.idx.msk $0xffff, v9;
	v8 =	vld [tilespmem:s0+$0xE0];
	v9 =	vadd.s32 v59, v10  }
0x94: {  	v15 =	vadd.s32 v46, v3;
	v11 =	vld [tilespmem:s0+$0x10];
	[tilespmem:v13+s21+$0x0] =	vst.idx.msk $0xffff, v12  }
0x95: {  	v13 =	vadd.s32 v50, v6;
	[tilespmem:v20+s21+$0x0] =	vst.idx.msk $0xffff, v19;
	v12 =	vld [tilespmem:s0+$0x50]  }
0x96: {  	[tilespmem:v14+s21+$0x0] =	vst.idx.msk $0xffff, v7;
	v7 =	vld [tilespmem:s0+$0x90];
	v14 =	vadd.s32 v54, v5  }
0x97: {  	v20 =	vadd.s32 v30, v2;
	v19 =	vld [tilespmem:s0+$0xFFFFFF10];
	[tilespmem:v18+s21+$0x0] =	vst.idx.msk $0xffff, v17  }
0x98: {  	v18 =	vadd.s32 v35, v16;
	v17 =	vld [tilespmem:s0+$0xFFFFFF60];
	[tilespmem:v9+s21+$0x0] =	vst.idx.msk $0xffff, v8  }
0x99: {  	[tilespmem:v15+s21+$0x0] =	vst.idx.msk $0xffff, v11;
	v8 =	vld [tilespmem:s0+$0xF0];
	v15 =	vadd.s32 v60, v10  }
0x9a: {  	v25 =	vadd.s32 v39, v22;
	v24 =	vld [tilespmem:s0+$0xFFFFFFA0];
	[tilespmem:v13+s21+$0x0] =	vst.idx.msk $0xffff, v12  }
0x9b: {  	v27 =	vadd.s32 v43, v4;
	v26 =	vld [tilespmem:s0+$0xFFFFFFE0];
	[tilespmem:v14+s21+$0x0] =	vst.idx.msk $0xffff, v7  }
0x9c: {  	v29 =	vadd.s32 v47, v3;
	[tilespmem:v20+s21+$0x0] =	vst.idx.msk $0xffff, v19;
	v28 =	vld [tilespmem:s0+$0x20]  }
.Ltmp2:
0x9d: {  	s5 =	sadd.s32 $0x1, s12;
	v10 =	vadd.s32 v51, v6;
	v7 =	vmov s12;
	[tilespmem:v18+s21+$0x0] =	vst.idx.msk $0xffff, v17;
	v9 =	vld [tilespmem:s0+$0x60];
	(pc) =	sbr.rel @p1 .LBB2_3-.Ltmp2, $4  }
0x9e: {  	s10 =	sadd.s32 $0x3, s12;
	v21 =	vmov s5;
	s5 =	sadd.s32 $0x2, s12;
	v12 =	vadd.s32 v55, v5;
	v19 =	vshrl.u32 v7, $0x3;
	v11 =	vld [tilespmem:s0+$0xA0];
	[tilespmem:v15+s21+$0x0] =	vst.idx.msk $0xffff, v8  }
0x9f: {  	v23 =	vmov s5;
	s5 =	sadd.s32 $0x4, s12;
	v13 =	vmov s10;
	s10 =	sadd.s32 $0x5, s12;
	v17 =	vadd.s32 v31, v2;
	v14 =	vld [tilespmem:s0+$0xFFFFFF20];
	[tilespmem:v25+s21+$0x0] =	vst.idx.msk $0xffff, v24  }
0xa0: {  	v7 =	vmov s10;
	v20 =	vadd.s32 v36, v16;
	v15 =	vmov s5;
	s5 =	sadd.s32 $0x6, s12;
	v18 =	vld [tilespmem:s0+$0xFFFFFF70];
	[tilespmem:v27+s21+$0x0] =	vst.idx.msk $0xffff, v26  }
0xa1: {  	s16 =	sadd.s32 $0x7, s12;
	v22 =	vadd.s32 v40, v22;
	v16 =	vshll.u32 v19, v1;
	s12 =	sadd.s32 $0x8, s12;
	v8 =	vmov s5;
	v19 =	vld [tilespmem:s0+$0xFFFFFFB0];
	[tilespmem:v29+s21+$0x0] =	vst.idx.msk $0xffff, v28  }
0xa2: {  	_ =	sdelay $0x2  }
0xa3: {  	v21 =	vshrl.u32 v21, $0x3;
	v4 =	vadd.s32 v44, v4  }
0xa4: {  	v24 =	vmov s16;
	v25 =	vld [tilespmem:s0+$0xFFFFFFF0];
	[tilespmem:v10+s21+$0x0] =	vst.idx.msk $0xffff, v9;
	v3 =	vadd.s32 v48, v3;
	v6 =	vadd.s32 v52, v6  }
0xa5: {  	v28 =	vshrl.u32 v23, $0x3;
	v23 =	vld [tilespmem:s0+$0x30];
	v5 =	vadd.s32 v56, v5;
	v2 =	vadd.s32 v32, v2;
	[tilespmem:v12+s21+$0x0] =	vst.idx.msk $0xffff, v11  }
0xa6: {  	v7 =	vshrl.u32 v7, $0x3;
	v8 =	vshrl.u32 v8, $0x3;
	v29 =	vshrl.u32 v24, $0x3;
	v12 =	vld [tilespmem:s0+$0x70];
	[tilespmem:v17+s21+$0x0] =	vst.idx.msk $0xffff, v14  }
0xa7: {  	v24 =	vshrl.u32 v15, $0x3;
	v15 =	vbroadcast v16, $0x0;
	v10 =	vshll.u32 v29, v1;
	v26 =	vld [tilespmem:s0+$0xB0];
	[tilespmem:v20+s21+$0x0] =	vst.idx.msk $0xffff, v18  }
0xa8: {  	s5 =	sadd.s32 $0x200, s0;
	v11 =	vshrl.u32 v13, $0x3;
	v27 =	vshll.u32 v21, v1;
	v10 =	vbroadcast v10, $0x0;
	v17 =	vld [tilespmem:s0+$0xFFFFFF30];
	[tilespmem:v22+s21+$0x0] =	vst.idx.msk $0xffff, v19  }
0xa9: {  	v9 =	vshll.u32 v28, v1;
	v28 =	vld [tilespmem:s5+$0xFFFFFF00];
	v16 =	vbroadcast v27, $0x0;
	v29 =	vadd.s32 v0, v15;
	[tilespmem:v4+s21+$0x0] =	vst.idx.msk $0xffff, v25  }
0xaa: {  	v9 =	vbroadcast v9, $0x0;
	v11 =	vshll.u32 v11, v1;
	v18 =	vld [tilespmem:s5+$0xC0];
	v19 =	vadd.s32 v57, v10;
	[tilespmem:v3+s21+$0x0] =	vst.idx.msk $0xffff, v23  }
0xab: {  	v8 =	vshll.u32 v8, v1;
	v11 =	vbroadcast v11, $0x0;
	v3 =	vld [tilespmem:s5+$0xFFFFFF40];
	v57 =	vadd.s32 v33, v16;
	[tilespmem:v6+s21+$0x0] =	vst.idx.msk $0xffff, v12  }
0xac: {  	v13 =	vshll.u32 v24, v1;
	v24 =	vadd.s32 v37, v9;
	v23 =	vld [tilespmem:s5+$0xFFFFFF80];
	v4 =	vbroadcast v8, $0x0;
	[tilespmem:v5+s21+$0x0] =	vst.idx.msk $0xffff, v26  }
0xad: {  	v7 =	vshll.u32 v7, v1;
	v13 =	vbroadcast v13, $0x0;
	v25 =	vld [tilespmem:s5+$0xFFFFFFC0];
	v26 =	vadd.s32 v41, v11;
	[tilespmem:v2+s21+$0x0] =	vst.idx.msk $0xffff, v17  }
0xae: {  	v7 =	vbroadcast v7, $0x0;
	v37 =	vld [tilespmem:s5+$0x80];
	v41 =	vadd.s32 v53, v4;
	[tilespmem:v29+s21+$0x0] =	vst.idx.msk $0xffff, v28  }
0xaf: {  	v27 =	vadd.s32 v45, v13;
	v2 =	vld [tilespmem:s5+$0x0];
	[tilespmem:v19+s21+$0x0] =	vst.idx.msk $0xffff, v18  }
0xb0: {  	v33 =	vadd.s32 v49, v7;
	[tilespmem:v57+s21+$0x0] =	vst.idx.msk $0xffff, v3;
	v3 =	vld [tilespmem:s5+$0x40]  }
0xb1: {  	v29 =	vadd.s32 v58, v10;
	[tilespmem:v24+s21+$0x0] =	vst.idx.msk $0xffff, v23;
	v28 =	vld [tilespmem:s5+$0xD0]  }
0xb2: {  	v49 =	vadd.s32 v34, v16;
	v45 =	vld [tilespmem:s5+$0xFFFFFF50];
	[tilespmem:v26+s21+$0x0] =	vst.idx.msk $0xffff, v25  }
0xb3: {  	v57 =	vadd.s32 v38, v9;
	v53 =	vld [tilespmem:s5+$0xFFFFFF90];
	[tilespmem:v41+s21+$0x0] =	vst.idx.msk $0xffff, v37  }
0xb4: {  	v58 =	vadd.s32 v42, v11;
	[tilespmem:v27+s21+$0x0] =	vst.idx.msk $0xffff, v2;
	v2 =	vld [tilespmem:s5+$0xFFFFFFD0]  }
0xb5: {  	v25 =	vadd.s32 v46, v13;
	v24 =	vld [tilespmem:s5+$0x10];
	[tilespmem:v33+s21+$0x0] =	vst.idx.msk $0xffff, v3  }
0xb6: {  	v34 =	vadd.s32 v30, v15;
	v33 =	vld [tilespmem:s5+$0xFFFFFF10];
	[tilespmem:v29+s21+$0x0] =	vst.idx.msk $0xffff, v28  }
0xb7: {  	v59 =	vadd.s32 v59, v10;
	[tilespmem:v49+s21+$0x0] =	vst.idx.msk $0xffff, v45;
	v3 =	vld [tilespmem:s5+$0xE0]  }
0xb8: {  	v27 =	vadd.s32 v50, v7;
	v26 =	vld [tilespmem:s5+$0x50];
	[tilespmem:v57+s21+$0x0] =	vst.idx.msk $0xffff, v53  }
0xb9: {  	v28 =	vld [tilespmem:s5+$0x90];
	v29 =	vadd.s32 v54, v4;
	[tilespmem:v58+s21+$0x0] =	vst.idx.msk $0xffff, v2  }
0xba: {  	v41 =	vadd.s32 v39, v9;
	v38 =	vld [tilespmem:s5+$0xFFFFFFA0];
	[tilespmem:v25+s21+$0x0] =	vst.idx.msk $0xffff, v24  }
0xbb: {  	v35 =	vadd.s32 v35, v16;
	v2 =	vld [tilespmem:s5+$0xFFFFFF60];
	[tilespmem:v34+s21+$0x0] =	vst.idx.msk $0xffff, v33  }
0xbc: {  	v43 =	vadd.s32 v43, v11;
	v42 =	vld [tilespmem:s5+$0xFFFFFFE0];
	[tilespmem:v59+s21+$0x0] =	vst.idx.msk $0xffff, v3  }
0xbd: {  	v37 =	vadd.s32 v60, v10;
	[tilespmem:v27+s21+$0x0] =	vst.idx.msk $0xffff, v26;
	v3 =	vld [tilespmem:s5+$0xF0]  }
0xbe: {  	v46 =	vadd.s32 v47, v13;
	v45 =	vld [tilespmem:s5+$0x20];
	[tilespmem:v29+s21+$0x0] =	vst.idx.msk $0xffff, v28  }
0xbf: {  	v50 =	vadd.s32 v55, v4;
	v49 =	vld [tilespmem:s5+$0xA0];
	[tilespmem:v41+s21+$0x0] =	vst.idx.msk $0xffff, v38  }
0xc0: {  	v47 =	vadd.s32 v51, v7;
	[tilespmem:v35+s21+$0x0] =	vst.idx.msk $0xffff, v2;
	v2 =	vld [tilespmem:s5+$0x60]  }
0xc1: {  	v9 =	vadd.s32 v40, v9;
	v54 =	vld [tilespmem:s5+$0xFFFFFFB0];
	[tilespmem:v43+s21+$0x0] =	vst.idx.msk $0xffff, v42  }
0xc2: {  	v51 =	vadd.s32 v31, v15;
	[tilespmem:v37+s21+$0x0] =	vst.idx.msk $0xffff, v3;
	v3 =	vld [tilespmem:s5+$0xFFFFFF20]  }
0xc3: {  	v16 =	vadd.s32 v36, v16;
	v53 =	vld [tilespmem:s5+$0xFFFFFF70];
	[tilespmem:v46+s21+$0x0] =	vst.idx.msk $0xffff, v45  }
0xc4: {  	v11 =	vadd.s32 v44, v11;
	v55 =	vld [tilespmem:s5+$0xFFFFFFF0];
	[tilespmem:v50+s21+$0x0] =	vst.idx.msk $0xffff, v49  }
0xc5: {  	v57 =	vadd.s32 v48, v13;
	[tilespmem:v47+s21+$0x0] =	vst.idx.msk $0xffff, v2;
	v2 =	vld [tilespmem:s5+$0x30]  }
0xc6: {  	v4 =	vadd.s32 v56, v4;
	v58 =	vld [tilespmem:s5+$0xB0];
	[tilespmem:v9+s21+$0x0] =	vst.idx.msk $0xffff, v54  }
0xc7: {  	v7 =	vadd.s32 v52, v7;
	[tilespmem:v51+s21+$0x0] =	vst.idx.msk $0xffff, v3;
	v3 =	vld [tilespmem:s5+$0x70]  }
0xc8: {  	v60 =	vadd.s32 v32, v15;
	[tilespmem:v16+s21+$0x0] =	vst.idx.msk $0xffff, v53;
	v59 =	vld [tilespmem:s5+$0xFFFFFF30]  }
0xc9: {  	[tilespmem:v11+s21+$0x0] =	vst.idx.msk $0xffff, v55  }
0xca: {  	[tilespmem:v57+s21+$0x0] =	vst.idx.msk $0xffff, v2  }
0xcb: {  	s10 =	sshll.u32 s31, $0x11;
	[tilespmem:v4+s21+$0x0] =	vst.idx.msk $0xffff, v58  }
0xcc: {  	s0 =	sor.u32 s6, s10;
	[tilespmem:v7+s21+$0x0] =	vst.idx.msk $0xffff, v3  }
0xcd: {  	s16 =	sadd.s32 s2, s0;
	s5 =	simm.s32 $0xE400;
	[tilespmem:v60+s21+$0x0] =	vst.idx.msk $0xffff, v59  }
0xce: {  	[hbm4b:s16+s3] =	stream.linear.scatter [tilespmem:s5], [sflag:$0x5], $0x80, $0x38;
	[tilespmem:$0x17400] =	vst v63  }
0xcf: {  	s12 =	simm.s32 $0xE490;
	s10 =	sadd.s32 $0x10, s16  }
0xd0: {  	[hbm4b:s10+s3] =	stream.linear.scatter [tilespmem:s12], [sflag:$0x5], $0x80, $0x38;
	[tilespmem:$0x17400] =	vst v63  }
0xd1: {  	s13 =	simm.s32 $0xE520;
	s18 =	sadd.s32 $0x20, s16  }
0xd2: {  	[hbm4b:s18+s3] =	stream.linear.scatter [tilespmem:s13], [sflag:$0x5], $0x80, $0x38;
	[tilespmem:$0x17400] =	vst v63  }
0xd3: {  	s10 =	simm.s32 $0xE5B0;
	s12 =	sadd.s32 $0x30, s16  }
0xd4: {  	[hbm4b:s12+s3] =	stream.linear.scatter [tilespmem:s10], [sflag:$0x5], $0x80, $0x38;
	[tilespmem:$0x17400] =	vst v63  }
0xd5: {  	s13 =	simm.s32 $0xE640;
	s18 =	sadd.s32 $0x40, s16  }
0xd6: {  	[hbm4b:s18+s3] =	stream.linear.scatter [tilespmem:s13], [sflag:$0x5], $0x80, $0x38;
	[tilespmem:$0x17400] =	vst v63  }
0xd7: {  	s5 =	simm.s32 $0xE7F0;
	s10 =	simm.s32 $0xE6D0;
	s12 =	sadd.s32 $0x50, s16  }
0xd8: {  	[hbm4b:s12+s3] =	stream.linear.scatter [tilespmem:s10], [sflag:$0x5], $0x80, $0x38;
	[tilespmem:$0x17400] =	vst v63  }
0xd9: {  	s13 =	simm.s32 $0xE760;
	s18 =	sadd.s32 $0x60, s16;
	s12 =	simm.s32 $0x480  }
0xda: {  	[hbm4b:s18+s3] =	stream.linear.scatter [tilespmem:s13], [sflag:$0x5], $0x80, $0x38;
	[tilespmem:$0x17400] =	vst v63  }
0xdb: {  	s10 =	sadd.s32 $0x70, s16;
	s16 =	sadd.s32 $0x1000, s16;
	s18 =	simm.s32 $0x2400  }
.LBB2_5:
0xdc: {  	[hbm4b:s10+s3] =	stream.linear.scatter [tilespmem:s5], [sflag:$0x5], $0x80, $0x38;
	[tilespmem:$0x17400] =	vst v63  }
0xdd: {  	s5 =	smov.u32 s12;
	s10 =	smov.u32 s18  }
0xde: {  	s13 =	sadd.s32 $0x1200, s18;
	s12 =	sshra.s32 s10, $0x2;
	s10 =	sadd.s32 $0xE400, s5  }
0xdf: {  	[hbm4b:s16+s3] =	stream.linear.scatter [tilespmem:s10], [sflag:$0x5], $0x80, $0x38;
	[tilespmem:$0x17400] =	vst v63  }
0xe0: {  	p1 =	sne.s32 s18, $0x7E00;
	s18 =	sadd.s32 $0x10, s16;
	s10 =	sadd.s32 $0xE490, s5  }
0xe1: {  	[hbm4b:s18+s3] =	stream.linear.scatter [tilespmem:s10], [sflag:$0x5], $0x80, $0x38;
	[tilespmem:$0x17400] =	vst v63  }
0xe2: {  	s10 =	sadd.s32 $0xE520, s5;
	s18 =	sadd.s32 $0x20, s16  }
0xe3: {  	[hbm4b:s18+s3] =	stream.linear.scatter [tilespmem:s10], [sflag:$0x5], $0x80, $0x38;
	[tilespmem:$0x17400] =	vst v63  }
0xe4: {  	s10 =	sadd.s32 $0xE5B0, s5;
	s18 =	sadd.s32 $0x30, s16  }
0xe5: {  	[hbm4b:s18+s3] =	stream.linear.scatter [tilespmem:s10], [sflag:$0x5], $0x80, $0x38;
	[tilespmem:$0x17400] =	vst v63  }
0xe6: {  	s10 =	sadd.s32 $0xE640, s5;
	s18 =	sadd.s32 $0x40, s16  }
0xe7: {  	[hbm4b:s18+s3] =	stream.linear.scatter [tilespmem:s10], [sflag:$0x5], $0x80, $0x38;
	[tilespmem:$0x17400] =	vst v63  }
.Ltmp3:
0xe8: {  	s10 =	sadd.s32 $0xE6D0, s5;
	s18 =	sadd.s32 $0x50, s16;
	(pc) =	sbr.rel @p1 .LBB2_5-.Ltmp3, $4  }
0xe9: {  	[hbm4b:s18+s3] =	stream.linear.scatter [tilespmem:s10], [sflag:$0x5], $0x80, $0x38;
	[tilespmem:$0x17400] =	vst v63  }
0xea: {  	s10 =	sadd.s32 $0xE760, s5;
	s18 =	sadd.s32 $0x60, s16;
	s5 =	sadd.s32 $0xE7F0, s5  }
0xeb: {  	[hbm4b:s18+s3] =	stream.linear.scatter [tilespmem:s10], [sflag:$0x5], $0x80, $0x38;
	[tilespmem:$0x17400] =	vst v63  }
0xec: {  	s10 =	sadd.s32 $0x70, s16;
	s16 =	sadd.s32 $0x1000, s16;
	s18 =	smov.u32 s13  }
0xed: {  	v31 =	vld [tilespmem:$0x1FC40]  }
0xee: {  	v32 =	vld [tilespmem:$0x1FC50]  }
0xef: {  	v33 =	vld [tilespmem:$0x1FC60]  }
0xf0: {  	v34 =	vld [tilespmem:$0x1FC70]  }
0xf1: {  	v35 =	vld [tilespmem:$0x1FC80]  }
0xf2: {  	v36 =	vld [tilespmem:$0x1FC90]  }
0xf3: {  	v37 =	vld [tilespmem:$0x1FCA0]  }
0xf4: {  	v38 =	vld [tilespmem:$0x1FCB0]  }
0xf5: {  	v39 =	vld [tilespmem:$0x1FCC0]  }
0xf6: {  	v40 =	vld [tilespmem:$0x1FCD0]  }
0xf7: {  	[hbm4b:s10+s3] =	stream.linear.scatter [tilespmem:s5], [sflag:$0x5], $0x80, $0x38;
	v41 =	vld [tilespmem:$0x1FCE0]  }
0xf8: {  	s10 =	sadd.s32 $0xE400, s12;
	v42 =	vld [tilespmem:$0x1FCF0]  }
0xf9: {  	v43 =	vld [tilespmem:$0x1FD00];
	[hbm4b:s16+s3] =	stream.linear.scatter [tilespmem:s10], [sflag:$0x5], $0x80, $0x38  }
0xfa: {  	s13 =	sadd.s32 $0xE490, s12;
	s18 =	sadd.s32 $0x10, s16;
	v44 =	vld [tilespmem:$0x1FD10]  }
0xfb: {  	v45 =	vld [tilespmem:$0x1FD20];
	[hbm4b:s18+s3] =	stream.linear.scatter [tilespmem:s13], [sflag:$0x5], $0x80, $0x38  }
0xfc: {  	v46 =	vld [tilespmem:$0x1FD30];
	s13 =	sadd.s32 $0xE520, s12;
	s18 =	sadd.s32 $0x20, s16  }
0xfd: {  	v47 =	vld [tilespmem:$0x1FD40];
	[hbm4b:s18+s3] =	stream.linear.scatter [tilespmem:s13], [sflag:$0x5], $0x80, $0x38  }
0xfe: {  	v48 =	vld [tilespmem:$0x1FD50];
	s13 =	sadd.s32 $0xE5B0, s12;
	s18 =	sadd.s32 $0x30, s16  }
0xff: {  	v49 =	vld [tilespmem:$0x1FD60];
	[hbm4b:s18+s3] =	stream.linear.scatter [tilespmem:s13], [sflag:$0x5], $0x80, $0x38  }
0x100: {  	v50 =	vld [tilespmem:$0x1FD70];
	s13 =	sadd.s32 $0xE640, s12;
	s18 =	sadd.s32 $0x40, s16  }
0x101: {  	v51 =	vld [tilespmem:$0x1FD80];
	[hbm4b:s18+s3] =	stream.linear.scatter [tilespmem:s13], [sflag:$0x5], $0x80, $0x38  }
0x102: {  	p1 =	sne.s32 s31, $0x31;
	v52 =	vld [tilespmem:$0x1FD90];
	s13 =	sadd.s32 $0xE6D0, s12;
	s18 =	sadd.s32 $0x50, s16  }
0x103: {  	v53 =	vld [tilespmem:$0x1FDA0];
	[hbm4b:s18+s3] =	stream.linear.scatter [tilespmem:s13], [sflag:$0x5], $0x80, $0x38  }
.Ltmp4:
0x104: {  	v54 =	vld [tilespmem:$0x1FDB0];
	(pc) =	sbr.rel @p1 .LBB2_8-.Ltmp4, $4  }
0x105: {  	v55 =	vld [tilespmem:$0x1FDC0];
	s13 =	sadd.s32 $0xE760, s12;
	s18 =	sadd.s32 $0x60, s16  }
0x106: {  	v56 =	vld [tilespmem:$0x1FDD0];
	[hbm4b:s18+s3] =	stream.linear.scatter [tilespmem:s13], [sflag:$0x5], $0x80, $0x38  }
0x107: {  	v57 =	vld [tilespmem:$0x1FDE0];
	s13 =	sadd.s32 $0xE7F0, s12;
	s18 =	sadd.s32 $0x70, s16  }
0x108: {  	v58 =	vld [tilespmem:$0x1FDF0];
	[hbm4b:s18+s3] =	stream.linear.scatter [tilespmem:s13], [sflag:$0x5], $0x80, $0x38  }
.Ltmp5:
0x109: {  	(pc) =	sbr.rel .LBB2_9-.Ltmp5, $4  }
0x10a: {  	_ = 	snop  }
0x10b: {  	_ =	swait.ge [sflag:s22], $0x2000  }
0x10c: {  	[sflag:s22] =	ssyncset.done $0x0  }
0x10d: {  	[sflag:s22] =	ssyncadd.s32 $0xFFFFE000  }
.LBB2_8:
0x10e: {  	s5 =	sshrl.u32 s1, $0x2  }
.Ltmp6:
0x10f: {  	s5 =	sadd.s32 $0x200, s5;
	(pc) =	sbr.rel @p0 .LBB2_10-.Ltmp6, $4  }
0x110: {  	[tilespmem:s14], [sflag:$0x1] =	stream.indirect.gather [hbm4b:s4+s11], $0x40, s5, s11, $0xb8;
	[tilespmem:$0x17400] =	vst v63  }
0x111: {  	_ =	swait.ge [sflag:s22], $0x2000  }
0x112: {  	[sflag:s22] =	ssyncset.done $0x0  }
0x113: {  	[sflag:s22] =	ssyncadd.s32 $0xFFFFE000  }
.LBB2_9:
0x114: {  	_ =	swait.ge [sflag:s23], $0x2000  }
0x115: {  	[sflag:s23] =	ssyncset.done $0x0  }
0x116: {  	[sflag:s23] =	ssyncadd.s32 $0xFFFFE000  }
.LBB2_10:
0x117: {  	s5 =	simm.s32 $0x0  }
0x118: {  	s16 =	simm.s32 $0x1;
	s10 =	simm.s32 $0x2;
	s18 =	simm.s32 $0x3;
	v2 =	vmov s5  }
0x119: {  	s13 =	simm.s32 $0x4;
	s12 =	simm.s32 $0x7;
	v3 =	vmov s16;
	v4 =	vmov s10;
	v5 =	vmov s18  }
0x11a: {  	s16 =	simm.s32 $0x5;
	v6 =	vmov s13;
	v7 =	vmov s12;
	s18 =	simm.s32 $0x6;
	v2 =	vshrl.u32 v2, $0x3  }
0x11b: {  	v8 =	vmov s16;
	v7 =	vshrl.u32 v7, $0x3;
	v9 =	vmov s18  }
0x11c: {  	v10 =	vshrl.u32 v3, $0x3;
	v4 =	vshrl.u32 v4, $0x3;
	v3 =	vshll.u32 v7, v1  }
0x11d: {  	v5 =	vshrl.u32 v5, $0x3;
	v2 =	vshll.u32 v2, v1;
	v11 =	vbroadcast v3, $0x0  }
0x11e: {  	s12 =	simm.s32 $0x85F0;
	v6 =	vshrl.u32 v6, $0x3;
	v3 =	vbroadcast v2, $0x0;
	v2 =	vshll.u32 v10, v1  }
0x11f: {  	v10 =	vld [tilespmem:s12+$0xFFFFFFD0];
	v15 =	vbroadcast v2, $0x0;
	v2 =	vshll.u32 v4, v1;
	v12 =	vadd.s32 v58, v11  }
0x120: {  	v13 =	vld [tilespmem:s12+$0xFFFFFE10];
	v14 =	vadd.s32 v61, v3;
	v22 =	vbroadcast v2, $0x0;
	v2 =	vshll.u32 v5, v1  }
0x121: {  	v16 =	vld [tilespmem:s12+$0xFFFFFE50];
	v17 =	vadd.s32 v34, v15;
	v5 =	vbroadcast v2, $0x0;
	v2 =	vshll.u32 v6, v1  }
0x122: {  	v18 =	vld [tilespmem:s12+$0xFFFFFE90];
	v19 =	vadd.s32 v38, v22;
	v4 =	vbroadcast v2, $0x0;
	v2 =	vshrl.u32 v8, $0x3  }
0x123: {  	v6 =	vshrl.u32 v9, $0x3;
	v8 =	vld [tilespmem:s12+$0xFFFFFED0];
	v20 =	vadd.s32 v42, v5;
	v2 =	vshll.u32 v2, v1  }
0x124: {  	v9 =	vld [tilespmem:s12+$0xFFFFFF10];
	v21 =	vadd.s32 v46, v4;
	v7 =	vbroadcast v2, $0x0;
	v2 =	vshll.u32 v6, v1;
	[tilespmem:v12+s21+$0x0] =	vst.idx.msk $0xffff, v10  }
0x125: {  	[tilespmem:v14+s21+$0x0] =	vst.idx.msk $0xffff, v13;
	v6 =	vbroadcast v2, $0x0;
	v10 =	vadd.s32 v62, v11;
	v2 =	vld [tilespmem:s12+$0xFFFFFFE0]  }
0x126: {  	v12 =	vld [tilespmem:s12+$0xFFFFFF50];
	[tilespmem:v17+s21+$0x0] =	vst.idx.msk $0xffff, v16;
	v13 =	vadd.s32 v50, v7  }
0x127: {  	v14 =	vld [tilespmem:s12+$0xFFFFFF90];
	[tilespmem:v19+s21+$0x0] =	vst.idx.msk $0xffff, v18;
	v16 =	vadd.s32 v54, v6  }
0x128: {  	v17 =	vld [tilespmem:s12+$0xFFFFFE60];
	v18 =	vadd.s32 v35, v15;
	[tilespmem:v20+s21+$0x0] =	vst.idx.msk $0xffff, v8  }
0x129: {  	v19 =	vadd.s32 v39, v22;
	v8 =	vld [tilespmem:s12+$0xFFFFFEA0];
	[tilespmem:v21+s21+$0x0] =	vst.idx.msk $0xffff, v9  }
0x12a: {  	v20 =	vadd.s32 v43, v5;
	v9 =	vld [tilespmem:s12+$0xFFFFFEE0];
	[tilespmem:v10+s21+$0x0] =	vst.idx.msk $0xffff, v2  }
0x12b: {  	[tilespmem:v13+s21+$0x0] =	vst.idx.msk $0xffff, v12;
	v12 =	vld [tilespmem:s12+$0xFFFFFF20];
	v13 =	vadd.s32 v47, v4  }
0x12c: {  	v10 =	vadd.s32 v63, v11;
	v2 =	vld [tilespmem:s12+$0xFFFFFFF0];
	[tilespmem:v16+s21+$0x0] =	vst.idx.msk $0xffff, v14  }
0x12d: {  	[tilespmem:v18+s21+$0x0] =	vst.idx.msk $0xffff, v17;
	v14 =	vld [tilespmem:s12+$0xFFFFFF60];
	v16 =	vadd.s32 v51, v7  }
0x12e: {  	v17 =	vadd.s32 v55, v6;
	[tilespmem:v19+s21+$0x0] =	vst.idx.msk $0xffff, v8;
	v8 =	vld [tilespmem:s12+$0xFFFFFFA0]  }
0x12f: {  	v18 =	vld [tilespmem:s12+$0xFFFFFE20];
	v19 =	vadd.s32 v31, v3;
	[tilespmem:v20+s21+$0x0] =	vst.idx.msk $0xffff, v9  }
0x130: {  	v9 =	vld [tilespmem:s12+$0xFFFFFE70];
	v20 =	vadd.s32 v36, v15;
	[tilespmem:v13+s21+$0x0] =	vst.idx.msk $0xffff, v12  }
0x131: {  	v26 =	vadd.s32 v40, v22;
	v25 =	vld [tilespmem:s12+$0xFFFFFEB0];
	[tilespmem:v10+s21+$0x0] =	vst.idx.msk $0xffff, v2  }
0x132: {  	v28 =	vadd.s32 v44, v5;
	v27 =	vld [tilespmem:s12+$0xFFFFFEF0];
	v2 =	vadd.s32 $0x3F07, v0;
	[tilespmem:v16+s21+$0x0] =	vst.idx.msk $0xffff, v14  }
0x133: {  	v21 =	vld [tilespmem:s12+$0x0];
	v24 =	vadd.s32 v2, v11;
	[tilespmem:v17+s21+$0x0] =	vst.idx.msk $0xffff, v8  }
0x134: {  	s13 =	simm.s32 $0x9;
	v30 =	vadd.s32 v48, v4;
	v29 =	vld [tilespmem:s12+$0xFFFFFF30];
	[tilespmem:v19+s21+$0x0] =	vst.idx.msk $0xffff, v18  }
0x135: {  	v23 =	vmov s13;
	s18 =	simm.s32 $0xB;
	v10 =	vld [tilespmem:s12+$0xFFFFFF70];
	v11 =	vadd.s32 v52, v7;
	[tilespmem:v20+s21+$0x0] =	vst.idx.msk $0xffff, v9  }
0x136: {  	s10 =	simm.s32 $0x8;
	s13 =	simm.s32 $0xC;
	v22 =	vadd.s32 v41, v22;
	v13 =	vadd.s32 v56, v6;
	v14 =	vmov s18;
	v12 =	vld [tilespmem:s12+$0xFFFFFFB0];
	[tilespmem:v26+s21+$0x0] =	vst.idx.msk $0xffff, v25  }
0x137: {  	s16 =	simm.s32 $0xA;
	v8 =	vmov s10;
	v18 =	vadd.s32 v32, v3;
	v17 =	vmov s13;
	v16 =	vld [tilespmem:s12+$0xFFFFFE30];
	[tilespmem:v28+s21+$0x0] =	vst.idx.msk $0xffff, v27  }
0x138: {  	s18 =	simm.s32 $0xE;
	v9 =	vshrl.u32 v8, $0x3;
	v19 =	vld [tilespmem:s12+$0xFFFFFE80];
	[tilespmem:v24+s21+$0x0] =	vst.idx.msk $0xffff, v21;
	v24 =	vmov s16;
	s16 =	simm.s32 $0xD;
	v21 =	vadd.s32 v37, v15  }
0x139: {  	v20 =	vld [tilespmem:s12+$0xFFFFFEC0];
	[tilespmem:v30+s21+$0x0] =	vst.idx.msk $0xffff, v29;
	v15 =	vshll.u32 v9, v1;
	v9 =	vmov s18;
	s18 =	simm.s32 $0xF;
	v8 =	vmov s16;
	s16 =	simm.s32 $0x10  }
.LBB2_11:
0x13a: {  	p2 =	slt.u32 s16, $0x78;
	v23 =	vshrl.u32 v23, $0x3;
	v25 =	vmov s18;
	v26 =	vld [tilespmem:s12+$0xFFFFFF00];
	v5 =	vadd.s32 v45, v5;
	[tilespmem:v11+s21+$0x0] =	vst.idx.msk $0xffff, v10  }
0x13b: {  	v10 =	vshrl.u32 v24, $0x3;
	v4 =	vadd.s32 v49, v4;
	v11 =	vshrl.u32 v25, $0x3;
	v24 =	vld [tilespmem:s12+$0xFFFFFF40];
	[tilespmem:v13+s21+$0x0] =	vst.idx.msk $0xffff, v12  }
0x13c: {  	v7 =	vadd.s32 v53, v7;
	v12 =	vshrl.u32 v14, $0x3;
	v11 =	vshll.u32 v11, v1;
	[tilespmem:v18+s21+$0x0] =	vst.idx.msk $0xffff, v16;
	v13 =	vld [tilespmem:s12+$0xFFFFFF80]  }
0x13d: {  	v6 =	vadd.s32 v57, v6;
	v14 =	vshrl.u32 v17, $0x3;
	v11 =	vbroadcast v11, $0x0;
	[tilespmem:v21+s21+$0x0] =	vst.idx.msk $0xffff, v19;
	v16 =	vld [tilespmem:s12+$0xFFFFFFC0]  }
0x13e: {  	v17 =	vshll.u32 v23, v1;
	v19 =	vadd.s32 v33, v3;
	v3 =	vbroadcast v15, $0x0;
	v18 =	vld [tilespmem:s12+$0xFFFFFE40];
	[tilespmem:v22+s21+$0x0] =	vst.idx.msk $0xffff, v20;
	s12 =	sadd.s32 $0x200, s12  }
0x13f: {  	v10 =	vshll.u32 v10, v1;
	v15 =	vbroadcast v17, $0x0;
	v17 =	vld [tilespmem:s12+$0xFFFFFFD0];
	v20 =	vadd.s32 v58, v11;
	[tilespmem:v5+s21+$0x0] =	vst.idx.msk $0xffff, v26  }
0x140: {  	v25 =	vbroadcast v10, $0x0;
	v22 =	vadd.s32 v61, v3;
	v5 =	vshll.u32 v12, v1;
	v21 =	vld [tilespmem:s12+$0xFFFFFE10];
	[tilespmem:v4+s21+$0x0] =	vst.idx.msk $0xffff, v24  }
0x141: {  	v12 =	vadd.s32 v34, v15;
	v5 =	vbroadcast v5, $0x0;
	v4 =	vshll.u32 v14, v1;
	v10 =	vld [tilespmem:s12+$0xFFFFFE50];
	[tilespmem:v7+s21+$0x0] =	vst.idx.msk $0xffff, v13  }
0x142: {  	v14 =	vadd.s32 v38, v25;
	v4 =	vbroadcast v4, $0x0;
	v7 =	vshrl.u32 v8, $0x3;
	v13 =	vld [tilespmem:s12+$0xFFFFFE90];
	[tilespmem:v6+s21+$0x0] =	vst.idx.msk $0xffff, v16  }
0x143: {  	v9 =	vshrl.u32 v9, $0x3;
	v16 =	vadd.s32 v42, v5;
	v6 =	vshll.u32 v7, v1;
	v8 =	vld [tilespmem:s12+$0xFFFFFED0];
	[tilespmem:v19+s21+$0x0] =	vst.idx.msk $0xffff, v18  }
0x144: {  	v19 =	vadd.s32 v46, v4;
	v7 =	vbroadcast v6, $0x0;
	v6 =	vshll.u32 v9, v1;
	v18 =	vld [tilespmem:s12+$0xFFFFFF10];
	[tilespmem:v20+s21+$0x0] =	vst.idx.msk $0xffff, v17  }
0x145: {  	v6 =	vbroadcast v6, $0x0;
	v17 =	vadd.s32 v62, v11;
	[tilespmem:v22+s21+$0x0] =	vst.idx.msk $0xffff, v21;
	v9 =	vld [tilespmem:s12+$0xFFFFFFE0]  }
0x146: {  	[tilespmem:v12+s21+$0x0] =	vst.idx.msk $0xffff, v10;
	v10 =	vld [tilespmem:s12+$0xFFFFFF50];
	v12 =	vadd.s32 v50, v7  }
0x147: {  	[tilespmem:v14+s21+$0x0] =	vst.idx.msk $0xffff, v13;
	v13 =	vld [tilespmem:s12+$0xFFFFFF90];
	v14 =	vadd.s32 v54, v6  }
0x148: {  	v21 =	vadd.s32 v35, v15;
	v20 =	vld [tilespmem:s12+$0xFFFFFE60];
	[tilespmem:v16+s21+$0x0] =	vst.idx.msk $0xffff, v8  }
0x149: {  	v16 =	vadd.s32 v39, v25;
	v8 =	vld [tilespmem:s12+$0xFFFFFEA0];
	[tilespmem:v19+s21+$0x0] =	vst.idx.msk $0xffff, v18  }
0x14a: {  	v19 =	vadd.s32 v43, v5;
	v18 =	vld [tilespmem:s12+$0xFFFFFEE0];
	[tilespmem:v17+s21+$0x0] =	vst.idx.msk $0xffff, v9  }
0x14b: {  	[tilespmem:v12+s21+$0x0] =	vst.idx.msk $0xffff, v10;
	v9 =	vld [tilespmem:s12+$0xFFFFFFF0];
	v10 =	vadd.s32 v63, v11  }
0x14c: {  	v17 =	vadd.s32 v47, v4;
	v12 =	vld [tilespmem:s12+$0xFFFFFF20];
	[tilespmem:v14+s21+$0x0] =	vst.idx.msk $0xffff, v13  }
0x14d: {  	v14 =	vadd.s32 v51, v7;
	[tilespmem:v21+s21+$0x0] =	vst.idx.msk $0xffff, v20;
	v13 =	vld [tilespmem:s12+$0xFFFFFF60]  }
0x14e: {  	[tilespmem:v16+s21+$0x0] =	vst.idx.msk $0xffff, v8;
	v8 =	vld [tilespmem:s12+$0xFFFFFFA0];
	v16 =	vadd.s32 v55, v6  }
0x14f: {  	v21 =	vadd.s32 v31, v3;
	v20 =	vld [tilespmem:s12+$0xFFFFFE20];
	[tilespmem:v19+s21+$0x0] =	vst.idx.msk $0xffff, v18  }
0x150: {  	v19 =	vadd.s32 v36, v15;
	v18 =	vld [tilespmem:s12+$0xFFFFFE70];
	[tilespmem:v10+s21+$0x0] =	vst.idx.msk $0xffff, v9  }
0x151: {  	[tilespmem:v17+s21+$0x0] =	vst.idx.msk $0xffff, v12;
	v9 =	vld [tilespmem:s12+$0x0];
	v17 =	vadd.s32 v2, v11  }
0x152: {  	v26 =	vadd.s32 v40, v25;
	v22 =	vld [tilespmem:s12+$0xFFFFFEB0];
	[tilespmem:v14+s21+$0x0] =	vst.idx.msk $0xffff, v13  }
0x153: {  	v28 =	vadd.s32 v44, v5;
	v27 =	vld [tilespmem:s12+$0xFFFFFEF0];
	[tilespmem:v16+s21+$0x0] =	vst.idx.msk $0xffff, v8  }
0x154: {  	v30 =	vadd.s32 v48, v4;
	[tilespmem:v21+s21+$0x0] =	vst.idx.msk $0xffff, v20;
	v29 =	vld [tilespmem:s12+$0xFFFFFF30]  }
.Ltmp7:
0x155: {  	s5 =	sadd.s32 $0x1, s16;
	v11 =	vadd.s32 v52, v7;
	v8 =	vmov s16;
	[tilespmem:v19+s21+$0x0] =	vst.idx.msk $0xffff, v18;
	v10 =	vld [tilespmem:s12+$0xFFFFFF70];
	(pc) =	sbr.rel @p2 .LBB2_11-.Ltmp7, $4  }
0x156: {  	s10 =	sadd.s32 $0x3, s16;
	v23 =	vmov s5;
	s5 =	sadd.s32 $0x2, s16;
	v13 =	vadd.s32 v56, v6;
	v20 =	vshrl.u32 v8, $0x3;
	v12 =	vld [tilespmem:s12+$0xFFFFFFB0];
	[tilespmem:v17+s21+$0x0] =	vst.idx.msk $0xffff, v9  }
0x157: {  	v24 =	vmov s5;
	s5 =	sadd.s32 $0x4, s16;
	v14 =	vmov s10;
	s10 =	sadd.s32 $0x5, s16;
	v18 =	vadd.s32 v32, v3;
	v16 =	vld [tilespmem:s12+$0xFFFFFE30];
	[tilespmem:v26+s21+$0x0] =	vst.idx.msk $0xffff, v22  }
0x158: {  	v8 =	vmov s10;
	v21 =	vadd.s32 v37, v15;
	v17 =	vmov s5;
	s5 =	sadd.s32 $0x6, s16;
	v19 =	vld [tilespmem:s12+$0xFFFFFE80];
	[tilespmem:v28+s21+$0x0] =	vst.idx.msk $0xffff, v27  }
0x159: {  	s18 =	sadd.s32 $0x7, s16;
	v15 =	vshll.u32 v20, v1;
	s16 =	sadd.s32 $0x8, s16;
	v9 =	vmov s5;
	v22 =	vadd.s32 v41, v25;
	v20 =	vld [tilespmem:s12+$0xFFFFFEC0];
	[tilespmem:v30+s21+$0x0] =	vst.idx.msk $0xffff, v29  }
0x15a: {  	_ = 	snop  }
0x15b: {  	v23 =	vshrl.u32 v23, $0x3  }
0x15c: {  	v25 =	vmov s18;
	v5 =	vadd.s32 v45, v5;
	v30 =	vshrl.u32 v24, $0x3  }
0x15d: {  	v4 =	vadd.s32 v49, v4;
	v60 =	vshrl.u32 v14, $0x3;
	v7 =	vadd.s32 v53, v7  }
0x15e: {  	v26 =	vld [tilespmem:s12+$0xFFFFFF00];
	[tilespmem:v11+s21+$0x0] =	vst.idx.msk $0xffff, v10;
	v6 =	vadd.s32 v57, v6;
	v15 =	vbroadcast v15, $0x0;
	v3 =	vadd.s32 v33, v3  }
0x15f: {  	v24 =	vld [tilespmem:s12+$0xFFFFFF40];
	v8 =	vshrl.u32 v8, $0x3;
	v59 =	vshrl.u32 v25, $0x3;
	[tilespmem:v13+s21+$0x0] =	vst.idx.msk $0xffff, v12;
	v28 =	vshll.u32 v23, v1  }
0x160: {  	v13 =	vld [tilespmem:s12+$0xFFFFFF80];
	v25 =	vshrl.u32 v17, $0x3;
	v10 =	vshll.u32 v30, v1;
	v12 =	vshll.u32 v60, v1;
	[tilespmem:v18+s21+$0x0] =	vst.idx.msk $0xffff, v16  }
0x161: {  	v8 =	vshll.u32 v8, v1;
	v11 =	vshll.u32 v59, v1;
	v27 =	vld [tilespmem:s12+$0xFFFFFFC0];
	v17 =	vbroadcast v28, $0x0;
	[tilespmem:v21+s21+$0x0] =	vst.idx.msk $0xffff, v19  }
0x162: {  	s10 =	sadd.s32 $0x200, s12;
	v59 =	vadd.s32 v61, v15;
	v10 =	vbroadcast v10, $0x0;
	v8 =	vbroadcast v8, $0x0;
	v18 =	vld [tilespmem:s12+$0xFFFFFE40];
	[tilespmem:v22+s21+$0x0] =	vst.idx.msk $0xffff, v20  }
0x163: {  	v60 =	vld [tilespmem:s10+$0xFFFFFE50];
	v14 =	vshll.u32 v25, v1;
	v11 =	vbroadcast v11, $0x0;
	v61 =	vadd.s32 v34, v17;
	[tilespmem:v5+s21+$0x0] =	vst.idx.msk $0xffff, v26  }
0x164: {  	v25 =	vadd.s32 v38, v10;
	v34 =	vld [tilespmem:s10+$0xFFFFFF50];
	v38 =	vadd.s32 v50, v8;
	[tilespmem:v4+s21+$0x0] =	vst.idx.msk $0xffff, v24  }
0x165: {  	v9 =	vshrl.u32 v9, $0x3;
	v29 =	vld [tilespmem:s10+$0xFFFFFFD0];
	v30 =	vadd.s32 v58, v11;
	[tilespmem:v7+s21+$0x0] =	vst.idx.msk $0xffff, v13  }
0x166: {  	v9 =	vshll.u32 v9, v1;
	v12 =	vbroadcast v12, $0x0;
	v58 =	vld [tilespmem:s10+$0xFFFFFE10];
	[tilespmem:v6+s21+$0x0] =	vst.idx.msk $0xffff, v27  }
0x167: {  	v14 =	vbroadcast v14, $0x0;
	v24 =	vld [tilespmem:s10+$0xFFFFFE90];
	v5 =	vbroadcast v9, $0x0;
	[tilespmem:v3+s21+$0x0] =	vst.idx.msk $0xffff, v18  }
0x168: {  	v26 =	vld [tilespmem:s10+$0xFFFFFED0];
	v27 =	vadd.s32 v42, v12;
	[tilespmem:v61+s21+$0x0] =	vst.idx.msk $0xffff, v60  }
0x169: {  	v28 =	vadd.s32 v46, v14;
	v42 =	vld [tilespmem:s10+$0xFFFFFF90];
	v46 =	vadd.s32 v54, v5;
	[tilespmem:v38+s21+$0x0] =	vst.idx.msk $0xffff, v34  }
0x16a: {  	v3 =	vld [tilespmem:s10+$0xFFFFFF10];
	[tilespmem:v30+s21+$0x0] =	vst.idx.msk $0xffff, v29  }
0x16b: {  	[tilespmem:v59+s21+$0x0] =	vst.idx.msk $0xffff, v58;
	v30 =	vadd.s32 v62, v11;
	v29 =	vld [tilespmem:s10+$0xFFFFFFE0]  }
0x16c: {  	v54 =	vadd.s32 v35, v17;
	[tilespmem:v25+s21+$0x0] =	vst.idx.msk $0xffff, v24;
	v50 =	vld [tilespmem:s10+$0xFFFFFE60]  }
0x16d: {  	v59 =	vadd.s32 v39, v10;
	v58 =	vld [tilespmem:s10+$0xFFFFFEA0];
	[tilespmem:v27+s21+$0x0] =	vst.idx.msk $0xffff, v26  }
0x16e: {  	v35 =	vadd.s32 v31, v15;
	v34 =	vld [tilespmem:s10+$0xFFFFFE20];
	[tilespmem:v46+s21+$0x0] =	vst.idx.msk $0xffff, v42  }
0x16f: {  	v60 =	vadd.s32 v43, v12;
	[tilespmem:v28+s21+$0x0] =	vst.idx.msk $0xffff, v3;
	v3 =	vld [tilespmem:s10+$0xFFFFFEE0]  }
0x170: {  	v27 =	vld [tilespmem:s10+$0xFFFFFF60];
	v28 =	vadd.s32 v51, v8;
	[tilespmem:v30+s21+$0x0] =	vst.idx.msk $0xffff, v29  }
0x171: {  	v24 =	vadd.s32 v63, v11;
	[tilespmem:v54+s21+$0x0] =	vst.idx.msk $0xffff, v50;
	v61 =	vld [tilespmem:s10+$0xFFFFFFF0]  }
0x172: {  	v26 =	vadd.s32 v47, v14;
	v25 =	vld [tilespmem:s10+$0xFFFFFF20];
	[tilespmem:v59+s21+$0x0] =	vst.idx.msk $0xffff, v58  }
0x173: {  	v29 =	vld [tilespmem:s10+$0xFFFFFFA0];
	v30 =	vadd.s32 v55, v5;
	[tilespmem:v35+s21+$0x0] =	vst.idx.msk $0xffff, v34  }
0x174: {  	v39 =	vadd.s32 v40, v10;
	v38 =	vld [tilespmem:s10+$0xFFFFFEB0];
	[tilespmem:v60+s21+$0x0] =	vst.idx.msk $0xffff, v3  }
0x175: {  	v36 =	vadd.s32 v36, v17;
	v3 =	vld [tilespmem:s10+$0xFFFFFE70];
	[tilespmem:v28+s21+$0x0] =	vst.idx.msk $0xffff, v27  }
0x176: {  	v42 =	vadd.s32 v44, v12;
	v40 =	vld [tilespmem:s10+$0xFFFFFEF0];
	[tilespmem:v24+s21+$0x0] =	vst.idx.msk $0xffff, v61  }
0x177: {  	v2 =	vadd.s32 v2, v11;
	[tilespmem:v26+s21+$0x0] =	vst.idx.msk $0xffff, v25;
	v4 =	vld [tilespmem:s10+$0x0]  }
0x178: {  	v44 =	vadd.s32 v48, v14;
	v43 =	vld [tilespmem:s10+$0xFFFFFF30];
	[tilespmem:v30+s21+$0x0] =	vst.idx.msk $0xffff, v29  }
0x179: {  	v48 =	vadd.s32 v56, v5;
	v47 =	vld [tilespmem:s10+$0xFFFFFFB0];
	[tilespmem:v39+s21+$0x0] =	vst.idx.msk $0xffff, v38  }
0x17a: {  	v46 =	vadd.s32 v52, v8;
	[tilespmem:v36+s21+$0x0] =	vst.idx.msk $0xffff, v3;
	v3 =	vld [tilespmem:s10+$0xFFFFFF70]  }
0x17b: {  	v10 =	vadd.s32 v41, v10;
	v54 =	vld [tilespmem:s10+$0xFFFFFEC0];
	[tilespmem:v42+s21+$0x0] =	vst.idx.msk $0xffff, v40  }
0x17c: {  	v50 =	vadd.s32 v32, v15;
	[tilespmem:v2+s21+$0x0] =	vst.idx.msk $0xffff, v4;
	v2 =	vld [tilespmem:s10+$0xFFFFFE30]  }
0x17d: {  	v52 =	vadd.s32 v37, v17;
	v51 =	vld [tilespmem:s10+$0xFFFFFE80];
	[tilespmem:v44+s21+$0x0] =	vst.idx.msk $0xffff, v43  }
0x17e: {  	v12 =	vadd.s32 v45, v12;
	v55 =	vld [tilespmem:s10+$0xFFFFFF00];
	[tilespmem:v48+s21+$0x0] =	vst.idx.msk $0xffff, v47  }
0x17f: {  	v56 =	vadd.s32 v49, v14;
	[tilespmem:v46+s21+$0x0] =	vst.idx.msk $0xffff, v3;
	v3 =	vld [tilespmem:s10+$0xFFFFFF40]  }
0x180: {  	v5 =	vadd.s32 v57, v5;
	v59 =	vld [tilespmem:s10+$0xFFFFFFC0];
	[tilespmem:v10+s21+$0x0] =	vst.idx.msk $0xffff, v54  }
0x181: {  	v58 =	vadd.s32 v53, v8;
	[tilespmem:v50+s21+$0x0] =	vst.idx.msk $0xffff, v2;
	v2 =	vld [tilespmem:s10+$0xFFFFFF80]  }
0x182: {  	v61 =	vadd.s32 v33, v15;
	[tilespmem:v52+s21+$0x0] =	vst.idx.msk $0xffff, v51;
	v60 =	vld [tilespmem:s10+$0xFFFFFE40]  }
0x183: {  	[tilespmem:v12+s21+$0x0] =	vst.idx.msk $0xffff, v55  }
0x184: {  	[tilespmem:v56+s21+$0x0] =	vst.idx.msk $0xffff, v3  }
0x185: {  	[tilespmem:v5+s21+$0x0] =	vst.idx.msk $0xffff, v59  }
0x186: {  	[tilespmem:v58+s21+$0x0] =	vst.idx.msk $0xffff, v2  }
0x187: {  	s13 =	sadd.s32 s0, s7;
	s5 =	simm.s32 $0x10800;
	[tilespmem:v61+s21+$0x0] =	vst.idx.msk $0xffff, v60  }
0x188: {  	[hbm4b:s13+s3] =	stream.linear.scatter [tilespmem:s5], [sflag:$0x6], $0x80, $0x38;
	[tilespmem:$0x17400] =	vst v63  }
0x189: {  	s12 =	simm.s32 $0x10890;
	s10 =	sadd.s32 $0x10, s13  }
0x18a: {  	[hbm4b:s10+s3] =	stream.linear.scatter [tilespmem:s12], [sflag:$0x6], $0x80, $0x38;
	[tilespmem:$0x17400] =	vst v63  }
0x18b: {  	s16 =	simm.s32 $0x10920;
	s18 =	sadd.s32 $0x20, s13  }
0x18c: {  	[hbm4b:s18+s3] =	stream.linear.scatter [tilespmem:s16], [sflag:$0x6], $0x80, $0x38;
	[tilespmem:$0x17400] =	vst v63  }
0x18d: {  	s10 =	simm.s32 $0x109B0;
	s12 =	sadd.s32 $0x30, s13  }
0x18e: {  	[hbm4b:s12+s3] =	stream.linear.scatter [tilespmem:s10], [sflag:$0x6], $0x80, $0x38;
	[tilespmem:$0x17400] =	vst v63  }
0x18f: {  	s16 =	simm.s32 $0x10A40;
	s18 =	sadd.s32 $0x40, s13  }
0x190: {  	[hbm4b:s18+s3] =	stream.linear.scatter [tilespmem:s16], [sflag:$0x6], $0x80, $0x38;
	[tilespmem:$0x17400] =	vst v63  }
0x191: {  	s5 =	simm.s32 $0x10BF0;
	s10 =	simm.s32 $0x10AD0;
	s12 =	sadd.s32 $0x50, s13  }
0x192: {  	[hbm4b:s12+s3] =	stream.linear.scatter [tilespmem:s10], [sflag:$0x6], $0x80, $0x38;
	[tilespmem:$0x17400] =	vst v63  }
0x193: {  	s16 =	simm.s32 $0x10B60;
	s18 =	sadd.s32 $0x60, s13;
	s12 =	simm.s32 $0x480  }
0x194: {  	[hbm4b:s18+s3] =	stream.linear.scatter [tilespmem:s16], [sflag:$0x6], $0x80, $0x38;
	[tilespmem:$0x17400] =	vst v63  }
0x195: {  	s10 =	sadd.s32 $0x70, s13;
	s18 =	simm.s32 $0x2400;
	s16 =	sadd.s32 $0x1000, s13  }
.LBB2_13:
0x196: {  	[hbm4b:s10+s3] =	stream.linear.scatter [tilespmem:s5], [sflag:$0x6], $0x80, $0x38;
	[tilespmem:$0x17400] =	vst v63  }
0x197: {  	s5 =	smov.u32 s12;
	s10 =	smov.u32 s18  }
0x198: {  	s13 =	sadd.s32 $0x1200, s18;
	s12 =	sshra.s32 s10, $0x2;
	s10 =	sadd.s32 $0x10800, s5  }
0x199: {  	[hbm4b:s16+s3] =	stream.linear.scatter [tilespmem:s10], [sflag:$0x6], $0x80, $0x38;
	[tilespmem:$0x17400] =	vst v63  }
0x19a: {  	p2 =	sne.s32 s18, $0x7E00;
	s18 =	sadd.s32 $0x10, s16;
	s10 =	sadd.s32 $0x10890, s5  }
0x19b: {  	[hbm4b:s18+s3] =	stream.linear.scatter [tilespmem:s10], [sflag:$0x6], $0x80, $0x38;
	[tilespmem:$0x17400] =	vst v63  }
0x19c: {  	s10 =	sadd.s32 $0x10920, s5;
	s18 =	sadd.s32 $0x20, s16  }
0x19d: {  	[hbm4b:s18+s3] =	stream.linear.scatter [tilespmem:s10], [sflag:$0x6], $0x80, $0x38;
	[tilespmem:$0x17400] =	vst v63  }
0x19e: {  	s10 =	sadd.s32 $0x109B0, s5;
	s18 =	sadd.s32 $0x30, s16  }
0x19f: {  	[hbm4b:s18+s3] =	stream.linear.scatter [tilespmem:s10], [sflag:$0x6], $0x80, $0x38;
	[tilespmem:$0x17400] =	vst v63  }
0x1a0: {  	s10 =	sadd.s32 $0x10A40, s5;
	s18 =	sadd.s32 $0x40, s16  }
0x1a1: {  	[hbm4b:s18+s3] =	stream.linear.scatter [tilespmem:s10], [sflag:$0x6], $0x80, $0x38;
	[tilespmem:$0x17400] =	vst v63  }
.Ltmp8:
0x1a2: {  	s10 =	sadd.s32 $0x10AD0, s5;
	s18 =	sadd.s32 $0x50, s16;
	(pc) =	sbr.rel @p2 .LBB2_13-.Ltmp8, $4  }
0x1a3: {  	[hbm4b:s18+s3] =	stream.linear.scatter [tilespmem:s10], [sflag:$0x6], $0x80, $0x38;
	[tilespmem:$0x17400] =	vst v63  }
0x1a4: {  	s10 =	sadd.s32 $0x10B60, s5;
	s18 =	sadd.s32 $0x60, s16;
	s5 =	sadd.s32 $0x10BF0, s5  }
0x1a5: {  	[hbm4b:s18+s3] =	stream.linear.scatter [tilespmem:s10], [sflag:$0x6], $0x80, $0x38;
	[tilespmem:$0x17400] =	vst v63  }
0x1a6: {  	s10 =	sadd.s32 $0x70, s16;
	s16 =	sadd.s32 $0x1000, s16;
	s18 =	smov.u32 s13  }
0x1a7: {  	[hbm4b:s10+s3] =	stream.linear.scatter [tilespmem:s5], [sflag:$0x6], $0x80, $0x38;
	[tilespmem:$0x17400] =	vst v63  }
0x1a8: {  	s10 =	sadd.s32 $0x10800, s12  }
0x1a9: {  	[hbm4b:s16+s3] =	stream.linear.scatter [tilespmem:s10], [sflag:$0x6], $0x80, $0x38;
	[tilespmem:$0x17400] =	vst v63  }
0x1aa: {  	s13 =	sadd.s32 $0x10890, s12;
	s18 =	sadd.s32 $0x10, s16  }
0x1ab: {  	[hbm4b:s18+s3] =	stream.linear.scatter [tilespmem:s13], [sflag:$0x6], $0x80, $0x38;
	[tilespmem:$0x17400] =	vst v63  }
0x1ac: {  	s13 =	sadd.s32 $0x10920, s12;
	s18 =	sadd.s32 $0x20, s16  }
0x1ad: {  	[hbm4b:s18+s3] =	stream.linear.scatter [tilespmem:s13], [sflag:$0x6], $0x80, $0x38;
	[tilespmem:$0x17400] =	vst v63  }
0x1ae: {  	s13 =	sadd.s32 $0x109B0, s12;
	s18 =	sadd.s32 $0x30, s16  }
0x1af: {  	[hbm4b:s18+s3] =	stream.linear.scatter [tilespmem:s13], [sflag:$0x6], $0x80, $0x38;
	[tilespmem:$0x17400] =	vst v63  }
0x1b0: {  	s13 =	sadd.s32 $0x10A40, s12;
	s18 =	sadd.s32 $0x40, s16  }
0x1b1: {  	[hbm4b:s18+s3] =	stream.linear.scatter [tilespmem:s13], [sflag:$0x6], $0x80, $0x38;
	[tilespmem:$0x17400] =	vst v63  }
0x1b2: {  	s13 =	sadd.s32 $0x10AD0, s12;
	s18 =	sadd.s32 $0x50, s16  }
0x1b3: {  	[hbm4b:s18+s3] =	stream.linear.scatter [tilespmem:s13], [sflag:$0x6], $0x80, $0x38;
	[tilespmem:$0x17400] =	vst v63  }
.Ltmp9:
0x1b4: {  	_ = 	snop;
	(pc) =	sbr.rel @p1 .LBB2_16-.Ltmp9, $4  }
0x1b5: {  	s13 =	sadd.s32 $0x10B60, s12;
	s18 =	sadd.s32 $0x60, s16  }
0x1b6: {  	[hbm4b:s18+s3] =	stream.linear.scatter [tilespmem:s13], [sflag:$0x6], $0x80, $0x38;
	[tilespmem:$0x17400] =	vst v63  }
0x1b7: {  	s13 =	sadd.s32 $0x10BF0, s12;
	s18 =	sadd.s32 $0x70, s16  }
0x1b8: {  	[hbm4b:s18+s3] =	stream.linear.scatter [tilespmem:s13], [sflag:$0x6], $0x80, $0x38;
	[tilespmem:$0x17400] =	vst v63  }
.Ltmp10:
0x1b9: {  	(pc) =	sbr.rel .LBB2_17-.Ltmp10, $4  }
0x1ba: {  	_ = 	snop  }
0x1bb: {  	_ =	swait.ge [sflag:s24], $0x2000  }
0x1bc: {  	[sflag:s24] =	ssyncset.done $0x0  }
0x1bd: {  	[sflag:s24] =	ssyncadd.s32 $0xFFFFE000  }
.LBB2_16:
0x1be: {  	s5 =	sshrl.u32 s1, $0x2  }
.Ltmp11:
0x1bf: {  	s5 =	sadd.s32 $0x280, s5;
	(pc) =	sbr.rel @p0 .LBB2_18-.Ltmp11, $4  }
0x1c0: {  	[tilespmem:s15], [sflag:$0x2] =	stream.indirect.gather [hbm4b:s4+s11], $0x40, s5, s11, $0xb8;
	[tilespmem:$0x17400] =	vst v63  }
0x1c1: {  	_ =	swait.ge [sflag:s24], $0x2000  }
0x1c2: {  	[sflag:s24] =	ssyncset.done $0x0  }
0x1c3: {  	[sflag:s24] =	ssyncadd.s32 $0xFFFFE000  }
.LBB2_17:
0x1c4: {  	_ =	swait.ge [sflag:s25], $0x2000  }
0x1c5: {  	[sflag:s25] =	ssyncset.done $0x0  }
0x1c6: {  	[sflag:s25] =	ssyncadd.s32 $0xFFFFE000  }
.LBB2_18:
0x1c7: {  	v6 =	vadd.s32 $0x4800, v0;
	v5 =	vadd.s32 $0x4801, v0  }
0x1c8: {  	s5 =	simm.s32 $0x0;
	v4 =	vadd.s32 $0x4802, v0;
	s13 =	simm.s32 $0x1;
	s10 =	simm.s32 $0x2;
	v3 =	vadd.s32 $0x4803, v0;
	v19 =	vadd.s32 $0x4807, v0  }
0x1c9: {  	s16 =	simm.s32 $0x3;
	s18 =	simm.s32 $0x4;
	s12 =	simm.s32 $0x5;
	v2 =	vmov s5;
	v7 =	vmov s13;
	v8 =	vmov s10  }
0x1ca: {  	v9 =	vmov s16;
	v10 =	vmov s18;
	s10 =	simm.s32 $0x6;
	v11 =	vmov s12;
	s12 =	simm.s32 $0x7  }
0x1cb: {  	v2 =	vshrl.u32 v2, $0x3;
	v12 =	vmov s10;
	v13 =	vmov s12  }
0x1cc: {  	v7 =	vshrl.u32 v7, $0x3;
	v2 =	vshll.u32 v2, v1;
	v13 =	vshrl.u32 v13, $0x3  }
0x1cd: {  	v8 =	vshrl.u32 v8, $0x3;
	v13 =	vshll.u32 v13, v1;
	v34 =	vbroadcast v2, $0x0  }
0x1ce: {  	v9 =	vshrl.u32 v9, $0x3;
	s12 =	simm.s32 $0xA5F0;
	v2 =	vshll.u32 v7, v1;
	v28 =	vbroadcast v13, $0x0  }
0x1cf: {  	v57 =	vbroadcast v2, $0x0;
	v2 =	vshll.u32 v8, v1;
	v13 =	vld [tilespmem:s12+$0xFFFFFE10];
	v16 =	vadd.s32 v6, v34  }
0x1d0: {  	v10 =	vshrl.u32 v10, $0x3;
	v7 =	vld [tilespmem:s12+$0xFFFFFFD0];
	v56 =	vbroadcast v2, $0x0;
	v8 =	vadd.s32 v19, v28  }
0x1d1: {  	v12 =	vshrl.u32 v12, $0x3;
	v2 =	vshll.u32 v9, v1;
	v9 =	vld [tilespmem:s12+$0xFFFFFE50];
	v17 =	vadd.s32 v5, v57  }
0x1d2: {  	v35 =	vbroadcast v2, $0x0;
	v2 =	vshll.u32 v10, v1;
	v10 =	vld [tilespmem:s12+$0xFFFFFE90];
	v18 =	vadd.s32 v4, v56  }
0x1d3: {  	v11 =	vshrl.u32 v11, $0x3;
	v12 =	vshll.u32 v12, v1;
	v36 =	vbroadcast v2, $0x0  }
0x1d4: {  	v14 =	vadd.s32 $0x4804, v0;
	v2 =	vshll.u32 v11, v1;
	v11 =	vld [tilespmem:s12+$0xFFFFFED0];
	v21 =	vadd.s32 v3, v35;
	[tilespmem:v16+s21+$0x0] =	vst.idx.msk $0xffff, v13  }
0x1d5: {  	v15 =	vadd.s32 $0x5107, v0;
	v22 =	vld [tilespmem:s12+$0xFFFFFF10];
	v37 =	vbroadcast v12, $0x0;
	v23 =	vadd.s32 v14, v36;
	[tilespmem:v8+s21+$0x0] =	vst.idx.msk $0xffff, v7  }
0x1d6: {  	v8 =	vadd.s32 v15, v28;
	[tilespmem:v17+s21+$0x0] =	vst.idx.msk $0xffff, v9;
	v17 =	vadd.s32 $0x4806, v0;
	v7 =	vld [tilespmem:s12+$0xFFFFFFE0]  }
0x1d7: {  	v38 =	vbroadcast v2, $0x0;
	v16 =	vadd.s32 $0x5101, v0;
	[tilespmem:v18+s21+$0x0] =	vst.idx.msk $0xffff, v10;
	v10 =	vld [tilespmem:s12+$0xFFFFFF90];
	v18 =	vadd.s32 v17, v37  }
0x1d8: {  	v13 =	vadd.s32 $0x4805, v0;
	v26 =	vadd.s32 v16, v57;
	v25 =	vld [tilespmem:s12+$0xFFFFFE60]  }
0x1d9: {  	v20 =	vadd.s32 $0x5102, v0;
	v9 =	vld [tilespmem:s12+$0xFFFFFF50];
	v12 =	vadd.s32 v13, v38;
	[tilespmem:v21+s21+$0x0] =	vst.idx.msk $0xffff, v11  }
0x1da: {  	v27 =	vadd.s32 v20, v56;
	v11 =	vld [tilespmem:s12+$0xFFFFFEA0];
	v21 =	vadd.s32 $0x5103, v0;
	[tilespmem:v23+s21+$0x0] =	vst.idx.msk $0xffff, v22  }
0x1db: {  	v24 =	vadd.s32 $0x5105, v0;
	s13 =	simm.s32 $0x8;
	v29 =	vld [tilespmem:s12+$0xFFFFFEE0];
	v30 =	vadd.s32 v21, v35;
	v23 =	vadd.s32 $0x5104, v0;
	[tilespmem:v8+s21+$0x0] =	vst.idx.msk $0xffff, v7  }
0x1dc: {  	s18 =	simm.s32 $0xA;
	v60 =	vmov s13;
	v22 =	vadd.s32 $0x5A07, v0;
	v33 =	vld [tilespmem:s12+$0xFFFFFF20];
	v41 =	vadd.s32 v23, v36;
	[tilespmem:v18+s21+$0x0] =	vst.idx.msk $0xffff, v10  }
0x1dd: {  	v39 =	vmov s18;
	s10 =	simm.s32 $0xB;
	v32 =	vadd.s32 v22, v28;
	[tilespmem:v26+s21+$0x0] =	vst.idx.msk $0xffff, v25;
	v25 =	vadd.s32 $0x5106, v0;
	v31 =	vld [tilespmem:s12+$0xFFFFFFF0]  }
0x1de: {  	v61 =	vmov s10;
	v2 =	vadd.s32 $0x6300, v0;
	[tilespmem:v12+s21+$0x0] =	vst.idx.msk $0xffff, v9;
	v44 =	vld [tilespmem:s12+$0xFFFFFFA0];
	v45 =	vadd.s32 v25, v37  }
0x1df: {  	v43 =	vadd.s32 v24, v38;
	v9 =	vadd.s32 $0x6303, v0;
	v42 =	vld [tilespmem:s12+$0xFFFFFF60];
	v26 =	vadd.s32 $0x5100, v0;
	[tilespmem:v27+s21+$0x0] =	vst.idx.msk $0xffff, v11  }
0x1e0: {  	v46 =	vld [tilespmem:s12+$0xFFFFFE20];
	v12 =	vadd.s32 $0x6306, v0;
	v27 =	vadd.s32 $0x5A01, v0;
	v47 =	vadd.s32 v26, v34;
	[tilespmem:v30+s21+$0x0] =	vst.idx.msk $0xffff, v29  }
0x1e1: {  	v48 =	vld [tilespmem:s12+$0xFFFFFE70];
	v49 =	vadd.s32 v27, v57;
	v30 =	vadd.s32 $0x6307, v0;
	v29 =	vadd.s32 $0x5A02, v0;
	[tilespmem:v41+s21+$0x0] =	vst.idx.msk $0xffff, v33  }
0x1e2: {  	v53 =	vld [tilespmem:s12+$0xFFFFFEB0];
	v50 =	vadd.s32 v30, v28;
	v28 =	vadd.s32 $0x5A04, v0;
	v55 =	vadd.s32 v29, v56;
	[tilespmem:v32+s21+$0x0] =	vst.idx.msk $0xffff, v31  }
0x1e3: {  	v7 =	vadd.s32 $0x6301, v0;
	v59 =	vld [tilespmem:s12+$0xFFFFFF30];
	[tilespmem:v45+s21+$0x0] =	vst.idx.msk $0xffff, v44;
	v45 =	vshrl.u32 v60, $0x3;
	v60 =	vadd.s32 v28, v36  }
0x1e4: {  	v8 =	vadd.s32 $0x6302, v0;
	v10 =	vadd.s32 $0x6304, v0;
	[tilespmem:v43+s21+$0x0] =	vst.idx.msk $0xffff, v42;
	v32 =	vadd.s32 $0x5A03, v0;
	v41 =	vld [tilespmem:s12+$0x0]  }
0x1e5: {  	v18 =	vadd.s32 $0x5A00, v0;
	v58 =	vld [tilespmem:s12+$0xFFFFFEF0];
	v31 =	vadd.s32 $0x5A05, v0;
	[tilespmem:v47+s21+$0x0] =	vst.idx.msk $0xffff, v46;
	v40 =	vadd.s32 v32, v35  }
0x1e6: {  	s16 =	simm.s32 $0x9;
	v11 =	vadd.s32 $0x6305, v0;
	v33 =	vadd.s32 $0x5A06, v0;
	v46 =	vld [tilespmem:s12+$0xFFFFFF70];
	[tilespmem:v49+s21+$0x0] =	vst.idx.msk $0xffff, v48;
	v48 =	vadd.s32 v31, v38  }
0x1e7: {  	s13 =	simm.s32 $0xC;
	v54 =	vadd.s32 v18, v34;
	v51 =	vadd.s32 v33, v37;
	v44 =	vmov s16;
	s16 =	simm.s32 $0xD;
	v49 =	vld [tilespmem:s12+$0xFFFFFFB0];
	[tilespmem:v55+s21+$0x0] =	vst.idx.msk $0xffff, v53  }
0x1e8: {  	s18 =	simm.s32 $0xE;
	v42 =	vshrl.u32 v61, $0x3;
	v47 =	vmov s13;
	v43 =	vmov s16;
	v52 =	vld [tilespmem:s12+$0xFFFFFE30];
	[tilespmem:v60+s21+$0x0] =	vst.idx.msk $0xffff, v59  }
0x1e9: {  	v53 =	vld [tilespmem:s12+$0xFFFFFE80];
	v55 =	vadd.s32 v7, v57;
	[tilespmem:v50+s21+$0x0] =	vst.idx.msk $0xffff, v41;
	v41 =	vmov s18;
	v50 =	vshll.u32 v45, v1  }
0x1ea: {  	s16 =	simm.s32 $0x10;
	v45 =	vshrl.u32 v44, $0x3;
	[tilespmem:v40+s21+$0x0] =	vst.idx.msk $0xffff, v58;
	v44 =	vshrl.u32 v39, $0x3;
	s18 =	simm.s32 $0xF;
	v39 =	vld [tilespmem:s12+$0xFFFFFEC0];
	v40 =	vadd.s32 v8, v56  }
.LBB2_19:
0x1eb: {  	p2 =	slt.u32 s16, $0x78;
	v47 =	vshrl.u32 v47, $0x3;
	v56 =	vmov s18;
	v57 =	vld [tilespmem:s12+$0xFFFFFF00];
	v35 =	vadd.s32 v9, v35;
	[tilespmem:v48+s21+$0x0] =	vst.idx.msk $0xffff, v46  }
0x1ec: {  	v43 =	vshrl.u32 v43, $0x3;
	v36 =	vadd.s32 v10, v36;
	v46 =	vshrl.u32 v56, $0x3;
	v48 =	vld [tilespmem:s12+$0xFFFFFF40];
	[tilespmem:v51+s21+$0x0] =	vst.idx.msk $0xffff, v49  }
0x1ed: {  	v41 =	vshrl.u32 v41, $0x3;
	v38 =	vadd.s32 v11, v38;
	v46 =	vshll.u32 v46, v1;
	[tilespmem:v54+s21+$0x0] =	vst.idx.msk $0xffff, v52;
	v49 =	vld [tilespmem:s12+$0xFFFFFF80]  }
0x1ee: {  	v50 =	vbroadcast v50, $0x0;
	v37 =	vadd.s32 v12, v37;
	v46 =	vbroadcast v46, $0x0;
	[tilespmem:v55+s21+$0x0] =	vst.idx.msk $0xffff, v53;
	v51 =	vld [tilespmem:s12+$0xFFFFFFC0]  }
0x1ef: {  	v45 =	vshll.u32 v45, v1;
	v34 =	vadd.s32 v2, v34;
	v52 =	vld [tilespmem:s12+$0xFFFFFE40];
	[tilespmem:v40+s21+$0x0] =	vst.idx.msk $0xffff, v39;
	s12 =	sadd.s32 $0x200, s12  }
0x1f0: {  	v39 =	vbroadcast v45, $0x0;
	v40 =	vshll.u32 v44, v1;
	v44 =	vld [tilespmem:s12+$0xFFFFFFD0];
	v45 =	vadd.s32 v19, v46;
	[tilespmem:v35+s21+$0x0] =	vst.idx.msk $0xffff, v57  }
0x1f1: {  	v54 =	vadd.s32 v6, v50;
	v40 =	vbroadcast v40, $0x0;
	v35 =	vshll.u32 v42, v1;
	v53 =	vld [tilespmem:s12+$0xFFFFFE10];
	[tilespmem:v36+s21+$0x0] =	vst.idx.msk $0xffff, v48  }
0x1f2: {  	v48 =	vadd.s32 v5, v39;
	v35 =	vbroadcast v35, $0x0;
	v36 =	vshll.u32 v47, v1;
	v42 =	vld [tilespmem:s12+$0xFFFFFE50];
	[tilespmem:v38+s21+$0x0] =	vst.idx.msk $0xffff, v49  }
0x1f3: {  	v49 =	vadd.s32 v4, v40;
	v36 =	vbroadcast v36, $0x0;
	v38 =	vshll.u32 v43, v1;
	v47 =	vld [tilespmem:s12+$0xFFFFFE90];
	[tilespmem:v37+s21+$0x0] =	vst.idx.msk $0xffff, v51  }
0x1f4: {  	v51 =	vadd.s32 v3, v35;
	v37 =	vshll.u32 v41, v1;
	v43 =	vld [tilespmem:s12+$0xFFFFFED0];
	[tilespmem:v34+s21+$0x0] =	vst.idx.msk $0xffff, v52  }
0x1f5: {  	v38 =	vbroadcast v38, $0x0;
	v52 =	vadd.s32 v14, v36;
	v34 =	vmov v50;
	v41 =	vld [tilespmem:s12+$0xFFFFFF10];
	[tilespmem:v45+s21+$0x0] =	vst.idx.msk $0xffff, v44  }
0x1f6: {  	v37 =	vbroadcast v37, $0x0;
	v45 =	vadd.s32 v15, v46;
	[tilespmem:v54+s21+$0x0] =	vst.idx.msk $0xffff, v53;
	v44 =	vld [tilespmem:s12+$0xFFFFFFE0]  }
0x1f7: {  	[tilespmem:v48+s21+$0x0] =	vst.idx.msk $0xffff, v42;
	v42 =	vld [tilespmem:s12+$0xFFFFFF50];
	v48 =	vadd.s32 v13, v38  }
0x1f8: {  	[tilespmem:v49+s21+$0x0] =	vst.idx.msk $0xffff, v47;
	v47 =	vld [tilespmem:s12+$0xFFFFFF90];
	v49 =	vadd.s32 v17, v37  }
0x1f9: {  	v53 =	vadd.s32 v16, v39;
	v50 =	vld [tilespmem:s12+$0xFFFFFE60];
	[tilespmem:v51+s21+$0x0] =	vst.idx.msk $0xffff, v43  }
0x1fa: {  	v51 =	vadd.s32 v20, v40;
	v43 =	vld [tilespmem:s12+$0xFFFFFEA0];
	[tilespmem:v52+s21+$0x0] =	vst.idx.msk $0xffff, v41  }
0x1fb: {  	v52 =	vadd.s32 v21, v35;
	v41 =	vld [tilespmem:s12+$0xFFFFFEE0];
	[tilespmem:v45+s21+$0x0] =	vst.idx.msk $0xffff, v44  }
0x1fc: {  	v44 =	vadd.s32 v22, v46;
	[tilespmem:v48+s21+$0x0] =	vst.idx.msk $0xffff, v42;
	v42 =	vld [tilespmem:s12+$0xFFFFFFF0]  }
0x1fd: {  	v48 =	vadd.s32 v23, v36;
	v45 =	vld [tilespmem:s12+$0xFFFFFF20];
	[tilespmem:v49+s21+$0x0] =	vst.idx.msk $0xffff, v47  }
0x1fe: {  	v49 =	vadd.s32 v24, v38;
	[tilespmem:v53+s21+$0x0] =	vst.idx.msk $0xffff, v50;
	v47 =	vld [tilespmem:s12+$0xFFFFFF60]  }
0x1ff: {  	v50 =	vadd.s32 v25, v37;
	[tilespmem:v51+s21+$0x0] =	vst.idx.msk $0xffff, v43;
	v43 =	vld [tilespmem:s12+$0xFFFFFFA0]  }
0x200: {  	v53 =	vadd.s32 v26, v34;
	v51 =	vld [tilespmem:s12+$0xFFFFFE20];
	[tilespmem:v52+s21+$0x0] =	vst.idx.msk $0xffff, v41  }
0x201: {  	v52 =	vadd.s32 v27, v39;
	v41 =	vld [tilespmem:s12+$0xFFFFFE70];
	[tilespmem:v44+s21+$0x0] =	vst.idx.msk $0xffff, v42  }
0x202: {  	v44 =	vadd.s32 v30, v46;
	[tilespmem:v48+s21+$0x0] =	vst.idx.msk $0xffff, v45;
	v42 =	vld [tilespmem:s12+$0x0]  }
0x203: {  	v55 =	vadd.s32 v29, v40;
	v45 =	vld [tilespmem:s12+$0xFFFFFEB0];
	[tilespmem:v49+s21+$0x0] =	vst.idx.msk $0xffff, v47  }
0x204: {  	v57 =	vadd.s32 v32, v35;
	v46 =	vmov s16;
	v56 =	vld [tilespmem:s12+$0xFFFFFEF0];
	[tilespmem:v50+s21+$0x0] =	vst.idx.msk $0xffff, v43  }
0x205: {  	s5 =	sadd.s32 $0x1, s16;
	s10 =	sadd.s32 $0x2, s16;
	v59 =	vadd.s32 v28, v36;
	v50 =	vshrl.u32 v46, $0x3;
	[tilespmem:v53+s21+$0x0] =	vst.idx.msk $0xffff, v51;
	v58 =	vld [tilespmem:s12+$0xFFFFFF30]  }
.Ltmp12:
0x206: {  	v60 =	vmov s10;
	s10 =	sadd.s32 $0x4, s16;
	v48 =	vadd.s32 v31, v38;
	v53 =	vmov s5;
	s5 =	sadd.s32 $0x3, s16;
	[tilespmem:v52+s21+$0x0] =	vst.idx.msk $0xffff, v41;
	v46 =	vld [tilespmem:s12+$0xFFFFFF70];
	(pc) =	sbr.rel @p2 .LBB2_19-.Ltmp12, $4  }
0x207: {  	v47 =	vmov s10;
	s10 =	sadd.s32 $0x6, s16;
	v51 =	vadd.s32 v33, v37;
	v61 =	vmov s5;
	s5 =	sadd.s32 $0x5, s16;
	v49 =	vld [tilespmem:s12+$0xFFFFFFB0];
	[tilespmem:v44+s21+$0x0] =	vst.idx.msk $0xffff, v42  }
0x208: {  	v54 =	vadd.s32 v18, v34;
	v41 =	vmov s10;
	v43 =	vmov s5;
	v52 =	vld [tilespmem:s12+$0xFFFFFE30];
	[tilespmem:v55+s21+$0x0] =	vst.idx.msk $0xffff, v45  }
0x209: {  	v50 =	vshll.u32 v50, v1;
	v45 =	vshrl.u32 v53, $0x3;
	v55 =	vadd.s32 v7, v39;
	v53 =	vld [tilespmem:s12+$0xFFFFFE80];
	[tilespmem:v57+s21+$0x0] =	vst.idx.msk $0xffff, v56  }
0x20a: {  	s18 =	sadd.s32 $0x7, s16;
	v40 =	vadd.s32 v8, v40;
	s16 =	sadd.s32 $0x8, s16;
	v44 =	vshrl.u32 v60, $0x3;
	v42 =	vshrl.u32 v61, $0x3;
	v39 =	vld [tilespmem:s12+$0xFFFFFEC0];
	[tilespmem:v59+s21+$0x0] =	vst.idx.msk $0xffff, v58  }
0x20b: {  	_ =	sdelay $0x3  }
0x20c: {  	v57 =	vld [tilespmem:s12+$0xFFFFFF00];
	v35 =	vadd.s32 v9, v35;
	[tilespmem:v48+s21+$0x0] =	vst.idx.msk $0xffff, v46  }
0x20d: {  	v56 =	vmov s18;
	v60 =	vld [tilespmem:s12+$0xFFFFFF40];
	v36 =	vadd.s32 v10, v36;
	v38 =	vadd.s32 v11, v38;
	[tilespmem:v51+s21+$0x0] =	vst.idx.msk $0xffff, v49  }
0x20e: {  	v47 =	vshrl.u32 v47, $0x3;
	v37 =	vadd.s32 v12, v37;
	v50 =	vbroadcast v50, $0x0;
	v61 =	vld [tilespmem:s12+$0xFFFFFF80];
	[tilespmem:v54+s21+$0x0] =	vst.idx.msk $0xffff, v52  }
0x20f: {  	v45 =	vshll.u32 v45, v1;
	s10 =	sadd.s32 $0x200, s12;
	v42 =	vshll.u32 v42, v1;
	v59 =	vshrl.u32 v56, $0x3;
	v51 =	vld [tilespmem:s12+$0xFFFFFFC0];
	[tilespmem:v55+s21+$0x0] =	vst.idx.msk $0xffff, v53  }
0x210: {  	v56 =	vld [tilespmem:s10+$0xFFFFFE10];
	v42 =	vbroadcast v42, $0x0;
	v46 =	vshll.u32 v59, v1;
	v6 =	vadd.s32 v6, v50;
	[tilespmem:v40+s21+$0x0] =	vst.idx.msk $0xffff, v39  }
0x211: {  	v34 =	vadd.s32 v2, v34;
	v58 =	vshll.u32 v47, v1;
	v46 =	vbroadcast v46, $0x0;
	v52 =	vld [tilespmem:s12+$0xFFFFFE40];
	[tilespmem:v35+s21+$0x0] =	vst.idx.msk $0xffff, v57  }
0x212: {  	v47 =	vld [tilespmem:s10+$0xFFFFFED0];
	v54 =	vshll.u32 v44, v1;
	v3 =	vadd.s32 v3, v42;
	v39 =	vbroadcast v45, $0x0;
	[tilespmem:v36+s21+$0x0] =	vst.idx.msk $0xffff, v60  }
0x213: {  	v59 =	vshrl.u32 v43, $0x3;
	v55 =	vld [tilespmem:s10+$0xFFFFFFD0];
	v40 =	vbroadcast v54, $0x0;
	v19 =	vadd.s32 v19, v46;
	[tilespmem:v38+s21+$0x0] =	vst.idx.msk $0xffff, v61  }
0x214: {  	v45 =	vbroadcast v58, $0x0;
	v57 =	vld [tilespmem:s10+$0xFFFFFE50];
	v5 =	vadd.s32 v5, v39;
	v38 =	vshll.u32 v59, v1;
	[tilespmem:v37+s21+$0x0] =	vst.idx.msk $0xffff, v51  }
0x215: {  	v60 =	vld [tilespmem:s10+$0xFFFFFE90];
	v4 =	vadd.s32 v4, v40;
	v61 =	vshrl.u32 v41, $0x3;
	v38 =	vbroadcast v38, $0x0;
	[tilespmem:v6+s21+$0x0] =	vst.idx.msk $0xffff, v56  }
0x216: {  	v49 =	vld [tilespmem:s10+$0xFFFFFF10];
	v14 =	vadd.s32 v14, v45;
	v48 =	vshll.u32 v61, v1;
	[tilespmem:v34+s21+$0x0] =	vst.idx.msk $0xffff, v52  }
0x217: {  	v51 =	vld [tilespmem:s10+$0xFFFFFF50];
	v6 =	vbroadcast v48, $0x0;
	[tilespmem:v3+s21+$0x0] =	vst.idx.msk $0xffff, v47;
	v13 =	vadd.s32 v13, v38  }
0x218: {  	v21 =	vadd.s32 v21, v42;
	v54 =	vld [tilespmem:s10+$0xFFFFFEE0];
	[tilespmem:v19+s21+$0x0] =	vst.idx.msk $0xffff, v55  }
0x219: {  	v52 =	vld [tilespmem:s10+$0xFFFFFF90];
	v17 =	vadd.s32 v17, v6;
	[tilespmem:v5+s21+$0x0] =	vst.idx.msk $0xffff, v57  }
0x21a: {  	v15 =	vadd.s32 v15, v46;
	v61 =	vadd.s32 v25, v6;
	v19 =	vld [tilespmem:s10+$0xFFFFFFE0];
	[tilespmem:v4+s21+$0x0] =	vst.idx.msk $0xffff, v60  }
0x21b: {  	v25 =	vadd.s32 v26, v50;
	[tilespmem:v14+s21+$0x0] =	vst.idx.msk $0xffff, v49;
	v60 =	vadd.s32 v24, v38;
	v24 =	vld [tilespmem:s10+$0xFFFFFE20]  }
0x21c: {  	v16 =	vadd.s32 v16, v39;
	v53 =	vld [tilespmem:s10+$0xFFFFFE60];
	[tilespmem:v13+s21+$0x0] =	vst.idx.msk $0xffff, v51  }
0x21d: {  	v20 =	vadd.s32 v20, v40;
	v3 =	vld [tilespmem:s10+$0xFFFFFEA0];
	[tilespmem:v21+s21+$0x0] =	vst.idx.msk $0xffff, v54  }
0x21e: {  	v58 =	vadd.s32 v23, v45;
	v57 =	vld [tilespmem:s10+$0xFFFFFF20];
	[tilespmem:v17+s21+$0x0] =	vst.idx.msk $0xffff, v52  }
0x21f: {  	v59 =	vld [tilespmem:s10+$0xFFFFFF60];
	[tilespmem:v15+s21+$0x0] =	vst.idx.msk $0xffff, v19  }
0x220: {  	v43 =	vadd.s32 v32, v42;
	v41 =	vld [tilespmem:s10+$0xFFFFFEF0];
	[tilespmem:v25+s21+$0x0] =	vst.idx.msk $0xffff, v24  }
0x221: {  	v56 =	vadd.s32 v22, v46;
	v55 =	vld [tilespmem:s10+$0xFFFFFFF0];
	[tilespmem:v16+s21+$0x0] =	vst.idx.msk $0xffff, v53  }
0x222: {  	[tilespmem:v20+s21+$0x0] =	vst.idx.msk $0xffff, v3;
	v3 =	vld [tilespmem:s10+$0xFFFFFFA0]  }
0x223: {  	v52 =	vadd.s32 v18, v50;
	[tilespmem:v58+s21+$0x0] =	vst.idx.msk $0xffff, v57;
	v51 =	vld [tilespmem:s10+$0xFFFFFE30]  }
0x224: {  	v34 =	vadd.s32 v27, v39;
	v26 =	vld [tilespmem:s10+$0xFFFFFE70];
	[tilespmem:v60+s21+$0x0] =	vst.idx.msk $0xffff, v59  }
0x225: {  	v37 =	vadd.s32 v29, v40;
	v36 =	vld [tilespmem:s10+$0xFFFFFEB0];
	[tilespmem:v43+s21+$0x0] =	vst.idx.msk $0xffff, v41  }
0x226: {  	v35 =	vadd.s32 v30, v46;
	v47 =	vadd.s32 v31, v38;
	v46 =	vld [tilespmem:s10+$0xFFFFFF70];
	[tilespmem:v56+s21+$0x0] =	vst.idx.msk $0xffff, v55  }
0x227: {  	v44 =	vadd.s32 v28, v45;
	[tilespmem:v61+s21+$0x0] =	vst.idx.msk $0xffff, v3;
	v3 =	vld [tilespmem:s10+$0xFFFFFF30]  }
0x228: {  	[tilespmem:v52+s21+$0x0] =	vst.idx.msk $0xffff, v51;
	v5 =	vld [tilespmem:s10+$0x0]  }
0x229: {  	v49 =	vadd.s32 v33, v6;
	[tilespmem:v34+s21+$0x0] =	vst.idx.msk $0xffff, v26;
	v48 =	vld [tilespmem:s10+$0xFFFFFFB0]  }
0x22a: {  	v2 =	vadd.s32 v2, v50;
	[tilespmem:v37+s21+$0x0] =	vst.idx.msk $0xffff, v36;
	v61 =	vld [tilespmem:s10+$0xFFFFFE40]  }
0x22b: {  	v7 =	vadd.s32 v7, v39;
	v53 =	vld [tilespmem:s10+$0xFFFFFE80];
	[tilespmem:v47+s21+$0x0] =	vst.idx.msk $0xffff, v46  }
0x22c: {  	v8 =	vadd.s32 v8, v40;
	v54 =	vld [tilespmem:s10+$0xFFFFFEC0];
	[tilespmem:v44+s21+$0x0] =	vst.idx.msk $0xffff, v3  }
0x22d: {  	v55 =	vadd.s32 v9, v42;
	v3 =	vld [tilespmem:s10+$0xFFFFFF00];
	[tilespmem:v35+s21+$0x0] =	vst.idx.msk $0xffff, v5  }
0x22e: {  	v59 =	vadd.s32 v11, v38;
	v58 =	vld [tilespmem:s10+$0xFFFFFF80];
	[tilespmem:v49+s21+$0x0] =	vst.idx.msk $0xffff, v48  }
0x22f: {  	v57 =	vadd.s32 v10, v45;
	v56 =	vld [tilespmem:s10+$0xFFFFFF40];
	[tilespmem:v2+s21+$0x0] =	vst.idx.msk $0xffff, v61  }
0x230: {  	v6 =	vadd.s32 v12, v6;
	[tilespmem:v7+s21+$0x0] =	vst.idx.msk $0xffff, v53;
	v60 =	vld [tilespmem:s10+$0xFFFFFFC0]  }
0x231: {  	[tilespmem:v8+s21+$0x0] =	vst.idx.msk $0xffff, v54  }
0x232: {  	[tilespmem:v55+s21+$0x0] =	vst.idx.msk $0xffff, v3  }
0x233: {  	[tilespmem:v59+s21+$0x0] =	vst.idx.msk $0xffff, v58  }
0x234: {  	[tilespmem:v57+s21+$0x0] =	vst.idx.msk $0xffff, v56  }
0x235: {  	s13 =	sadd.s32 s0, s8;
	s5 =	simm.s32 $0x12C00;
	[tilespmem:v6+s21+$0x0] =	vst.idx.msk $0xffff, v60  }
0x236: {  	[hbm4b:s13+s3] =	stream.linear.scatter [tilespmem:s5], [sflag:$0x7], $0x80, $0x38;
	[tilespmem:$0x17400] =	vst v63  }
0x237: {  	s12 =	simm.s32 $0x12C90;
	s10 =	sadd.s32 $0x10, s13  }
0x238: {  	[hbm4b:s10+s3] =	stream.linear.scatter [tilespmem:s12], [sflag:$0x7], $0x80, $0x38;
	[tilespmem:$0x17400] =	vst v63  }
0x239: {  	s16 =	simm.s32 $0x12D20;
	s18 =	sadd.s32 $0x20, s13  }
0x23a: {  	[hbm4b:s18+s3] =	stream.linear.scatter [tilespmem:s16], [sflag:$0x7], $0x80, $0x38;
	[tilespmem:$0x17400] =	vst v63  }
0x23b: {  	s10 =	simm.s32 $0x12DB0;
	s12 =	sadd.s32 $0x30, s13  }
0x23c: {  	[hbm4b:s12+s3] =	stream.linear.scatter [tilespmem:s10], [sflag:$0x7], $0x80, $0x38;
	[tilespmem:$0x17400] =	vst v63  }
0x23d: {  	s16 =	simm.s32 $0x12E40;
	s18 =	sadd.s32 $0x40, s13  }
0x23e: {  	[hbm4b:s18+s3] =	stream.linear.scatter [tilespmem:s16], [sflag:$0x7], $0x80, $0x38;
	[tilespmem:$0x17400] =	vst v63  }
0x23f: {  	s5 =	simm.s32 $0x12FF0;
	s10 =	simm.s32 $0x12ED0;
	s12 =	sadd.s32 $0x50, s13  }
0x240: {  	[hbm4b:s12+s3] =	stream.linear.scatter [tilespmem:s10], [sflag:$0x7], $0x80, $0x38;
	[tilespmem:$0x17400] =	vst v63  }
0x241: {  	s16 =	simm.s32 $0x12F60;
	s18 =	sadd.s32 $0x60, s13;
	s12 =	simm.s32 $0x480  }
0x242: {  	[hbm4b:s18+s3] =	stream.linear.scatter [tilespmem:s16], [sflag:$0x7], $0x80, $0x38;
	[tilespmem:$0x17400] =	vst v63  }
0x243: {  	s10 =	sadd.s32 $0x70, s13;
	s18 =	simm.s32 $0x2400;
	s16 =	sadd.s32 $0x1000, s13  }
.LBB2_21:
0x244: {  	[hbm4b:s10+s3] =	stream.linear.scatter [tilespmem:s5], [sflag:$0x7], $0x80, $0x38;
	[tilespmem:$0x17400] =	vst v63  }
0x245: {  	s5 =	smov.u32 s12;
	s10 =	smov.u32 s18  }
0x246: {  	s13 =	sadd.s32 $0x1200, s18;
	s12 =	sshra.s32 s10, $0x2;
	s10 =	sadd.s32 $0x12C00, s5  }
0x247: {  	[hbm4b:s16+s3] =	stream.linear.scatter [tilespmem:s10], [sflag:$0x7], $0x80, $0x38;
	[tilespmem:$0x17400] =	vst v63  }
0x248: {  	p2 =	sne.s32 s18, $0x7E00;
	s18 =	sadd.s32 $0x10, s16;
	s10 =	sadd.s32 $0x12C90, s5  }
0x249: {  	[hbm4b:s18+s3] =	stream.linear.scatter [tilespmem:s10], [sflag:$0x7], $0x80, $0x38;
	[tilespmem:$0x17400] =	vst v63  }
0x24a: {  	s10 =	sadd.s32 $0x12D20, s5;
	s18 =	sadd.s32 $0x20, s16  }
0x24b: {  	[hbm4b:s18+s3] =	stream.linear.scatter [tilespmem:s10], [sflag:$0x7], $0x80, $0x38;
	[tilespmem:$0x17400] =	vst v63  }
0x24c: {  	s10 =	sadd.s32 $0x12DB0, s5;
	s18 =	sadd.s32 $0x30, s16  }
0x24d: {  	[hbm4b:s18+s3] =	stream.linear.scatter [tilespmem:s10], [sflag:$0x7], $0x80, $0x38;
	[tilespmem:$0x17400] =	vst v63  }
0x24e: {  	s10 =	sadd.s32 $0x12E40, s5;
	s18 =	sadd.s32 $0x40, s16  }
0x24f: {  	[hbm4b:s18+s3] =	stream.linear.scatter [tilespmem:s10], [sflag:$0x7], $0x80, $0x38;
	[tilespmem:$0x17400] =	vst v63  }
.Ltmp13:
0x250: {  	s10 =	sadd.s32 $0x12ED0, s5;
	s18 =	sadd.s32 $0x50, s16;
	(pc) =	sbr.rel @p2 .LBB2_21-.Ltmp13, $4  }
0x251: {  	[hbm4b:s18+s3] =	stream.linear.scatter [tilespmem:s10], [sflag:$0x7], $0x80, $0x38;
	[tilespmem:$0x17400] =	vst v63  }
0x252: {  	s10 =	sadd.s32 $0x12F60, s5;
	s18 =	sadd.s32 $0x60, s16;
	s5 =	sadd.s32 $0x12FF0, s5  }
0x253: {  	[hbm4b:s18+s3] =	stream.linear.scatter [tilespmem:s10], [sflag:$0x7], $0x80, $0x38;
	[tilespmem:$0x17400] =	vst v63  }
0x254: {  	s10 =	sadd.s32 $0x70, s16;
	s16 =	sadd.s32 $0x1000, s16;
	s18 =	smov.u32 s13  }
0x255: {  	[hbm4b:s10+s3] =	stream.linear.scatter [tilespmem:s5], [sflag:$0x7], $0x80, $0x38;
	[tilespmem:$0x17400] =	vst v63  }
0x256: {  	s10 =	sadd.s32 $0x12C00, s12  }
0x257: {  	[hbm4b:s16+s3] =	stream.linear.scatter [tilespmem:s10], [sflag:$0x7], $0x80, $0x38;
	[tilespmem:$0x17400] =	vst v63  }
0x258: {  	s13 =	sadd.s32 $0x12C90, s12;
	s18 =	sadd.s32 $0x10, s16  }
0x259: {  	[hbm4b:s18+s3] =	stream.linear.scatter [tilespmem:s13], [sflag:$0x7], $0x80, $0x38;
	[tilespmem:$0x17400] =	vst v63  }
0x25a: {  	s13 =	sadd.s32 $0x12D20, s12;
	s18 =	sadd.s32 $0x20, s16  }
0x25b: {  	[hbm4b:s18+s3] =	stream.linear.scatter [tilespmem:s13], [sflag:$0x7], $0x80, $0x38;
	[tilespmem:$0x17400] =	vst v63  }
0x25c: {  	s13 =	sadd.s32 $0x12DB0, s12;
	s18 =	sadd.s32 $0x30, s16  }
0x25d: {  	[hbm4b:s18+s3] =	stream.linear.scatter [tilespmem:s13], [sflag:$0x7], $0x80, $0x38;
	[tilespmem:$0x17400] =	vst v63  }
0x25e: {  	s13 =	sadd.s32 $0x12E40, s12;
	s18 =	sadd.s32 $0x40, s16  }
0x25f: {  	[hbm4b:s18+s3] =	stream.linear.scatter [tilespmem:s13], [sflag:$0x7], $0x80, $0x38;
	[tilespmem:$0x17400] =	vst v63  }
0x260: {  	s13 =	sadd.s32 $0x12ED0, s12;
	s18 =	sadd.s32 $0x50, s16  }
0x261: {  	[hbm4b:s18+s3] =	stream.linear.scatter [tilespmem:s13], [sflag:$0x7], $0x80, $0x38;
	[tilespmem:$0x17400] =	vst v63  }
.Ltmp14:
0x262: {  	_ = 	snop;
	(pc) =	sbr.rel @p1 .LBB2_24-.Ltmp14, $4  }
0x263: {  	s13 =	sadd.s32 $0x12F60, s12;
	s18 =	sadd.s32 $0x60, s16  }
0x264: {  	[hbm4b:s18+s3] =	stream.linear.scatter [tilespmem:s13], [sflag:$0x7], $0x80, $0x38;
	[tilespmem:$0x17400] =	vst v63  }
0x265: {  	s13 =	sadd.s32 $0x12FF0, s12;
	s18 =	sadd.s32 $0x70, s16  }
0x266: {  	[hbm4b:s18+s3] =	stream.linear.scatter [tilespmem:s13], [sflag:$0x7], $0x80, $0x38;
	[tilespmem:$0x17400] =	vst v63  }
.Ltmp15:
0x267: {  	(pc) =	sbr.rel .LBB2_25-.Ltmp15, $4  }
0x268: {  	_ = 	snop  }
0x269: {  	_ =	swait.ge [sflag:s26], $0x2000  }
0x26a: {  	[sflag:s26] =	ssyncset.done $0x0  }
0x26b: {  	[sflag:s26] =	ssyncadd.s32 $0xFFFFE000  }
.LBB2_24:
0x26c: {  	s5 =	sshrl.u32 s1, $0x2  }
.Ltmp16:
0x26d: {  	s5 =	sadd.s32 $0x300, s5;
	(pc) =	sbr.rel @p0 .LBB2_26-.Ltmp16, $4  }
0x26e: {  	[tilespmem:s17], [sflag:$0x3] =	stream.indirect.gather [hbm4b:s4+s11], $0x40, s5, s11, $0xb8;
	[tilespmem:$0x17400] =	vst v63  }
0x26f: {  	_ =	swait.ge [sflag:s26], $0x2000  }
0x270: {  	[sflag:s26] =	ssyncset.done $0x0  }
0x271: {  	[sflag:s26] =	ssyncadd.s32 $0xFFFFE000  }
.LBB2_25:
0x272: {  	_ =	swait.ge [sflag:s28], $0x2000  }
0x273: {  	[sflag:s28] =	ssyncset.done $0x0  }
0x274: {  	[sflag:s28] =	ssyncadd.s32 $0xFFFFE000  }
.LBB2_26:
0x275: {  	v6 =	vadd.s32 $0x6C00, v0;
	v5 =	vadd.s32 $0x6C01, v0  }
0x276: {  	s5 =	simm.s32 $0x0;
	v4 =	vadd.s32 $0x6C02, v0;
	s13 =	simm.s32 $0x1;
	v3 =	vadd.s32 $0x6C03, v0;
	v19 =	vadd.s32 $0x6C07, v0  }
0x277: {  	s10 =	simm.s32 $0x2;
	s16 =	simm.s32 $0x3;
	s12 =	simm.s32 $0x5;
	v14 =	vadd.s32 $0x6C04, v0;
	v2 =	vmov s5;
	v7 =	vmov s13  }
0x278: {  	s18 =	simm.s32 $0x4;
	v8 =	vmov s10;
	v9 =	vmov s16;
	v11 =	vmov s12;
	s12 =	simm.s32 $0x7  }
0x279: {  	v10 =	vmov s18;
	s10 =	simm.s32 $0x6;
	v2 =	vshrl.u32 v2, $0x3;
	v13 =	vmov s12  }
0x27a: {  	v12 =	vmov s10;
	v2 =	vshll.u32 v2, v1;
	v13 =	vshrl.u32 v13, $0x3  }
0x27b: {  	v7 =	vshrl.u32 v7, $0x3;
	v13 =	vshll.u32 v13, v1;
	v34 =	vbroadcast v2, $0x0  }
0x27c: {  	v8 =	vshrl.u32 v8, $0x3;
	s12 =	simm.s32 $0xC5F0;
	v2 =	vshll.u32 v7, v1;
	v28 =	vbroadcast v13, $0x0  }
0x27d: {  	v9 =	vshrl.u32 v9, $0x3;
	v39 =	vbroadcast v2, $0x0;
	v13 =	vld [tilespmem:s12+$0xFFFFFE10];
	v16 =	vadd.s32 v6, v34  }
0x27e: {  	v10 =	vshrl.u32 v10, $0x3;
	v7 =	vld [tilespmem:s12+$0xFFFFFFD0];
	v2 =	vshll.u32 v8, v1;
	v8 =	vadd.s32 v19, v28  }
0x27f: {  	v40 =	vbroadcast v2, $0x0;
	v2 =	vshll.u32 v9, v1;
	v9 =	vld [tilespmem:s12+$0xFFFFFE50];
	v17 =	vadd.s32 v5, v39  }
0x280: {  	v11 =	vshrl.u32 v11, $0x3;
	v35 =	vbroadcast v2, $0x0;
	v2 =	vshll.u32 v10, v1  }
0x281: {  	v10 =	vld [tilespmem:s12+$0xFFFFFE90];
	v18 =	vadd.s32 v4, v40;
	v36 =	vbroadcast v2, $0x0;
	v2 =	vshll.u32 v11, v1  }
0x282: {  	v12 =	vshrl.u32 v12, $0x3;
	v11 =	vld [tilespmem:s12+$0xFFFFFED0];
	v21 =	vadd.s32 v3, v35;
	v38 =	vbroadcast v2, $0x0;
	[tilespmem:v16+s21+$0x0] =	vst.idx.msk $0xffff, v13  }
0x283: {  	v22 =	vld [tilespmem:s12+$0xFFFFFF10];
	v12 =	vshll.u32 v12, v1;
	v23 =	vadd.s32 v14, v36;
	v13 =	vadd.s32 $0x6C05, v0;
	[tilespmem:v8+s21+$0x0] =	vst.idx.msk $0xffff, v7  }
0x284: {  	v15 =	vadd.s32 $0x7507, v0;
	v37 =	vbroadcast v12, $0x0;
	[tilespmem:v17+s21+$0x0] =	vst.idx.msk $0xffff, v9;
	v9 =	vld [tilespmem:s12+$0xFFFFFF50];
	v12 =	vadd.s32 v13, v38  }
0x285: {  	v8 =	vadd.s32 v15, v28;
	v17 =	vadd.s32 $0x6C06, v0;
	v7 =	vld [tilespmem:s12+$0xFFFFFFE0]  }
0x286: {  	v16 =	vadd.s32 $0x7501, v0;
	[tilespmem:v18+s21+$0x0] =	vst.idx.msk $0xffff, v10;
	v10 =	vld [tilespmem:s12+$0xFFFFFF90];
	v18 =	vadd.s32 v17, v37  }
0x287: {  	v20 =	vadd.s32 $0x7502, v0;
	v26 =	vadd.s32 v16, v39;
	v25 =	vld [tilespmem:s12+$0xFFFFFE60];
	[tilespmem:v21+s21+$0x0] =	vst.idx.msk $0xffff, v11  }
0x288: {  	v27 =	vadd.s32 v20, v40;
	v11 =	vld [tilespmem:s12+$0xFFFFFEA0];
	v21 =	vadd.s32 $0x7503, v0;
	[tilespmem:v23+s21+$0x0] =	vst.idx.msk $0xffff, v22  }
0x289: {  	v24 =	vadd.s32 $0x7505, v0;
	s13 =	simm.s32 $0x8;
	s18 =	simm.s32 $0xA;
	v29 =	vld [tilespmem:s12+$0xFFFFFEE0];
	v30 =	vadd.s32 v21, v35;
	v23 =	vadd.s32 $0x7504, v0;
	[tilespmem:v12+s21+$0x0] =	vst.idx.msk $0xffff, v9  }
0x28a: {  	v61 =	vmov s13;
	v60 =	vmov s18;
	v33 =	vld [tilespmem:s12+$0xFFFFFF20];
	v41 =	vadd.s32 v23, v36;
	[tilespmem:v8+s21+$0x0] =	vst.idx.msk $0xffff, v7  }
0x28b: {  	v2 =	vadd.s32 $0x8700, v0;
	v43 =	vadd.s32 v24, v38;
	v22 =	vadd.s32 $0x7E07, v0;
	[tilespmem:v18+s21+$0x0] =	vst.idx.msk $0xffff, v10;
	v42 =	vld [tilespmem:s12+$0xFFFFFF60]  }
0x28c: {  	v32 =	vadd.s32 v22, v28;
	v9 =	vadd.s32 $0x8703, v0;
	[tilespmem:v26+s21+$0x0] =	vst.idx.msk $0xffff, v25;
	v25 =	vadd.s32 $0x7506, v0;
	v31 =	vld [tilespmem:s12+$0xFFFFFFF0]  }
0x28d: {  	v12 =	vadd.s32 $0x8706, v0;
	v26 =	vadd.s32 $0x7500, v0;
	[tilespmem:v27+s21+$0x0] =	vst.idx.msk $0xffff, v11;
	v44 =	vld [tilespmem:s12+$0xFFFFFFA0];
	v45 =	vadd.s32 v25, v37  }
0x28e: {  	v46 =	vld [tilespmem:s12+$0xFFFFFE20];
	v7 =	vadd.s32 $0x8701, v0;
	v27 =	vadd.s32 $0x7E01, v0;
	v47 =	vadd.s32 v26, v34;
	[tilespmem:v30+s21+$0x0] =	vst.idx.msk $0xffff, v29  }
0x28f: {  	v48 =	vld [tilespmem:s12+$0xFFFFFE70];
	v49 =	vadd.s32 v27, v39;
	v30 =	vadd.s32 $0x8707, v0;
	v29 =	vadd.s32 $0x7E02, v0;
	[tilespmem:v41+s21+$0x0] =	vst.idx.msk $0xffff, v33  }
0x290: {  	v53 =	vld [tilespmem:s12+$0xFFFFFEB0];
	v50 =	vadd.s32 v30, v28;
	v28 =	vadd.s32 $0x7E04, v0;
	v55 =	vadd.s32 v29, v40;
	[tilespmem:v43+s21+$0x0] =	vst.idx.msk $0xffff, v42  }
0x291: {  	v8 =	vadd.s32 $0x8702, v0;
	v18 =	vadd.s32 $0x7E00, v0;
	v58 =	vld [tilespmem:s12+$0xFFFFFF30];
	v59 =	vadd.s32 v28, v36;
	[tilespmem:v32+s21+$0x0] =	vst.idx.msk $0xffff, v31  }
0x292: {  	v10 =	vadd.s32 $0x8704, v0;
	v54 =	vadd.s32 v18, v34;
	v32 =	vadd.s32 $0x7E03, v0;
	[tilespmem:v45+s21+$0x0] =	vst.idx.msk $0xffff, v44;
	v41 =	vld [tilespmem:s12+$0x0]  }
0x293: {  	v56 =	vld [tilespmem:s12+$0xFFFFFEF0];
	v33 =	vadd.s32 $0x7E06, v0;
	v31 =	vadd.s32 $0x7E05, v0;
	[tilespmem:v47+s21+$0x0] =	vst.idx.msk $0xffff, v46;
	v57 =	vadd.s32 v32, v35  }
0x294: {  	s16 =	simm.s32 $0x9;
	s10 =	simm.s32 $0xB;
	v11 =	vadd.s32 $0x8705, v0;
	v51 =	vadd.s32 v33, v37;
	v46 =	vld [tilespmem:s12+$0xFFFFFF70];
	[tilespmem:v49+s21+$0x0] =	vst.idx.msk $0xffff, v48;
	v48 =	vadd.s32 v31, v38  }
0x295: {  	s13 =	simm.s32 $0xC;
	v42 =	vshrl.u32 v61, $0x3;
	v61 =	vmov s10;
	v44 =	vmov s16;
	s16 =	simm.s32 $0xD;
	v49 =	vld [tilespmem:s12+$0xFFFFFFB0];
	[tilespmem:v55+s21+$0x0] =	vst.idx.msk $0xffff, v53  }
0x296: {  	v40 =	vadd.s32 v8, v40;
	v47 =	vmov s13;
	v43 =	vmov s16;
	v52 =	vld [tilespmem:s12+$0xFFFFFE30];
	[tilespmem:v59+s21+$0x0] =	vst.idx.msk $0xffff, v58  }
0x297: {  	s18 =	simm.s32 $0xE;
	v45 =	vshrl.u32 v44, $0x3;
	v44 =	vshrl.u32 v60, $0x3;
	v53 =	vld [tilespmem:s12+$0xFFFFFE80];
	v55 =	vadd.s32 v7, v39;
	[tilespmem:v50+s21+$0x0] =	vst.idx.msk $0xffff, v41  }
0x298: {  	s16 =	simm.s32 $0x10;
	v39 =	vld [tilespmem:s12+$0xFFFFFEC0];
	v41 =	vmov s18;
	v50 =	vshll.u32 v42, v1;
	[tilespmem:v57+s21+$0x0] =	vst.idx.msk $0xffff, v56;
	v42 =	vshrl.u32 v61, $0x3;
	s18 =	simm.s32 $0xF  }
.LBB2_27:
0x299: {  	p0 =	slt.u32 s16, $0x78;
	v47 =	vshrl.u32 v47, $0x3;
	v56 =	vmov s18;
	v57 =	vld [tilespmem:s12+$0xFFFFFF00];
	v35 =	vadd.s32 v9, v35;
	[tilespmem:v48+s21+$0x0] =	vst.idx.msk $0xffff, v46  }
0x29a: {  	v43 =	vshrl.u32 v43, $0x3;
	v36 =	vadd.s32 v10, v36;
	v46 =	vshrl.u32 v56, $0x3;
	v48 =	vld [tilespmem:s12+$0xFFFFFF40];
	[tilespmem:v51+s21+$0x0] =	vst.idx.msk $0xffff, v49  }
0x29b: {  	v41 =	vshrl.u32 v41, $0x3;
	v38 =	vadd.s32 v11, v38;
	v46 =	vshll.u32 v46, v1;
	[tilespmem:v54+s21+$0x0] =	vst.idx.msk $0xffff, v52;
	v49 =	vld [tilespmem:s12+$0xFFFFFF80]  }
0x29c: {  	v50 =	vbroadcast v50, $0x0;
	v37 =	vadd.s32 v12, v37;
	v46 =	vbroadcast v46, $0x0;
	[tilespmem:v55+s21+$0x0] =	vst.idx.msk $0xffff, v53;
	v51 =	vld [tilespmem:s12+$0xFFFFFFC0]  }
0x29d: {  	v45 =	vshll.u32 v45, v1;
	v34 =	vadd.s32 v2, v34;
	v52 =	vld [tilespmem:s12+$0xFFFFFE40];
	[tilespmem:v40+s21+$0x0] =	vst.idx.msk $0xffff, v39;
	s12 =	sadd.s32 $0x200, s12  }
0x29e: {  	v39 =	vbroadcast v45, $0x0;
	v40 =	vshll.u32 v44, v1;
	v44 =	vld [tilespmem:s12+$0xFFFFFFD0];
	v45 =	vadd.s32 v19, v46;
	[tilespmem:v35+s21+$0x0] =	vst.idx.msk $0xffff, v57  }
0x29f: {  	v54 =	vadd.s32 v6, v50;
	v40 =	vbroadcast v40, $0x0;
	v35 =	vshll.u32 v42, v1;
	v53 =	vld [tilespmem:s12+$0xFFFFFE10];
	[tilespmem:v36+s21+$0x0] =	vst.idx.msk $0xffff, v48  }
0x2a0: {  	v48 =	vadd.s32 v5, v39;
	v35 =	vbroadcast v35, $0x0;
	v36 =	vshll.u32 v47, v1;
	v42 =	vld [tilespmem:s12+$0xFFFFFE50];
	[tilespmem:v38+s21+$0x0] =	vst.idx.msk $0xffff, v49  }
0x2a1: {  	v49 =	vadd.s32 v4, v40;
	v36 =	vbroadcast v36, $0x0;
	v38 =	vshll.u32 v43, v1;
	v47 =	vld [tilespmem:s12+$0xFFFFFE90];
	[tilespmem:v37+s21+$0x0] =	vst.idx.msk $0xffff, v51  }
0x2a2: {  	v51 =	vadd.s32 v3, v35;
	v37 =	vshll.u32 v41, v1;
	v43 =	vld [tilespmem:s12+$0xFFFFFED0];
	[tilespmem:v34+s21+$0x0] =	vst.idx.msk $0xffff, v52  }
0x2a3: {  	v38 =	vbroadcast v38, $0x0;
	v52 =	vadd.s32 v14, v36;
	v34 =	vmov v50;
	v41 =	vld [tilespmem:s12+$0xFFFFFF10];
	[tilespmem:v45+s21+$0x0] =	vst.idx.msk $0xffff, v44  }
0x2a4: {  	v37 =	vbroadcast v37, $0x0;
	v45 =	vadd.s32 v15, v46;
	[tilespmem:v54+s21+$0x0] =	vst.idx.msk $0xffff, v53;
	v44 =	vld [tilespmem:s12+$0xFFFFFFE0]  }
0x2a5: {  	[tilespmem:v48+s21+$0x0] =	vst.idx.msk $0xffff, v42;
	v42 =	vld [tilespmem:s12+$0xFFFFFF50];
	v48 =	vadd.s32 v13, v38  }
0x2a6: {  	[tilespmem:v49+s21+$0x0] =	vst.idx.msk $0xffff, v47;
	v47 =	vld [tilespmem:s12+$0xFFFFFF90];
	v49 =	vadd.s32 v17, v37  }
0x2a7: {  	v53 =	vadd.s32 v16, v39;
	v50 =	vld [tilespmem:s12+$0xFFFFFE60];
	[tilespmem:v51+s21+$0x0] =	vst.idx.msk $0xffff, v43  }
0x2a8: {  	v51 =	vadd.s32 v20, v40;
	v43 =	vld [tilespmem:s12+$0xFFFFFEA0];
	[tilespmem:v52+s21+$0x0] =	vst.idx.msk $0xffff, v41  }
0x2a9: {  	v52 =	vadd.s32 v21, v35;
	v41 =	vld [tilespmem:s12+$0xFFFFFEE0];
	[tilespmem:v45+s21+$0x0] =	vst.idx.msk $0xffff, v44  }
0x2aa: {  	v44 =	vadd.s32 v22, v46;
	[tilespmem:v48+s21+$0x0] =	vst.idx.msk $0xffff, v42;
	v42 =	vld [tilespmem:s12+$0xFFFFFFF0]  }
0x2ab: {  	v48 =	vadd.s32 v23, v36;
	v45 =	vld [tilespmem:s12+$0xFFFFFF20];
	[tilespmem:v49+s21+$0x0] =	vst.idx.msk $0xffff, v47  }
0x2ac: {  	v49 =	vadd.s32 v24, v38;
	[tilespmem:v53+s21+$0x0] =	vst.idx.msk $0xffff, v50;
	v47 =	vld [tilespmem:s12+$0xFFFFFF60]  }
0x2ad: {  	v50 =	vadd.s32 v25, v37;
	[tilespmem:v51+s21+$0x0] =	vst.idx.msk $0xffff, v43;
	v43 =	vld [tilespmem:s12+$0xFFFFFFA0]  }
0x2ae: {  	v53 =	vadd.s32 v26, v34;
	v51 =	vld [tilespmem:s12+$0xFFFFFE20];
	[tilespmem:v52+s21+$0x0] =	vst.idx.msk $0xffff, v41  }
0x2af: {  	v52 =	vadd.s32 v27, v39;
	v41 =	vld [tilespmem:s12+$0xFFFFFE70];
	[tilespmem:v44+s21+$0x0] =	vst.idx.msk $0xffff, v42  }
0x2b0: {  	v44 =	vadd.s32 v30, v46;
	[tilespmem:v48+s21+$0x0] =	vst.idx.msk $0xffff, v45;
	v42 =	vld [tilespmem:s12+$0x0]  }
0x2b1: {  	v55 =	vadd.s32 v29, v40;
	v45 =	vld [tilespmem:s12+$0xFFFFFEB0];
	[tilespmem:v49+s21+$0x0] =	vst.idx.msk $0xffff, v47  }
0x2b2: {  	v57 =	vadd.s32 v32, v35;
	v46 =	vmov s16;
	v56 =	vld [tilespmem:s12+$0xFFFFFEF0];
	[tilespmem:v50+s21+$0x0] =	vst.idx.msk $0xffff, v43  }
0x2b3: {  	s5 =	sadd.s32 $0x1, s16;
	s10 =	sadd.s32 $0x2, s16;
	v59 =	vadd.s32 v28, v36;
	v50 =	vshrl.u32 v46, $0x3;
	[tilespmem:v53+s21+$0x0] =	vst.idx.msk $0xffff, v51;
	v58 =	vld [tilespmem:s12+$0xFFFFFF30]  }
.Ltmp17:
0x2b4: {  	v60 =	vmov s10;
	s10 =	sadd.s32 $0x4, s16;
	v48 =	vadd.s32 v31, v38;
	v53 =	vmov s5;
	s5 =	sadd.s32 $0x3, s16;
	[tilespmem:v52+s21+$0x0] =	vst.idx.msk $0xffff, v41;
	v46 =	vld [tilespmem:s12+$0xFFFFFF70];
	(pc) =	sbr.rel @p0 .LBB2_27-.Ltmp17, $4  }
0x2b5: {  	v47 =	vmov s10;
	s10 =	sadd.s32 $0x6, s16;
	v51 =	vadd.s32 v33, v37;
	v61 =	vmov s5;
	s5 =	sadd.s32 $0x5, s16;
	v49 =	vld [tilespmem:s12+$0xFFFFFFB0];
	[tilespmem:v44+s21+$0x0] =	vst.idx.msk $0xffff, v42  }
0x2b6: {  	v54 =	vadd.s32 v18, v34;
	v41 =	vmov s10;
	v43 =	vmov s5;
	v52 =	vld [tilespmem:s12+$0xFFFFFE30];
	[tilespmem:v55+s21+$0x0] =	vst.idx.msk $0xffff, v45  }
0x2b7: {  	v50 =	vshll.u32 v50, v1;
	v45 =	vshrl.u32 v53, $0x3;
	v55 =	vadd.s32 v7, v39;
	v53 =	vld [tilespmem:s12+$0xFFFFFE80];
	[tilespmem:v57+s21+$0x0] =	vst.idx.msk $0xffff, v56  }
0x2b8: {  	s18 =	sadd.s32 $0x7, s16;
	v40 =	vadd.s32 v8, v40;
	s16 =	sadd.s32 $0x8, s16;
	v44 =	vshrl.u32 v60, $0x3;
	v42 =	vshrl.u32 v61, $0x3;
	v39 =	vld [tilespmem:s12+$0xFFFFFEC0];
	[tilespmem:v59+s21+$0x0] =	vst.idx.msk $0xffff, v58  }
0x2b9: {  	_ =	sdelay $0x3  }
0x2ba: {  	v57 =	vld [tilespmem:s12+$0xFFFFFF00];
	v35 =	vadd.s32 v9, v35;
	[tilespmem:v48+s21+$0x0] =	vst.idx.msk $0xffff, v46  }
0x2bb: {  	v56 =	vmov s18;
	v60 =	vld [tilespmem:s12+$0xFFFFFF40];
	v36 =	vadd.s32 v10, v36;
	v38 =	vadd.s32 v11, v38;
	[tilespmem:v51+s21+$0x0] =	vst.idx.msk $0xffff, v49  }
0x2bc: {  	v47 =	vshrl.u32 v47, $0x3;
	v37 =	vadd.s32 v12, v37;
	v50 =	vbroadcast v50, $0x0;
	v61 =	vld [tilespmem:s12+$0xFFFFFF80];
	[tilespmem:v54+s21+$0x0] =	vst.idx.msk $0xffff, v52  }
0x2bd: {  	v45 =	vshll.u32 v45, v1;
	s5 =	sadd.s32 $0x200, s12;
	v42 =	vshll.u32 v42, v1;
	v59 =	vshrl.u32 v56, $0x3;
	v51 =	vld [tilespmem:s12+$0xFFFFFFC0];
	[tilespmem:v55+s21+$0x0] =	vst.idx.msk $0xffff, v53  }
0x2be: {  	v56 =	vld [tilespmem:s5+$0xFFFFFE10];
	v42 =	vbroadcast v42, $0x0;
	v46 =	vshll.u32 v59, v1;
	v6 =	vadd.s32 v6, v50;
	[tilespmem:v40+s21+$0x0] =	vst.idx.msk $0xffff, v39  }
0x2bf: {  	v34 =	vadd.s32 v2, v34;
	v58 =	vshll.u32 v47, v1;
	v46 =	vbroadcast v46, $0x0;
	v52 =	vld [tilespmem:s12+$0xFFFFFE40];
	[tilespmem:v35+s21+$0x0] =	vst.idx.msk $0xffff, v57  }
0x2c0: {  	v47 =	vld [tilespmem:s5+$0xFFFFFED0];
	v54 =	vshll.u32 v44, v1;
	v3 =	vadd.s32 v3, v42;
	v39 =	vbroadcast v45, $0x0;
	[tilespmem:v36+s21+$0x0] =	vst.idx.msk $0xffff, v60  }
0x2c1: {  	v59 =	vshrl.u32 v43, $0x3;
	v55 =	vld [tilespmem:s5+$0xFFFFFFD0];
	v40 =	vbroadcast v54, $0x0;
	v19 =	vadd.s32 v19, v46;
	[tilespmem:v38+s21+$0x0] =	vst.idx.msk $0xffff, v61  }
0x2c2: {  	v45 =	vbroadcast v58, $0x0;
	v57 =	vld [tilespmem:s5+$0xFFFFFE50];
	v5 =	vadd.s32 v5, v39;
	v38 =	vshll.u32 v59, v1;
	[tilespmem:v37+s21+$0x0] =	vst.idx.msk $0xffff, v51  }
0x2c3: {  	v60 =	vld [tilespmem:s5+$0xFFFFFE90];
	v4 =	vadd.s32 v4, v40;
	v61 =	vshrl.u32 v41, $0x3;
	v38 =	vbroadcast v38, $0x0;
	[tilespmem:v6+s21+$0x0] =	vst.idx.msk $0xffff, v56  }
0x2c4: {  	v49 =	vld [tilespmem:s5+$0xFFFFFF10];
	v14 =	vadd.s32 v14, v45;
	v48 =	vshll.u32 v61, v1;
	[tilespmem:v34+s21+$0x0] =	vst.idx.msk $0xffff, v52  }
0x2c5: {  	v51 =	vld [tilespmem:s5+$0xFFFFFF50];
	v6 =	vbroadcast v48, $0x0;
	[tilespmem:v3+s21+$0x0] =	vst.idx.msk $0xffff, v47;
	v13 =	vadd.s32 v13, v38  }
0x2c6: {  	v21 =	vadd.s32 v21, v42;
	v54 =	vld [tilespmem:s5+$0xFFFFFEE0];
	[tilespmem:v19+s21+$0x0] =	vst.idx.msk $0xffff, v55  }
0x2c7: {  	v52 =	vld [tilespmem:s5+$0xFFFFFF90];
	v17 =	vadd.s32 v17, v6;
	[tilespmem:v5+s21+$0x0] =	vst.idx.msk $0xffff, v57  }
0x2c8: {  	v15 =	vadd.s32 v15, v46;
	v61 =	vadd.s32 v25, v6;
	v19 =	vld [tilespmem:s5+$0xFFFFFFE0];
	[tilespmem:v4+s21+$0x0] =	vst.idx.msk $0xffff, v60  }
0x2c9: {  	v25 =	vadd.s32 v26, v50;
	[tilespmem:v14+s21+$0x0] =	vst.idx.msk $0xffff, v49;
	v60 =	vadd.s32 v24, v38;
	v24 =	vld [tilespmem:s5+$0xFFFFFE20]  }
0x2ca: {  	v16 =	vadd.s32 v16, v39;
	v53 =	vld [tilespmem:s5+$0xFFFFFE60];
	[tilespmem:v13+s21+$0x0] =	vst.idx.msk $0xffff, v51  }
0x2cb: {  	v20 =	vadd.s32 v20, v40;
	v3 =	vld [tilespmem:s5+$0xFFFFFEA0];
	[tilespmem:v21+s21+$0x0] =	vst.idx.msk $0xffff, v54  }
0x2cc: {  	v58 =	vadd.s32 v23, v45;
	v57 =	vld [tilespmem:s5+$0xFFFFFF20];
	[tilespmem:v17+s21+$0x0] =	vst.idx.msk $0xffff, v52  }
0x2cd: {  	v59 =	vld [tilespmem:s5+$0xFFFFFF60];
	[tilespmem:v15+s21+$0x0] =	vst.idx.msk $0xffff, v19  }
0x2ce: {  	v43 =	vadd.s32 v32, v42;
	v41 =	vld [tilespmem:s5+$0xFFFFFEF0];
	[tilespmem:v25+s21+$0x0] =	vst.idx.msk $0xffff, v24  }
0x2cf: {  	v56 =	vadd.s32 v22, v46;
	v55 =	vld [tilespmem:s5+$0xFFFFFFF0];
	[tilespmem:v16+s21+$0x0] =	vst.idx.msk $0xffff, v53  }
0x2d0: {  	[tilespmem:v20+s21+$0x0] =	vst.idx.msk $0xffff, v3;
	v3 =	vld [tilespmem:s5+$0xFFFFFFA0]  }
0x2d1: {  	v52 =	vadd.s32 v18, v50;
	[tilespmem:v58+s21+$0x0] =	vst.idx.msk $0xffff, v57;
	v51 =	vld [tilespmem:s5+$0xFFFFFE30]  }
0x2d2: {  	v34 =	vadd.s32 v27, v39;
	v26 =	vld [tilespmem:s5+$0xFFFFFE70];
	[tilespmem:v60+s21+$0x0] =	vst.idx.msk $0xffff, v59  }
0x2d3: {  	v37 =	vadd.s32 v29, v40;
	v36 =	vld [tilespmem:s5+$0xFFFFFEB0];
	[tilespmem:v43+s21+$0x0] =	vst.idx.msk $0xffff, v41  }
0x2d4: {  	v35 =	vadd.s32 v30, v46;
	v47 =	vadd.s32 v31, v38;
	v46 =	vld [tilespmem:s5+$0xFFFFFF70];
	[tilespmem:v56+s21+$0x0] =	vst.idx.msk $0xffff, v55  }
0x2d5: {  	v44 =	vadd.s32 v28, v45;
	[tilespmem:v61+s21+$0x0] =	vst.idx.msk $0xffff, v3;
	v3 =	vld [tilespmem:s5+$0xFFFFFF30]  }
0x2d6: {  	[tilespmem:v52+s21+$0x0] =	vst.idx.msk $0xffff, v51;
	v5 =	vld [tilespmem:s5+$0x0]  }
0x2d7: {  	v49 =	vadd.s32 v33, v6;
	[tilespmem:v34+s21+$0x0] =	vst.idx.msk $0xffff, v26;
	v48 =	vld [tilespmem:s5+$0xFFFFFFB0]  }
0x2d8: {  	v2 =	vadd.s32 v2, v50;
	[tilespmem:v37+s21+$0x0] =	vst.idx.msk $0xffff, v36;
	v61 =	vld [tilespmem:s5+$0xFFFFFE40]  }
0x2d9: {  	v7 =	vadd.s32 v7, v39;
	v53 =	vld [tilespmem:s5+$0xFFFFFE80];
	[tilespmem:v47+s21+$0x0] =	vst.idx.msk $0xffff, v46  }
0x2da: {  	v8 =	vadd.s32 v8, v40;
	v54 =	vld [tilespmem:s5+$0xFFFFFEC0];
	[tilespmem:v44+s21+$0x0] =	vst.idx.msk $0xffff, v3  }
0x2db: {  	v55 =	vadd.s32 v9, v42;
	v3 =	vld [tilespmem:s5+$0xFFFFFF00];
	[tilespmem:v35+s21+$0x0] =	vst.idx.msk $0xffff, v5  }
0x2dc: {  	v59 =	vadd.s32 v11, v38;
	v58 =	vld [tilespmem:s5+$0xFFFFFF80];
	[tilespmem:v49+s21+$0x0] =	vst.idx.msk $0xffff, v48  }
0x2dd: {  	v57 =	vadd.s32 v10, v45;
	v56 =	vld [tilespmem:s5+$0xFFFFFF40];
	[tilespmem:v2+s21+$0x0] =	vst.idx.msk $0xffff, v61  }
0x2de: {  	v6 =	vadd.s32 v12, v6;
	[tilespmem:v7+s21+$0x0] =	vst.idx.msk $0xffff, v53;
	v60 =	vld [tilespmem:s5+$0xFFFFFFC0]  }
0x2df: {  	[tilespmem:v8+s21+$0x0] =	vst.idx.msk $0xffff, v54  }
0x2e0: {  	[tilespmem:v55+s21+$0x0] =	vst.idx.msk $0xffff, v3  }
0x2e1: {  	[tilespmem:v59+s21+$0x0] =	vst.idx.msk $0xffff, v58  }
0x2e2: {  	[tilespmem:v57+s21+$0x0] =	vst.idx.msk $0xffff, v56  }
0x2e3: {  	s10 =	simm.s32 $0x15000;
	s12 =	sadd.s32 s0, s9;
	[tilespmem:v6+s21+$0x0] =	vst.idx.msk $0xffff, v60  }
0x2e4: {  	[hbm4b:s12+s3] =	stream.linear.scatter [tilespmem:s10], [sflag:$0x8], $0x80, $0x38;
	[tilespmem:$0x17400] =	vst v63  }
0x2e5: {  	s13 =	simm.s32 $0x15090;
	s5 =	sadd.s32 $0x10, s12  }
0x2e6: {  	[hbm4b:s5+s3] =	stream.linear.scatter [tilespmem:s13], [sflag:$0x8], $0x80, $0x38;
	[tilespmem:$0x17400] =	vst v63  }
0x2e7: {  	s16 =	simm.s32 $0x15120;
	s18 =	sadd.s32 $0x20, s12  }
0x2e8: {  	[hbm4b:s18+s3] =	stream.linear.scatter [tilespmem:s16], [sflag:$0x8], $0x80, $0x38;
	[tilespmem:$0x17400] =	vst v63  }
0x2e9: {  	s10 =	simm.s32 $0x151B0;
	s13 =	sadd.s32 $0x30, s12  }
0x2ea: {  	[hbm4b:s13+s3] =	stream.linear.scatter [tilespmem:s10], [sflag:$0x8], $0x80, $0x38;
	[tilespmem:$0x17400] =	vst v63  }
0x2eb: {  	s16 =	simm.s32 $0x15240;
	s18 =	sadd.s32 $0x40, s12  }
0x2ec: {  	[hbm4b:s18+s3] =	stream.linear.scatter [tilespmem:s16], [sflag:$0x8], $0x80, $0x38;
	[tilespmem:$0x17400] =	vst v63  }
0x2ed: {  	s0 =	simm.s32 $0x480;
	s10 =	simm.s32 $0x152D0;
	s13 =	sadd.s32 $0x50, s12  }
0x2ee: {  	[hbm4b:s13+s3] =	stream.linear.scatter [tilespmem:s10], [sflag:$0x8], $0x80, $0x38;
	[tilespmem:$0x17400] =	vst v63  }
0x2ef: {  	s5 =	simm.s32 $0x153F0;
	s16 =	simm.s32 $0x15360;
	s18 =	sadd.s32 $0x60, s12  }
0x2f0: {  	[hbm4b:s18+s3] =	stream.linear.scatter [tilespmem:s16], [sflag:$0x8], $0x80, $0x38;
	[tilespmem:$0x17400] =	vst v63  }
0x2f1: {  	s10 =	sadd.s32 $0x70, s12;
	s12 =	sadd.s32 $0x1000, s12;
	s16 =	simm.s32 $0x2400  }
.LBB2_29:
0x2f2: {  	[hbm4b:s10+s3] =	stream.linear.scatter [tilespmem:s5], [sflag:$0x8], $0x80, $0x38;
	[tilespmem:$0x17400] =	vst v63  }
0x2f3: {  	s5 =	smov.u32 s0;
	s0 =	smov.u32 s16  }
0x2f4: {  	s13 =	sadd.s32 $0x1200, s16;
	s0 =	sshra.s32 s0, $0x2;
	s10 =	sadd.s32 $0x15000, s5  }
0x2f5: {  	[hbm4b:s12+s3] =	stream.linear.scatter [tilespmem:s10], [sflag:$0x8], $0x80, $0x38;
	[tilespmem:$0x17400] =	vst v63  }
0x2f6: {  	p0 =	sne.s32 s16, $0x7E00;
	s16 =	sadd.s32 $0x10, s12;
	s10 =	sadd.s32 $0x15090, s5  }
0x2f7: {  	[hbm4b:s16+s3] =	stream.linear.scatter [tilespmem:s10], [sflag:$0x8], $0x80, $0x38;
	[tilespmem:$0x17400] =	vst v63  }
0x2f8: {  	s10 =	sadd.s32 $0x15120, s5;
	s16 =	sadd.s32 $0x20, s12  }
0x2f9: {  	[hbm4b:s16+s3] =	stream.linear.scatter [tilespmem:s10], [sflag:$0x8], $0x80, $0x38;
	[tilespmem:$0x17400] =	vst v63  }
0x2fa: {  	s10 =	sadd.s32 $0x151B0, s5;
	s16 =	sadd.s32 $0x30, s12  }
0x2fb: {  	[hbm4b:s16+s3] =	stream.linear.scatter [tilespmem:s10], [sflag:$0x8], $0x80, $0x38;
	[tilespmem:$0x17400] =	vst v63  }
0x2fc: {  	s10 =	sadd.s32 $0x15240, s5;
	s16 =	sadd.s32 $0x40, s12  }
0x2fd: {  	[hbm4b:s16+s3] =	stream.linear.scatter [tilespmem:s10], [sflag:$0x8], $0x80, $0x38;
	[tilespmem:$0x17400] =	vst v63  }
.Ltmp18:
0x2fe: {  	s10 =	sadd.s32 $0x152D0, s5;
	s16 =	sadd.s32 $0x50, s12;
	(pc) =	sbr.rel @p0 .LBB2_29-.Ltmp18, $4  }
0x2ff: {  	[hbm4b:s16+s3] =	stream.linear.scatter [tilespmem:s10], [sflag:$0x8], $0x80, $0x38;
	[tilespmem:$0x17400] =	vst v63  }
0x300: {  	s10 =	sadd.s32 $0x15360, s5;
	s16 =	sadd.s32 $0x60, s12;
	s5 =	sadd.s32 $0x153F0, s5  }
0x301: {  	[hbm4b:s16+s3] =	stream.linear.scatter [tilespmem:s10], [sflag:$0x8], $0x80, $0x38;
	[tilespmem:$0x17400] =	vst v63  }
0x302: {  	s10 =	sadd.s32 $0x70, s12;
	s12 =	sadd.s32 $0x1000, s12;
	s16 =	smov.u32 s13  }
0x303: {  	v30 =	vld [tilespmem:$0x1FE00]  }
0x304: {  	v31 =	vld [tilespmem:$0x1FE10]  }
0x305: {  	v32 =	vld [tilespmem:$0x1FE20]  }
0x306: {  	v33 =	vld [tilespmem:$0x1FE30]  }
0x307: {  	v34 =	vld [tilespmem:$0x1FE40]  }
0x308: {  	v35 =	vld [tilespmem:$0x1FE50]  }
0x309: {  	v36 =	vld [tilespmem:$0x1FE60]  }
0x30a: {  	v37 =	vld [tilespmem:$0x1FE70]  }
0x30b: {  	v38 =	vld [tilespmem:$0x1FE80]  }
0x30c: {  	v39 =	vld [tilespmem:$0x1FE90]  }
0x30d: {  	v40 =	vld [tilespmem:$0x1FEA0]  }
0x30e: {  	v41 =	vld [tilespmem:$0x1FEB0]  }
0x30f: {  	v42 =	vld [tilespmem:$0x1FEC0]  }
0x310: {  	v43 =	vld [tilespmem:$0x1FED0]  }
0x311: {  	[hbm4b:s10+s3] =	stream.linear.scatter [tilespmem:s5], [sflag:$0x8], $0x80, $0x38;
	v44 =	vld [tilespmem:$0x1FEE0]  }
0x312: {  	s13 =	sadd.s32 $0x15000, s0;
	v45 =	vld [tilespmem:$0x1FEF0]  }
0x313: {  	v46 =	vld [tilespmem:$0x1FF00];
	[hbm4b:s12+s3] =	stream.linear.scatter [tilespmem:s13], [sflag:$0x8], $0x80, $0x38  }
0x314: {  	s16 =	sadd.s32 $0x15090, s0;
	s18 =	sadd.s32 $0x10, s12;
	v47 =	vld [tilespmem:$0x1FF10]  }
0x315: {  	v48 =	vld [tilespmem:$0x1FF20];
	[hbm4b:s18+s3] =	stream.linear.scatter [tilespmem:s16], [sflag:$0x8], $0x80, $0x38  }
0x316: {  	s10 =	sadd.s32 $0x15120, s0;
	v49 =	vld [tilespmem:$0x1FF30];
	s13 =	sadd.s32 $0x20, s12  }
0x317: {  	v50 =	vld [tilespmem:$0x1FF40];
	[hbm4b:s13+s3] =	stream.linear.scatter [tilespmem:s10], [sflag:$0x8], $0x80, $0x38  }
0x318: {  	v51 =	vld [tilespmem:$0x1FF50];
	s16 =	sadd.s32 $0x151B0, s0;
	s18 =	sadd.s32 $0x30, s12  }
0x319: {  	v52 =	vld [tilespmem:$0x1FF60];
	[hbm4b:s18+s3] =	stream.linear.scatter [tilespmem:s16], [sflag:$0x8], $0x80, $0x38  }
0x31a: {  	v53 =	vld [tilespmem:$0x1FF70];
	s10 =	sadd.s32 $0x15240, s0;
	s13 =	sadd.s32 $0x40, s12  }
0x31b: {  	v54 =	vld [tilespmem:$0x1FF80];
	[hbm4b:s13+s3] =	stream.linear.scatter [tilespmem:s10], [sflag:$0x8], $0x80, $0x38  }
0x31c: {  	p0 =	seq.s32 s31, $0x31;
	v55 =	vld [tilespmem:$0x1FF90];
	s16 =	sadd.s32 $0x152D0, s0;
	s18 =	sadd.s32 $0x50, s12  }
0x31d: {  	v56 =	vld [tilespmem:$0x1FFA0];
	[hbm4b:s18+s3] =	stream.linear.scatter [tilespmem:s16], [sflag:$0x8], $0x80, $0x38  }
.Ltmp19:
0x31e: {  	v57 =	vld [tilespmem:$0x1FFB0];
	(pc) =	sbr.rel @p0 .LBB2_32-.Ltmp19, $4  }
0x31f: {  	v58 =	vld [tilespmem:$0x1FFC0];
	s10 =	sadd.s32 $0x15360, s0;
	s13 =	sadd.s32 $0x60, s12  }
0x320: {  	v59 =	vld [tilespmem:$0x1FFD0];
	[hbm4b:s13+s3] =	stream.linear.scatter [tilespmem:s10], [sflag:$0x8], $0x80, $0x38  }
0x321: {  	v60 =	vld [tilespmem:$0x1FFE0];
	s16 =	sadd.s32 $0x153F0, s0;
	s18 =	sadd.s32 $0x70, s12  }
0x322: {  	v61 =	vld [tilespmem:$0x1FFF0];
	[hbm4b:s18+s3] =	stream.linear.scatter [tilespmem:s16], [sflag:$0x8], $0x80, $0x38  }
.Ltmp20:
0x323: {  	(pc) =	sbr.rel .LBB2_2-.Ltmp20, $4  }
0x324: {  	_ = 	snop  }
0x325: {  	s0 =	sshrl.u32 s1, $0x2  }
0x326: {  	s31 =	sadd.s32 $0x1, s31;
	s0 =	sadd.s32 $0x380, s0  }
0x327: {  	[tilespmem:s19], [sflag:$0x4] =	stream.indirect.gather [hbm4b:s4+s11], $0x40, s0, s11, $0xb8;
	[tilespmem:$0x17400] =	vst v63  }
.LBB2_33:
0x328: {  	_ =	sfence.sel $0x180000  }
0x329: {  	[bflag:$0x0] =	sbarrier.arrive $0xFFFF  }
0x32a: {  	_ =	strace $0x90000047  }
0x32b: {  	s0 =	stileid.u32;
	[bflag:$0x2] =	sbarrier.arrive $0xFFFF  }
0x32c: {  	p0 =	sne.s32 s0, $0x0;
	s0 =	rddreg [dreg:$0x2]  }
0x32d: {  	s0 =	sadd.s32 @!p0 $0x100000, s0  }
0x32e: {  	[sflag:s0] =	ssyncadd.tile.s32 @!p0 $0x1;
	_ =	shalt  }
.Lfunc_end2:
_tile_overlayer_lowered:
.L_overlay_start_2:
0x32f: {  	(tag) =	ssettag $0x2  }
0x330: {  	s0 =	rddreg [dreg:$0x0];
	s2 =	stileid.u32  }
0x331: {  	s1 =	rddreg [dreg:$0x1];
	p0 =	sne.s32 s2, $0x0  }
0x332: {  	s3 =	rddreg [dreg:$0x2];
	[bflag:$0x3] =	sbarrier.arrive $0xFFFF;
	s2 =	simm.s32 @!p0 $0x1C09  }
0x333: {  	[timem:s3], [sflag:s2] =	dma.local @!p0 [hbm:s0], s1  }
0x334: {  	s0 =	simm.s32 @!p0 $0x9  }
0x335: {  	_ =	swait.ge @!p0 [sflag:s0], s1  }
0x336: {  	s1 =	ssub.s32 @!p0 $0x0, s1;
	[sflag:s0] =	ssyncset.done @!p0 $0x0  }
0x337: {  	[sflag:s0] =	ssyncadd.s32 @!p0 s1  }
0x338: {  	[bflag:$0x3] =	sbarrier.arrive $0xFFFF  }
0x339: {  	_ =	shalt  }

</sc_bundles>
